<compile_context>
chip_gen: v7x
topology: tpu7x:2x2x1
jax: 0.10.2.dev20260603
libtpu: 0.0.44.dev20260713+nightly
codegen_flags: <defaults>
</compile_context>

<pallas_src>
import functools

import jax
import jax.numpy as jnp
from jax import lax
from jax.experimental import pallas as pl
from jax.experimental.pallas import tpu as pltpu
from jax.experimental.pallas import tpu_sc as plsc

_DIM = 128
_WORDS = _DIM // 2
_GROUPS = _DIM // 32
_NC = 2
_NS = 16
_NW = _NC * _NS
_CHUNK = 128


@functools.lru_cache(maxsize=None)
def _make_gather(batch, seq):
    n_rows = batch * seq
    rows_per_w = n_rows // _NW
    n_chunks = rows_per_w // _CHUNK
    w_per_b = seq // rows_per_w
    mesh = plsc.VectorSubcoreMesh(core_axis_name="c", subcore_axis_name="s")
    n_buf = 4

    @functools.partial(
        pl.kernel,
        mesh=mesh,
        compiler_params=pltpu.CompilerParams(
            needs_layout_passes=False, use_tc_tiling_on_sc=False),
        out_type=[
            jax.ShapeDtypeStruct((batch, seq, 1, _DIM), jnp.float32),
            jax.ShapeDtypeStruct((batch, seq, 1, _DIM), jnp.float32),
        ],
        scratch_types=(
            [pltpu.VMEM((rows_per_w,), jnp.int32)]
            + [pltpu.VMEM((_CHUNK, _WORDS), jnp.int32)] * n_buf
            + [pltpu.VMEM((_CHUNK, _DIM), jnp.float32)] * n_buf
            + [pltpu.SemaphoreType.DMA] * (2 * n_buf)
        ),
    )
    def gather_kernel(cos_hbm, sin_hbm, idx_hbm, cos_out, sin_out,
                      idx_v, *bufs_and_sems):
        gbufs = bufs_and_sems[:n_buf]
        fbufs = bufs_and_sems[n_buf:2 * n_buf]
        gsems = bufs_and_sems[2 * n_buf:3 * n_buf]
        wsems = bufs_and_sems[3 * n_buf:]
        wid = lax.axis_index("s") * _NC + lax.axis_index("c")
        b = wid // w_per_b
        s0 = (wid % w_per_b) * rows_per_w
        pltpu.sync_copy(idx_hbm.at[b, pl.ds(s0, rows_per_w)], idx_v)

        steps = []
        for table, out in ((cos_hbm, cos_out), (sin_hbm, sin_out)):
            for c in range(n_chunks):
                steps.append((table, out, c))
        n = len(steps)

        ghandles = [None] * n
        whandles = [None] * n

        def start_gather(i):
            table, _, c = steps[i]
            ghandles[i] = pltpu.async_copy(
                table.at[idx_v.at[pl.ds(c * _CHUNK, _CHUNK)]],
                gbufs[i % n_buf], gsems[i % n_buf])

        col_even = [jnp.arange(16, dtype=jnp.int32) * 2 + 32 * g
                    for g in range(_GROUPS)]
        col_odd = [c + 1 for c in col_even]

        def convert(gbuf, fbuf):
            @plsc.parallel_loop(0, _CHUNK, unroll=4)
            def _row(r):
                row = jnp.full((16,), r, jnp.int32)
                for g in range(_GROUPS):
                    w = gbuf[r, pl.ds(g * 16, 16)]
                    lo = plsc.bitcast(w << 16, jnp.float32)
                    hi = plsc.bitcast(w & jnp.int32(-65536), jnp.float32)
                    plsc.store_scatter(fbuf, [row, col_even[g]], lo)
                    plsc.store_scatter(fbuf, [row, col_odd[g]], hi)

        for i in range(min(n_buf, n)):
            start_gather(i)
        for i in range(n):
            _, out, c = steps[i]
            ghandles[i].wait()
            if i >= n_buf:
                whandles[i - n_buf].wait()
            convert(gbufs[i % n_buf], fbufs[i % n_buf])
            whandles[i] = pltpu.async_copy(
                fbufs[i % n_buf],
                out.at[b, pl.ds(s0 + c * _CHUNK, _CHUNK), 0],
                wsems[i % n_buf])
            if i + n_buf < n:
                start_gather(i + n_buf)
        for i in range(max(0, n - n_buf), n):
            whandles[i].wait()

    return gather_kernel


def _pack_pairs(table):
    v, d = table.shape
    return jax.lax.bitcast_convert_type(
        table.reshape(v, d // 2, 2), jnp.int32)


def kernel(x, pos_ids, cos_cached, sin_cached):
    b, s = pos_ids.shape
    cos_t = _pack_pairs(cos_cached)
    sin_t = _pack_pairs(sin_cached)
    idx = pos_ids.astype(jnp.int32)
    cos_r, sin_r = _make_gather(b, s)(cos_t, sin_t, idx)
    return (cos_r, sin_r)

# --- scband reference (transcript-rebuilt; emitter-appended) ---
"""Pipeline reference for scband-rotary-embedding-2594160247011 (READ-ONLY COPY).

The authoritative reference and input builder live on the scoring server;
editing this copy changes nothing except your own understanding.
"""

import jax, jax.numpy as jnp
import numpy as np

DIM = 128
MAX_SEQ_LEN = 6000
BATCH = 4
SEQ = 4096
HEADS = 16


def _build_cache():
    inv_freq = 1.0 / (10000.0 ** (np.arange(0, DIM, 2).astype(np.float32) / DIM))
    t = np.arange(MAX_SEQ_LEN, dtype=np.float32)
    freqs = np.outer(t, inv_freq)
    emb = np.concatenate([freqs, freqs], axis=-1)
    cos_cached = jnp.asarray(np.cos(emb), dtype=jnp.bfloat16)
    sin_cached = jnp.asarray(np.sin(emb), dtype=jnp.bfloat16)
    return cos_cached, sin_cached


def setup_inputs(seed: int = 0) -> dict:
    key = jax.random.key(seed)
    k1, k2 = jax.random.split(key)
    x = jax.random.normal(k1, (BATCH, SEQ, HEADS, DIM), dtype=jnp.float32)
    pos_ids = jax.random.randint(k2, (BATCH, SEQ), 0, SEQ)
    cos_cached, sin_cached = _build_cache()
    return {"x": x, "pos_ids": pos_ids, "cos_cached": cos_cached, "sin_cached": sin_cached}


def reference(x, pos_ids, cos_cached, sin_cached):
    # F.embedding(pos_ids, cache) == row gather from the cache table
    cos = jnp.take(cos_cached, pos_ids, axis=0).astype(x.dtype)
    sin = jnp.take(sin_cached, pos_ids, axis=0).astype(x.dtype)
    return (cos[:, :, None, :], sin[:, :, None, :])

if __name__ == "__main__":
    import jax
    _d = setup_inputs()
    print(jax.jit(kernel)(*tuple(_d.values())))

</pallas_src>

<mosaic_0001>
#map = affine_map<(d0, d1) -> (0, 0)>
#map1 = affine_map<(d0, d1) -> (0, 0, 0, 0)>
module attributes {stable_mosaic.version = 14 : i64} {
  func.func @gather_kernel(%arg0: i32, %arg1: i32, %arg2: memref<6000x64xi32, #tpu.memory_space<hbm>>, %arg3: memref<6000x64xi32, #tpu.memory_space<hbm>>, %arg4: memref<4x4096xi32, #tpu.memory_space<hbm>>, %arg5: memref<4x4096x1x128xf32, #tpu.memory_space<hbm>>, %arg6: memref<4x4096x1x128xf32, #tpu.memory_space<hbm>>, %arg7: memref<512xi32, #tpu.memory_space<vmem>>, %arg8: memref<128x64xi32, #tpu.memory_space<vmem>>, %arg9: memref<128x64xi32, #tpu.memory_space<vmem>>, %arg10: memref<128x64xi32, #tpu.memory_space<vmem>>, %arg11: memref<128x64xi32, #tpu.memory_space<vmem>>, %arg12: memref<128x128xf32, #tpu.memory_space<vmem>>, %arg13: memref<128x128xf32, #tpu.memory_space<vmem>>, %arg14: memref<128x128xf32, #tpu.memory_space<vmem>>, %arg15: memref<128x128xf32, #tpu.memory_space<vmem>>, %arg16: memref<!tpu.dma_semaphore, #tpu.memory_space<semaphore_mem>>, %arg17: memref<!tpu.dma_semaphore, #tpu.memory_space<semaphore_mem>>, %arg18: memref<!tpu.dma_semaphore, #tpu.memory_space<semaphore_mem>>, %arg19: memref<!tpu.dma_semaphore, #tpu.memory_space<semaphore_mem>>, %arg20: memref<!tpu.dma_semaphore, #tpu.memory_space<semaphore_mem>>, %arg21: memref<!tpu.dma_semaphore, #tpu.memory_space<semaphore_mem>>, %arg22: memref<!tpu.dma_semaphore, #tpu.memory_space<semaphore_mem>>, %arg23: memref<!tpu.dma_semaphore, #tpu.memory_space<semaphore_mem>>) attributes {dimension_semantics = [#tpu.dimension_semantics<core_parallel>, #tpu.dimension_semantics<subcore_parallel>], iteration_bounds = array<i64: 2, 16>, scalar_prefetch = 0 : i64, scratch_operands = 17 : i64, tpu.core_type = #tpu.core_type<sc_vector_subcore>, window_params = [{transform_indices = #map}, {transform_indices = #map}, {transform_indices = #map}, {transform_indices = #map1}, {transform_indices = #map1}]} {
    %mul3A = arith.constant 2 : i32
    %mul3A_0 = arith.muli %arg1, %mul3A : i32
    %add3A = arith.addi %mul3A_0, %arg0 : i32
    %jit3A = arith.constant 8 : i32
    %div3A = arith.divsi %add3A, %jit3A : i32
    %sign3A = arith.constant 0 : i32
    %sign3A_1 = arith.cmpi sgt, %add3A, %sign3A : i32
    %sign3A_2 = arith.extui %sign3A_1 : i1 to i32
    %sign3A_3 = arith.constant 0 : i32
    %sign3A_4 = arith.cmpi slt, %add3A, %sign3A_3 : i32
    %sign3A_5 = arith.extui %sign3A_4 : i1 to i32
    %sign3A_6 = arith.subi %sign3A_2, %sign3A_5 : i32
    %sign3A_7 = arith.constant 0 : i32
    %sign3A_8 = arith.cmpi sgt, %jit3A, %sign3A_7 : i32
    %sign3A_9 = arith.extui %sign3A_8 : i1 to i32
    %sign3A_10 = arith.constant 0 : i32
    %sign3A_11 = arith.cmpi slt, %jit3A, %sign3A_10 : i32
    %sign3A_12 = arith.extui %sign3A_11 : i1 to i32
    %sign3A_13 = arith.subi %sign3A_9, %sign3A_12 : i32
    %ne3A = arith.cmpi ne, %sign3A_6, %sign3A_13 : i32
    %rem3A = arith.remsi %add3A, %jit3A : i32
    %ne3A_14 = arith.constant 0 : i32
    %ne3A_15 = arith.cmpi ne, %rem3A, %ne3A_14 : i32
    %and3A = arith.andi %ne3A, %ne3A_15 : i1
    %sub3A = arith.constant 1 : i32
    %sub3A_16 = arith.subi %div3A, %sub3A : i32
    %select_n3A = arith.select %and3A, %sub3A_16, %div3A : i32
    %jit3A_17 = arith.constant 8 : i32
    %eq3A = arith.constant 0 : i32
    %eq3A_18 = arith.cmpi eq, %jit3A_17, %eq3A : i32
    %jit3A_19 = arith.constant 1 : i32
    %select_n3A_20 = arith.select %eq3A_18, %jit3A_19, %jit3A_17 : i32
    %rem3A_21 = arith.remsi %add3A, %select_n3A_20 : i32
    %ne3A_22 = arith.constant 0 : i32
    %ne3A_23 = arith.cmpi ne, %rem3A_21, %ne3A_22 : i32
    %lt3A = arith.constant 0 : i32
    %lt3A_24 = arith.cmpi slt, %rem3A_21, %lt3A : i32
    %lt3A_25 = arith.constant 0 : i32
    %lt3A_26 = arith.cmpi slt, %select_n3A_20, %lt3A_25 : i32
    %ne3A_27 = arith.xori %lt3A_24, %lt3A_26 : i1
    %and3A_28 = arith.andi %ne3A_27, %ne3A_23 : i1
    %add3A_29 = arith.addi %rem3A_21, %select_n3A_20 : i32
    %select_n3A_30 = arith.select %and3A_28, %add3A_29, %rem3A_21 : i32
    %mul3A_31 = arith.constant 512 : i32
    %mul3A_32 = arith.muli %select_n3A_30, %mul3A_31 : i32
    "tpu.region"() ({
      %run_scoped3A = tpu.sem_alloc : memref<!tpu.dma_semaphore, #tpu.memory_space<semaphore_mem>>
      %dma_start3A_301 = tpu.memref_slice %arg4[%select_n3A, %mul3A_32] : memref<4x4096xi32, #tpu.memory_space<hbm>> -> memref<1x512xi32, #tpu.memory_space<hbm>>
      %dma_start3A_302 = tpu.memref_squeeze %dma_start3A_301 : memref<1x512xi32, #tpu.memory_space<hbm>> -> memref<512xi32, #tpu.memory_space<hbm>>
      %dma_start3A_303 = tpu.memref_slice %arg4[%select_n3A, %mul3A_32] : memref<4x4096xi32, #tpu.memory_space<hbm>> -> memref<1x512xi32, #tpu.memory_space<hbm>>
      %dma_start3A_304 = tpu.memref_squeeze %dma_start3A_303 : memref<1x512xi32, #tpu.memory_space<hbm>> -> memref<512xi32, #tpu.memory_space<hbm>>
      tpu.enqueue_dma source(%dma_start3A_304 : memref<512xi32, #tpu.memory_space<hbm>>) target(%arg7 : memref<512xi32, #tpu.memory_space<vmem>>) target_semaphore(%run_scoped3A : memref<!tpu.dma_semaphore, #tpu.memory_space<semaphore_mem>>)
      %dma_wait3A_305 = tpu.memref_slice %arg4[%select_n3A, %mul3A_32] : memref<4x4096xi32, #tpu.memory_space<hbm>> -> memref<1x512xi32, #tpu.memory_space<hbm>>
      %dma_wait3A_306 = tpu.memref_squeeze %dma_wait3A_305 : memref<1x512xi32, #tpu.memory_space<hbm>> -> memref<512xi32, #tpu.memory_space<hbm>>
      %dma_wait3A_307 = tpu.memref_slice %arg4[%select_n3A, %mul3A_32] : memref<4x4096xi32, #tpu.memory_space<hbm>> -> memref<1x512xi32, #tpu.memory_space<hbm>>
      %dma_wait3A_308 = tpu.memref_squeeze %dma_wait3A_307 : memref<1x512xi32, #tpu.memory_space<hbm>> -> memref<512xi32, #tpu.memory_space<hbm>>
      tpu.wait_dma2 semaphore(%run_scoped3A : memref<!tpu.dma_semaphore, #tpu.memory_space<semaphore_mem>>) src(%dma_wait3A_308 : memref<512xi32, #tpu.memory_space<hbm>>) dst(%arg7 : memref<512xi32, #tpu.memory_space<vmem>>)
      tpu.yield
    }) : () -> ()
    %iota3A = tpu.iota {dimensions = array<i32: 0>} : vector<16xi32>
    %mul3A_33 = arith.constant 2 : i32
    %mul3A_34 = vector.broadcast %mul3A_33 : i32 to vector<16xi32>
    %mul3A_35 = arith.muli %iota3A, %mul3A_34 : vector<16xi32>
    %add3A_36 = arith.constant 0 : i32
    %add3A_37 = vector.broadcast %add3A_36 : i32 to vector<16xi32>
    %add3A_38 = arith.addi %mul3A_35, %add3A_37 : vector<16xi32>
    %iota3A_39 = tpu.iota {dimensions = array<i32: 0>} : vector<16xi32>
    %mul3A_40 = arith.constant 2 : i32
    %mul3A_41 = vector.broadcast %mul3A_40 : i32 to vector<16xi32>
    %mul3A_42 = arith.muli %iota3A_39, %mul3A_41 : vector<16xi32>
    %add3A_43 = arith.constant 32 : i32
    %add3A_44 = vector.broadcast %add3A_43 : i32 to vector<16xi32>
    %add3A_45 = arith.addi %mul3A_42, %add3A_44 : vector<16xi32>
    %iota3A_46 = tpu.iota {dimensions = array<i32: 0>} : vector<16xi32>
    %mul3A_47 = arith.constant 2 : i32
    %mul3A_48 = vector.broadcast %mul3A_47 : i32 to vector<16xi32>
    %mul3A_49 = arith.muli %iota3A_46, %mul3A_48 : vector<16xi32>
    %add3A_50 = arith.constant 64 : i32
    %add3A_51 = vector.broadcast %add3A_50 : i32 to vector<16xi32>
    %add3A_52 = arith.addi %mul3A_49, %add3A_51 : vector<16xi32>
    %iota3A_53 = tpu.iota {dimensions = array<i32: 0>} : vector<16xi32>
    %mul3A_54 = arith.constant 2 : i32
    %mul3A_55 = vector.broadcast %mul3A_54 : i32 to vector<16xi32>
    %mul3A_56 = arith.muli %iota3A_53, %mul3A_55 : vector<16xi32>
    %add3A_57 = arith.constant 96 : i32
    %add3A_58 = vector.broadcast %add3A_57 : i32 to vector<16xi32>
    %add3A_59 = arith.addi %mul3A_56, %add3A_58 : vector<16xi32>
    %add3A_60 = arith.constant 1 : i32
    %add3A_61 = vector.broadcast %add3A_60 : i32 to vector<16xi32>
    %add3A_62 = arith.addi %add3A_38, %add3A_61 : vector<16xi32>
    %add3A_63 = arith.constant 1 : i32
    %add3A_64 = vector.broadcast %add3A_63 : i32 to vector<16xi32>
    %add3A_65 = arith.addi %add3A_45, %add3A_64 : vector<16xi32>
    %add3A_66 = arith.constant 1 : i32
    %add3A_67 = vector.broadcast %add3A_66 : i32 to vector<16xi32>
    %add3A_68 = arith.addi %add3A_52, %add3A_67 : vector<16xi32>
    %add3A_69 = arith.constant 1 : i32
    %add3A_70 = vector.broadcast %add3A_69 : i32 to vector<16xi32>
    %add3A_71 = arith.addi %add3A_59, %add3A_70 : vector<16xi32>
    %dma_start3A = arith.constant 0 : i32
    %dma_start3A_72 = tpu.memref_slice %arg7[%dma_start3A] : memref<512xi32, #tpu.memory_space<vmem>> -> memref<128xi32, #tpu.memory_space<vmem>>
    %dma_start3A_73 = arith.constant 0 : i32
    %dma_start3A_74 = arith.constant 0 : i32
    %dma_start3A_75 = tpu.memref_slice %arg2[%dma_start3A_73, %dma_start3A_74] : memref<6000x64xi32, #tpu.memory_space<hbm>> -> memref<6000x64xi32, #tpu.memory_space<hbm>>
    tpu.enqueue_indirect_dma source(%dma_start3A_75 : memref<6000x64xi32, #tpu.memory_space<hbm>>) target(%arg8 : memref<128x64xi32, #tpu.memory_space<vmem>>) offsets(%dma_start3A_72 : memref<128xi32, #tpu.memory_space<vmem>>) semaphore(%arg16 : memref<!tpu.dma_semaphore, #tpu.memory_space<semaphore_mem>>)
    %dma_start3A_76 = arith.constant 128 : i32
    %dma_start3A_77 = tpu.memref_slice %arg7[%dma_start3A_76] : memref<512xi32, #tpu.memory_space<vmem>> -> memref<128xi32, #tpu.memory_space<vmem>>
    %dma_start3A_78 = arith.constant 0 : i32
    %dma_start3A_79 = arith.constant 0 : i32
    %dma_start3A_80 = tpu.memref_slice %arg2[%dma_start3A_78, %dma_start3A_79] : memref<6000x64xi32, #tpu.memory_space<hbm>> -> memref<6000x64xi32, #tpu.memory_space<hbm>>
    tpu.enqueue_indirect_dma source(%dma_start3A_80 : memref<6000x64xi32, #tpu.memory_space<hbm>>) target(%arg9 : memref<128x64xi32, #tpu.memory_space<vmem>>) offsets(%dma_start3A_77 : memref<128xi32, #tpu.memory_space<vmem>>) semaphore(%arg17 : memref<!tpu.dma_semaphore, #tpu.memory_space<semaphore_mem>>)
    %dma_start3A_81 = arith.constant 256 : i32
    %dma_start3A_82 = tpu.memref_slice %arg7[%dma_start3A_81] : memref<512xi32, #tpu.memory_space<vmem>> -> memref<128xi32, #tpu.memory_space<vmem>>
    %dma_start3A_83 = arith.constant 0 : i32
    %dma_start3A_84 = arith.constant 0 : i32
    %dma_start3A_85 = tpu.memref_slice %arg2[%dma_start3A_83, %dma_start3A_84] : memref<6000x64xi32, #tpu.memory_space<hbm>> -> memref<6000x64xi32, #tpu.memory_space<hbm>>
    tpu.enqueue_indirect_dma source(%dma_start3A_85 : memref<6000x64xi32, #tpu.memory_space<hbm>>) target(%arg10 : memref<128x64xi32, #tpu.memory_space<vmem>>) offsets(%dma_start3A_82 : memref<128xi32, #tpu.memory_space<vmem>>) semaphore(%arg18 : memref<!tpu.dma_semaphore, #tpu.memory_space<semaphore_mem>>)
    %dma_start3A_86 = arith.constant 384 : i32
    %dma_start3A_87 = tpu.memref_slice %arg7[%dma_start3A_86] : memref<512xi32, #tpu.memory_space<vmem>> -> memref<128xi32, #tpu.memory_space<vmem>>
    %dma_start3A_88 = arith.constant 0 : i32
    %dma_start3A_89 = arith.constant 0 : i32
    %dma_start3A_90 = tpu.memref_slice %arg2[%dma_start3A_88, %dma_start3A_89] : memref<6000x64xi32, #tpu.memory_space<hbm>> -> memref<6000x64xi32, #tpu.memory_space<hbm>>
    tpu.enqueue_indirect_dma source(%dma_start3A_90 : memref<6000x64xi32, #tpu.memory_space<hbm>>) target(%arg11 : memref<128x64xi32, #tpu.memory_space<vmem>>) offsets(%dma_start3A_87 : memref<128xi32, #tpu.memory_space<vmem>>) semaphore(%arg19 : memref<!tpu.dma_semaphore, #tpu.memory_space<semaphore_mem>>)
    %dma_wait3A = arith.constant 0 : i32
    %dma_wait3A_91 = tpu.memref_slice %arg7[%dma_wait3A] : memref<512xi32, #tpu.memory_space<vmem>> -> memref<128xi32, #tpu.memory_space<vmem>>
    %dma_wait3A_92 = arith.constant 0 : i32
    %dma_wait3A_93 = arith.constant 0 : i32
    %dma_wait3A_94 = tpu.memref_slice %arg2[%dma_wait3A_92, %dma_wait3A_93] : memref<6000x64xi32, #tpu.memory_space<hbm>> -> memref<6000x64xi32, #tpu.memory_space<hbm>>
    tpu.wait_indirect_dma semaphore(%arg16 : memref<!tpu.dma_semaphore, #tpu.memory_space<semaphore_mem>>) src(%dma_wait3A_94 : memref<6000x64xi32, #tpu.memory_space<hbm>>) dst(%arg8 : memref<128x64xi32, #tpu.memory_space<vmem>>)
    %parallel_loop3A = arith.constant 0 : i32
    %parallel_loop3A_95 = arith.constant 128 : i32
    %parallel_loop3A_96 = arith.constant 1 : i32
    scf.for %parallel_loop3A_301 = %parallel_loop3A to %parallel_loop3A_95 step %parallel_loop3A_96  : i32 {
      %parallel_loop3A_302 = vector.broadcast %parallel_loop3A_301 : i32 to vector<16xi32>
      %parallel_loop3A_303 = arith.index_cast %parallel_loop3A_301 : i32 to index
      %parallel_loop3A_304 = arith.constant 0 : index
      %parallel_loop3A_305 = tpu.vector_load %arg8[%parallel_loop3A_303, %parallel_loop3A_304] {strides = array<i32>} : memref<128x64xi32, #tpu.memory_space<vmem>>, vector<16xi32>,
      %parallel_loop3A_306 = arith.constant 16 : i32
      %parallel_loop3A_307 = vector.broadcast %parallel_loop3A_306 : i32 to vector<16xi32>
      %parallel_loop3A_308 = arith.shli %parallel_loop3A_305, %parallel_loop3A_307 : vector<16xi32>
      %parallel_loop3A_309 = vector.bitcast %parallel_loop3A_308 : vector<16xi32> to vector<16xf32>
      %parallel_loop3A_310 = arith.constant -65536 : i32
      %parallel_loop3A_311 = vector.broadcast %parallel_loop3A_310 : i32 to vector<16xi32>
      %parallel_loop3A_312 = arith.andi %parallel_loop3A_305, %parallel_loop3A_311 : vector<16xi32>
      %parallel_loop3A_313 = vector.bitcast %parallel_loop3A_312 : vector<16xi32> to vector<16xf32>
      tpu.vector_store_idx %arg12[%parallel_loop3A_302, %add3A_38], %parallel_loop3A_309 : memref<128x128xf32, #tpu.memory_space<vmem>>[vector<16xi32>, vector<16xi32>], vector<16xf32>,
      tpu.vector_store_idx %arg12[%parallel_loop3A_302, %add3A_62], %parallel_loop3A_313 : memref<128x128xf32, #tpu.memory_space<vmem>>[vector<16xi32>, vector<16xi32>], vector<16xf32>,
      %parallel_loop3A_314 = arith.index_cast %parallel_loop3A_301 : i32 to index
      %parallel_loop3A_315 = arith.constant 16 : index
      %parallel_loop3A_316 = tpu.vector_load %arg8[%parallel_loop3A_314, %parallel_loop3A_315] {strides = array<i32>} : memref<128x64xi32, #tpu.memory_space<vmem>>, vector<16xi32>,
      %parallel_loop3A_317 = arith.constant 16 : i32
      %parallel_loop3A_318 = vector.broadcast %parallel_loop3A_317 : i32 to vector<16xi32>
      %parallel_loop3A_319 = arith.shli %parallel_loop3A_316, %parallel_loop3A_318 : vector<16xi32>
      %parallel_loop3A_320 = vector.bitcast %parallel_loop3A_319 : vector<16xi32> to vector<16xf32>
      %parallel_loop3A_321 = arith.constant -65536 : i32
      %parallel_loop3A_322 = vector.broadcast %parallel_loop3A_321 : i32 to vector<16xi32>
      %parallel_loop3A_323 = arith.andi %parallel_loop3A_316, %parallel_loop3A_322 : vector<16xi32>
      %parallel_loop3A_324 = vector.bitcast %parallel_loop3A_323 : vector<16xi32> to vector<16xf32>
      tpu.vector_store_idx %arg12[%parallel_loop3A_302, %add3A_45], %parallel_loop3A_320 : memref<128x128xf32, #tpu.memory_space<vmem>>[vector<16xi32>, vector<16xi32>], vector<16xf32>,
      tpu.vector_store_idx %arg12[%parallel_loop3A_302, %add3A_65], %parallel_loop3A_324 : memref<128x128xf32, #tpu.memory_space<vmem>>[vector<16xi32>, vector<16xi32>], vector<16xf32>,
      %parallel_loop3A_325 = arith.index_cast %parallel_loop3A_301 : i32 to index
      %parallel_loop3A_326 = arith.constant 32 : index
      %parallel_loop3A_327 = tpu.vector_load %arg8[%parallel_loop3A_325, %parallel_loop3A_326] {strides = array<i32>} : memref<128x64xi32, #tpu.memory_space<vmem>>, vector<16xi32>,
      %parallel_loop3A_328 = arith.constant 16 : i32
      %parallel_loop3A_329 = vector.broadcast %parallel_loop3A_328 : i32 to vector<16xi32>
      %parallel_loop3A_330 = arith.shli %parallel_loop3A_327, %parallel_loop3A_329 : vector<16xi32>
      %parallel_loop3A_331 = vector.bitcast %parallel_loop3A_330 : vector<16xi32> to vector<16xf32>
      %parallel_loop3A_332 = arith.constant -65536 : i32
      %parallel_loop3A_333 = vector.broadcast %parallel_loop3A_332 : i32 to vector<16xi32>
      %parallel_loop3A_334 = arith.andi %parallel_loop3A_327, %parallel_loop3A_333 : vector<16xi32>
      %parallel_loop3A_335 = vector.bitcast %parallel_loop3A_334 : vector<16xi32> to vector<16xf32>
      tpu.vector_store_idx %arg12[%parallel_loop3A_302, %add3A_52], %parallel_loop3A_331 : memref<128x128xf32, #tpu.memory_space<vmem>>[vector<16xi32>, vector<16xi32>], vector<16xf32>,
      tpu.vector_store_idx %arg12[%parallel_loop3A_302, %add3A_68], %parallel_loop3A_335 : memref<128x128xf32, #tpu.memory_space<vmem>>[vector<16xi32>, vector<16xi32>], vector<16xf32>,
      %parallel_loop3A_336 = arith.index_cast %parallel_loop3A_301 : i32 to index
      %parallel_loop3A_337 = arith.constant 48 : index
      %parallel_loop3A_338 = tpu.vector_load %arg8[%parallel_loop3A_336, %parallel_loop3A_337] {strides = array<i32>} : memref<128x64xi32, #tpu.memory_space<vmem>>, vector<16xi32>,
      %parallel_loop3A_339 = arith.constant 16 : i32
      %parallel_loop3A_340 = vector.broadcast %parallel_loop3A_339 : i32 to vector<16xi32>
      %parallel_loop3A_341 = arith.shli %parallel_loop3A_338, %parallel_loop3A_340 : vector<16xi32>
      %parallel_loop3A_342 = vector.bitcast %parallel_loop3A_341 : vector<16xi32> to vector<16xf32>
      %parallel_loop3A_343 = arith.constant -65536 : i32
      %parallel_loop3A_344 = vector.broadcast %parallel_loop3A_343 : i32 to vector<16xi32>
      %parallel_loop3A_345 = arith.andi %parallel_loop3A_338, %parallel_loop3A_344 : vector<16xi32>
      %parallel_loop3A_346 = vector.bitcast %parallel_loop3A_345 : vector<16xi32> to vector<16xf32>
      tpu.vector_store_idx %arg12[%parallel_loop3A_302, %add3A_59], %parallel_loop3A_342 : memref<128x128xf32, #tpu.memory_space<vmem>>[vector<16xi32>, vector<16xi32>], vector<16xf32>,
      tpu.vector_store_idx %arg12[%parallel_loop3A_302, %add3A_71], %parallel_loop3A_346 : memref<128x128xf32, #tpu.memory_space<vmem>>[vector<16xi32>, vector<16xi32>], vector<16xf32>,
    } {sc.loop_unroll_factor = 4 : i64, sc.parallel_access}
    %add3A_97 = arith.constant 0 : i32
    %add3A_98 = arith.addi %mul3A_32, %add3A_97 : i32
    %dma_start3A_99 = arith.constant 0 : i32
    %dma_start3A_100 = arith.constant 0 : i32
    %dma_start3A_101 = tpu.memref_slice %arg5[%select_n3A, %add3A_98, %dma_start3A_99, %dma_start3A_100] : memref<4x4096x1x128xf32, #tpu.memory_space<hbm>> -> memref<1x128x1x128xf32, #tpu.memory_space<hbm>>
    %dma_start3A_102 = tpu.memref_squeeze %dma_start3A_101 : memref<1x128x1x128xf32, #tpu.memory_space<hbm>> -> memref<128x128xf32, #tpu.memory_space<hbm>>
    %dma_start3A_103 = arith.constant 0 : i32
    %dma_start3A_104 = tpu.memref_slice %arg5[%select_n3A, %add3A_98, %dma_start3A_99, %dma_start3A_103] : memref<4x4096x1x128xf32, #tpu.memory_space<hbm>> -> memref<1x128x1x128xf32, #tpu.memory_space<hbm>>
    %dma_start3A_105 = tpu.memref_squeeze %dma_start3A_104 : memref<1x128x1x128xf32, #tpu.memory_space<hbm>> -> memref<128x128xf32, #tpu.memory_space<hbm>>
    tpu.enqueue_dma source(%arg12 : memref<128x128xf32, #tpu.memory_space<vmem>>) target(%dma_start3A_105 : memref<128x128xf32, #tpu.memory_space<hbm>>) target_semaphore(%arg20 : memref<!tpu.dma_semaphore, #tpu.memory_space<semaphore_mem>>)
    %dma_start3A_106 = arith.constant 0 : i32
    %dma_start3A_107 = tpu.memref_slice %arg7[%dma_start3A_106] : memref<512xi32, #tpu.memory_space<vmem>> -> memref<128xi32, #tpu.memory_space<vmem>>
    %dma_start3A_108 = arith.constant 0 : i32
    %dma_start3A_109 = arith.constant 0 : i32
    %dma_start3A_110 = tpu.memref_slice %arg3[%dma_start3A_108, %dma_start3A_109] : memref<6000x64xi32, #tpu.memory_space<hbm>> -> memref<6000x64xi32, #tpu.memory_space<hbm>>
    tpu.enqueue_indirect_dma source(%dma_start3A_110 : memref<6000x64xi32, #tpu.memory_space<hbm>>) target(%arg8 : memref<128x64xi32, #tpu.memory_space<vmem>>) offsets(%dma_start3A_107 : memref<128xi32, #tpu.memory_space<vmem>>) semaphore(%arg16 : memref<!tpu.dma_semaphore, #tpu.memory_space<semaphore_mem>>)
    %dma_wait3A_111 = arith.constant 128 : i32
    %dma_wait3A_112 = tpu.memref_slice %arg7[%dma_wait3A_111] : memref<512xi32, #tpu.memory_space<vmem>> -> memref<128xi32, #tpu.memory_space<vmem>>
    %dma_wait3A_113 = arith.constant 0 : i32
    %dma_wait3A_114 = arith.constant 0 : i32
    %dma_wait3A_115 = tpu.memref_slice %arg2[%dma_wait3A_113, %dma_wait3A_114] : memref<6000x64xi32, #tpu.memory_space<hbm>> -> memref<6000x64xi32, #tpu.memory_space<hbm>>
    tpu.wait_indirect_dma semaphore(%arg17 : memref<!tpu.dma_semaphore, #tpu.memory_space<semaphore_mem>>) src(%dma_wait3A_115 : memref<6000x64xi32, #tpu.memory_space<hbm>>) dst(%arg9 : memref<128x64xi32, #tpu.memory_space<vmem>>)
    %parallel_loop3A_116 = arith.constant 0 : i32
    %parallel_loop3A_117 = arith.constant 128 : i32
    %parallel_loop3A_118 = arith.constant 1 : i32
    scf.for %parallel_loop3A_301 = %parallel_loop3A_116 to %parallel_loop3A_117 step %parallel_loop3A_118  : i32 {
      %parallel_loop3A_302 = vector.broadcast %parallel_loop3A_301 : i32 to vector<16xi32>
      %parallel_loop3A_303 = arith.index_cast %parallel_loop3A_301 : i32 to index
      %parallel_loop3A_304 = arith.constant 0 : index
      %parallel_loop3A_305 = tpu.vector_load %arg9[%parallel_loop3A_303, %parallel_loop3A_304] {strides = array<i32>} : memref<128x64xi32, #tpu.memory_space<vmem>>, vector<16xi32>,
      %parallel_loop3A_306 = arith.constant 16 : i32
      %parallel_loop3A_307 = vector.broadcast %parallel_loop3A_306 : i32 to vector<16xi32>
      %parallel_loop3A_308 = arith.shli %parallel_loop3A_305, %parallel_loop3A_307 : vector<16xi32>
      %parallel_loop3A_309 = vector.bitcast %parallel_loop3A_308 : vector<16xi32> to vector<16xf32>
      %parallel_loop3A_310 = arith.constant -65536 : i32
      %parallel_loop3A_311 = vector.broadcast %parallel_loop3A_310 : i32 to vector<16xi32>
      %parallel_loop3A_312 = arith.andi %parallel_loop3A_305, %parallel_loop3A_311 : vector<16xi32>
      %parallel_loop3A_313 = vector.bitcast %parallel_loop3A_312 : vector<16xi32> to vector<16xf32>
      tpu.vector_store_idx %arg13[%parallel_loop3A_302, %add3A_38], %parallel_loop3A_309 : memref<128x128xf32, #tpu.memory_space<vmem>>[vector<16xi32>, vector<16xi32>], vector<16xf32>,
      tpu.vector_store_idx %arg13[%parallel_loop3A_302, %add3A_62], %parallel_loop3A_313 : memref<128x128xf32, #tpu.memory_space<vmem>>[vector<16xi32>, vector<16xi32>], vector<16xf32>,
      %parallel_loop3A_314 = arith.index_cast %parallel_loop3A_301 : i32 to index
      %parallel_loop3A_315 = arith.constant 16 : index
      %parallel_loop3A_316 = tpu.vector_load %arg9[%parallel_loop3A_314, %parallel_loop3A_315] {strides = array<i32>} : memref<128x64xi32, #tpu.memory_space<vmem>>, vector<16xi32>,
      %parallel_loop3A_317 = arith.constant 16 : i32
      %parallel_loop3A_318 = vector.broadcast %parallel_loop3A_317 : i32 to vector<16xi32>
      %parallel_loop3A_319 = arith.shli %parallel_loop3A_316, %parallel_loop3A_318 : vector<16xi32>
      %parallel_loop3A_320 = vector.bitcast %parallel_loop3A_319 : vector<16xi32> to vector<16xf32>
      %parallel_loop3A_321 = arith.constant -65536 : i32
      %parallel_loop3A_322 = vector.broadcast %parallel_loop3A_321 : i32 to vector<16xi32>
      %parallel_loop3A_323 = arith.andi %parallel_loop3A_316, %parallel_loop3A_322 : vector<16xi32>
      %parallel_loop3A_324 = vector.bitcast %parallel_loop3A_323 : vector<16xi32> to vector<16xf32>
      tpu.vector_store_idx %arg13[%parallel_loop3A_302, %add3A_45], %parallel_loop3A_320 : memref<128x128xf32, #tpu.memory_space<vmem>>[vector<16xi32>, vector<16xi32>], vector<16xf32>,
      tpu.vector_store_idx %arg13[%parallel_loop3A_302, %add3A_65], %parallel_loop3A_324 : memref<128x128xf32, #tpu.memory_space<vmem>>[vector<16xi32>, vector<16xi32>], vector<16xf32>,
      %parallel_loop3A_325 = arith.index_cast %parallel_loop3A_301 : i32 to index
      %parallel_loop3A_326 = arith.constant 32 : index
      %parallel_loop3A_327 = tpu.vector_load %arg9[%parallel_loop3A_325, %parallel_loop3A_326] {strides = array<i32>} : memref<128x64xi32, #tpu.memory_space<vmem>>, vector<16xi32>,
      %parallel_loop3A_328 = arith.constant 16 : i32
      %parallel_loop3A_329 = vector.broadcast %parallel_loop3A_328 : i32 to vector<16xi32>
      %parallel_loop3A_330 = arith.shli %parallel_loop3A_327, %parallel_loop3A_329 : vector<16xi32>
      %parallel_loop3A_331 = vector.bitcast %parallel_loop3A_330 : vector<16xi32> to vector<16xf32>
      %parallel_loop3A_332 = arith.constant -65536 : i32
      %parallel_loop3A_333 = vector.broadcast %parallel_loop3A_332 : i32 to vector<16xi32>
      %parallel_loop3A_334 = arith.andi %parallel_loop3A_327, %parallel_loop3A_333 : vector<16xi32>
      %parallel_loop3A_335 = vector.bitcast %parallel_loop3A_334 : vector<16xi32> to vector<16xf32>
      tpu.vector_store_idx %arg13[%parallel_loop3A_302, %add3A_52], %parallel_loop3A_331 : memref<128x128xf32, #tpu.memory_space<vmem>>[vector<16xi32>, vector<16xi32>], vector<16xf32>,
      tpu.vector_store_idx %arg13[%parallel_loop3A_302, %add3A_68], %parallel_loop3A_335 : memref<128x128xf32, #tpu.memory_space<vmem>>[vector<16xi32>, vector<16xi32>], vector<16xf32>,
      %parallel_loop3A_336 = arith.index_cast %parallel_loop3A_301 : i32 to index
      %parallel_loop3A_337 = arith.constant 48 : index
      %parallel_loop3A_338 = tpu.vector_load %arg9[%parallel_loop3A_336, %parallel_loop3A_337] {strides = array<i32>} : memref<128x64xi32, #tpu.memory_space<vmem>>, vector<16xi32>,
      %parallel_loop3A_339 = arith.constant 16 : i32
      %parallel_loop3A_340 = vector.broadcast %parallel_loop3A_339 : i32 to vector<16xi32>
      %parallel_loop3A_341 = arith.shli %parallel_loop3A_338, %parallel_loop3A_340 : vector<16xi32>
      %parallel_loop3A_342 = vector.bitcast %parallel_loop3A_341 : vector<16xi32> to vector<16xf32>
      %parallel_loop3A_343 = arith.constant -65536 : i32
      %parallel_loop3A_344 = vector.broadcast %parallel_loop3A_343 : i32 to vector<16xi32>
      %parallel_loop3A_345 = arith.andi %parallel_loop3A_338, %parallel_loop3A_344 : vector<16xi32>
      %parallel_loop3A_346 = vector.bitcast %parallel_loop3A_345 : vector<16xi32> to vector<16xf32>
      tpu.vector_store_idx %arg13[%parallel_loop3A_302, %add3A_59], %parallel_loop3A_342 : memref<128x128xf32, #tpu.memory_space<vmem>>[vector<16xi32>, vector<16xi32>], vector<16xf32>,
      tpu.vector_store_idx %arg13[%parallel_loop3A_302, %add3A_71], %parallel_loop3A_346 : memref<128x128xf32, #tpu.memory_space<vmem>>[vector<16xi32>, vector<16xi32>], vector<16xf32>,
    } {sc.loop_unroll_factor = 4 : i64, sc.parallel_access}
    %add3A_119 = arith.constant 128 : i32
    %add3A_120 = arith.addi %mul3A_32, %add3A_119 : i32
    %dma_start3A_121 = arith.constant 0 : i32
    %dma_start3A_122 = arith.constant 0 : i32
    %dma_start3A_123 = tpu.memref_slice %arg5[%select_n3A, %add3A_120, %dma_start3A_121, %dma_start3A_122] : memref<4x4096x1x128xf32, #tpu.memory_space<hbm>> -> memref<1x128x1x128xf32, #tpu.memory_space<hbm>>
    %dma_start3A_124 = tpu.memref_squeeze %dma_start3A_123 : memref<1x128x1x128xf32, #tpu.memory_space<hbm>> -> memref<128x128xf32, #tpu.memory_space<hbm>>
    %dma_start3A_125 = arith.constant 0 : i32
    %dma_start3A_126 = tpu.memref_slice %arg5[%select_n3A, %add3A_120, %dma_start3A_121, %dma_start3A_125] : memref<4x4096x1x128xf32, #tpu.memory_space<hbm>> -> memref<1x128x1x128xf32, #tpu.memory_space<hbm>>
    %dma_start3A_127 = tpu.memref_squeeze %dma_start3A_126 : memref<1x128x1x128xf32, #tpu.memory_space<hbm>> -> memref<128x128xf32, #tpu.memory_space<hbm>>
    tpu.enqueue_dma source(%arg13 : memref<128x128xf32, #tpu.memory_space<vmem>>) target(%dma_start3A_127 : memref<128x128xf32, #tpu.memory_space<hbm>>) target_semaphore(%arg21 : memref<!tpu.dma_semaphore, #tpu.memory_space<semaphore_mem>>)
    %dma_start3A_128 = arith.constant 128 : i32
    %dma_start3A_129 = tpu.memref_slice %arg7[%dma_start3A_128] : memref<512xi32, #tpu.memory_space<vmem>> -> memref<128xi32, #tpu.memory_space<vmem>>
    %dma_start3A_130 = arith.constant 0 : i32
    %dma_start3A_131 = arith.constant 0 : i32
    %dma_start3A_132 = tpu.memref_slice %arg3[%dma_start3A_130, %dma_start3A_131] : memref<6000x64xi32, #tpu.memory_space<hbm>> -> memref<6000x64xi32, #tpu.memory_space<hbm>>
    tpu.enqueue_indirect_dma source(%dma_start3A_132 : memref<6000x64xi32, #tpu.memory_space<hbm>>) target(%arg9 : memref<128x64xi32, #tpu.memory_space<vmem>>) offsets(%dma_start3A_129 : memref<128xi32, #tpu.memory_space<vmem>>) semaphore(%arg17 : memref<!tpu.dma_semaphore, #tpu.memory_space<semaphore_mem>>)
    %dma_wait3A_133 = arith.constant 256 : i32
    %dma_wait3A_134 = tpu.memref_slice %arg7[%dma_wait3A_133] : memref<512xi32, #tpu.memory_space<vmem>> -> memref<128xi32, #tpu.memory_space<vmem>>
    %dma_wait3A_135 = arith.constant 0 : i32
    %dma_wait3A_136 = arith.constant 0 : i32
    %dma_wait3A_137 = tpu.memref_slice %arg2[%dma_wait3A_135, %dma_wait3A_136] : memref<6000x64xi32, #tpu.memory_space<hbm>> -> memref<6000x64xi32, #tpu.memory_space<hbm>>
    tpu.wait_indirect_dma semaphore(%arg18 : memref<!tpu.dma_semaphore, #tpu.memory_space<semaphore_mem>>) src(%dma_wait3A_137 : memref<6000x64xi32, #tpu.memory_space<hbm>>) dst(%arg10 : memref<128x64xi32, #tpu.memory_space<vmem>>)
    %parallel_loop3A_138 = arith.constant 0 : i32
    %parallel_loop3A_139 = arith.constant 128 : i32
    %parallel_loop3A_140 = arith.constant 1 : i32
    scf.for %parallel_loop3A_301 = %parallel_loop3A_138 to %parallel_loop3A_139 step %parallel_loop3A_140  : i32 {
      %parallel_loop3A_302 = vector.broadcast %parallel_loop3A_301 : i32 to vector<16xi32>
      %parallel_loop3A_303 = arith.index_cast %parallel_loop3A_301 : i32 to index
      %parallel_loop3A_304 = arith.constant 0 : index
      %parallel_loop3A_305 = tpu.vector_load %arg10[%parallel_loop3A_303, %parallel_loop3A_304] {strides = array<i32>} : memref<128x64xi32, #tpu.memory_space<vmem>>, vector<16xi32>,
      %parallel_loop3A_306 = arith.constant 16 : i32
      %parallel_loop3A_307 = vector.broadcast %parallel_loop3A_306 : i32 to vector<16xi32>
      %parallel_loop3A_308 = arith.shli %parallel_loop3A_305, %parallel_loop3A_307 : vector<16xi32>
      %parallel_loop3A_309 = vector.bitcast %parallel_loop3A_308 : vector<16xi32> to vector<16xf32>
      %parallel_loop3A_310 = arith.constant -65536 : i32
      %parallel_loop3A_311 = vector.broadcast %parallel_loop3A_310 : i32 to vector<16xi32>
      %parallel_loop3A_312 = arith.andi %parallel_loop3A_305, %parallel_loop3A_311 : vector<16xi32>
      %parallel_loop3A_313 = vector.bitcast %parallel_loop3A_312 : vector<16xi32> to vector<16xf32>
      tpu.vector_store_idx %arg14[%parallel_loop3A_302, %add3A_38], %parallel_loop3A_309 : memref<128x128xf32, #tpu.memory_space<vmem>>[vector<16xi32>, vector<16xi32>], vector<16xf32>,
      tpu.vector_store_idx %arg14[%parallel_loop3A_302, %add3A_62], %parallel_loop3A_313 : memref<128x128xf32, #tpu.memory_space<vmem>>[vector<16xi32>, vector<16xi32>], vector<16xf32>,
      %parallel_loop3A_314 = arith.index_cast %parallel_loop3A_301 : i32 to index
      %parallel_loop3A_315 = arith.constant 16 : index
      %parallel_loop3A_316 = tpu.vector_load %arg10[%parallel_loop3A_314, %parallel_loop3A_315] {strides = array<i32>} : memref<128x64xi32, #tpu.memory_space<vmem>>, vector<16xi32>,
      %parallel_loop3A_317 = arith.constant 16 : i32
      %parallel_loop3A_318 = vector.broadcast %parallel_loop3A_317 : i32 to vector<16xi32>
      %parallel_loop3A_319 = arith.shli %parallel_loop3A_316, %parallel_loop3A_318 : vector<16xi32>
      %parallel_loop3A_320 = vector.bitcast %parallel_loop3A_319 : vector<16xi32> to vector<16xf32>
      %parallel_loop3A_321 = arith.constant -65536 : i32
      %parallel_loop3A_322 = vector.broadcast %parallel_loop3A_321 : i32 to vector<16xi32>
      %parallel_loop3A_323 = arith.andi %parallel_loop3A_316, %parallel_loop3A_322 : vector<16xi32>
      %parallel_loop3A_324 = vector.bitcast %parallel_loop3A_323 : vector<16xi32> to vector<16xf32>
      tpu.vector_store_idx %arg14[%parallel_loop3A_302, %add3A_45], %parallel_loop3A_320 : memref<128x128xf32, #tpu.memory_space<vmem>>[vector<16xi32>, vector<16xi32>], vector<16xf32>,
      tpu.vector_store_idx %arg14[%parallel_loop3A_302, %add3A_65], %parallel_loop3A_324 : memref<128x128xf32, #tpu.memory_space<vmem>>[vector<16xi32>, vector<16xi32>], vector<16xf32>,
      %parallel_loop3A_325 = arith.index_cast %parallel_loop3A_301 : i32 to index
      %parallel_loop3A_326 = arith.constant 32 : index
      %parallel_loop3A_327 = tpu.vector_load %arg10[%parallel_loop3A_325, %parallel_loop3A_326] {strides = array<i32>} : memref<128x64xi32, #tpu.memory_space<vmem>>, vector<16xi32>,
      %parallel_loop3A_328 = arith.constant 16 : i32
      %parallel_loop3A_329 = vector.broadcast %parallel_loop3A_328 : i32 to vector<16xi32>
      %parallel_loop3A_330 = arith.shli %parallel_loop3A_327, %parallel_loop3A_329 : vector<16xi32>
      %parallel_loop3A_331 = vector.bitcast %parallel_loop3A_330 : vector<16xi32> to vector<16xf32>
      %parallel_loop3A_332 = arith.constant -65536 : i32
      %parallel_loop3A_333 = vector.broadcast %parallel_loop3A_332 : i32 to vector<16xi32>
      %parallel_loop3A_334 = arith.andi %parallel_loop3A_327, %parallel_loop3A_333 : vector<16xi32>
      %parallel_loop3A_335 = vector.bitcast %parallel_loop3A_334 : vector<16xi32> to vector<16xf32>
      tpu.vector_store_idx %arg14[%parallel_loop3A_302, %add3A_52], %parallel_loop3A_331 : memref<128x128xf32, #tpu.memory_space<vmem>>[vector<16xi32>, vector<16xi32>], vector<16xf32>,
      tpu.vector_store_idx %arg14[%parallel_loop3A_302, %add3A_68], %parallel_loop3A_335 : memref<128x128xf32, #tpu.memory_space<vmem>>[vector<16xi32>, vector<16xi32>], vector<16xf32>,
      %parallel_loop3A_336 = arith.index_cast %parallel_loop3A_301 : i32 to index
      %parallel_loop3A_337 = arith.constant 48 : index
      %parallel_loop3A_338 = tpu.vector_load %arg10[%parallel_loop3A_336, %parallel_loop3A_337] {strides = array<i32>} : memref<128x64xi32, #tpu.memory_space<vmem>>, vector<16xi32>,
      %parallel_loop3A_339 = arith.constant 16 : i32
      %parallel_loop3A_340 = vector.broadcast %parallel_loop3A_339 : i32 to vector<16xi32>
      %parallel_loop3A_341 = arith.shli %parallel_loop3A_338, %parallel_loop3A_340 : vector<16xi32>
      %parallel_loop3A_342 = vector.bitcast %parallel_loop3A_341 : vector<16xi32> to vector<16xf32>
      %parallel_loop3A_343 = arith.constant -65536 : i32
      %parallel_loop3A_344 = vector.broadcast %parallel_loop3A_343 : i32 to vector<16xi32>
      %parallel_loop3A_345 = arith.andi %parallel_loop3A_338, %parallel_loop3A_344 : vector<16xi32>
      %parallel_loop3A_346 = vector.bitcast %parallel_loop3A_345 : vector<16xi32> to vector<16xf32>
      tpu.vector_store_idx %arg14[%parallel_loop3A_302, %add3A_59], %parallel_loop3A_342 : memref<128x128xf32, #tpu.memory_space<vmem>>[vector<16xi32>, vector<16xi32>], vector<16xf32>,
      tpu.vector_store_idx %arg14[%parallel_loop3A_302, %add3A_71], %parallel_loop3A_346 : memref<128x128xf32, #tpu.memory_space<vmem>>[vector<16xi32>, vector<16xi32>], vector<16xf32>,
    } {sc.loop_unroll_factor = 4 : i64, sc.parallel_access}
    %add3A_141 = arith.constant 256 : i32
    %add3A_142 = arith.addi %mul3A_32, %add3A_141 : i32
    %dma_start3A_143 = arith.constant 0 : i32
    %dma_start3A_144 = arith.constant 0 : i32
    %dma_start3A_145 = tpu.memref_slice %arg5[%select_n3A, %add3A_142, %dma_start3A_143, %dma_start3A_144] : memref<4x4096x1x128xf32, #tpu.memory_space<hbm>> -> memref<1x128x1x128xf32, #tpu.memory_space<hbm>>
    %dma_start3A_146 = tpu.memref_squeeze %dma_start3A_145 : memref<1x128x1x128xf32, #tpu.memory_space<hbm>> -> memref<128x128xf32, #tpu.memory_space<hbm>>
    %dma_start3A_147 = arith.constant 0 : i32
    %dma_start3A_148 = tpu.memref_slice %arg5[%select_n3A, %add3A_142, %dma_start3A_143, %dma_start3A_147] : memref<4x4096x1x128xf32, #tpu.memory_space<hbm>> -> memref<1x128x1x128xf32, #tpu.memory_space<hbm>>
    %dma_start3A_149 = tpu.memref_squeeze %dma_start3A_148 : memref<1x128x1x128xf32, #tpu.memory_space<hbm>> -> memref<128x128xf32, #tpu.memory_space<hbm>>
    tpu.enqueue_dma source(%arg14 : memref<128x128xf32, #tpu.memory_space<vmem>>) target(%dma_start3A_149 : memref<128x128xf32, #tpu.memory_space<hbm>>) target_semaphore(%arg22 : memref<!tpu.dma_semaphore, #tpu.memory_space<semaphore_mem>>)
    %dma_start3A_150 = arith.constant 256 : i32
    %dma_start3A_151 = tpu.memref_slice %arg7[%dma_start3A_150] : memref<512xi32, #tpu.memory_space<vmem>> -> memref<128xi32, #tpu.memory_space<vmem>>
    %dma_start3A_152 = arith.constant 0 : i32
    %dma_start3A_153 = arith.constant 0 : i32
    %dma_start3A_154 = tpu.memref_slice %arg3[%dma_start3A_152, %dma_start3A_153] : memref<6000x64xi32, #tpu.memory_space<hbm>> -> memref<6000x64xi32, #tpu.memory_space<hbm>>
    tpu.enqueue_indirect_dma source(%dma_start3A_154 : memref<6000x64xi32, #tpu.memory_space<hbm>>) target(%arg10 : memref<128x64xi32, #tpu.memory_space<vmem>>) offsets(%dma_start3A_151 : memref<128xi32, #tpu.memory_space<vmem>>) semaphore(%arg18 : memref<!tpu.dma_semaphore, #tpu.memory_space<semaphore_mem>>)
    %dma_wait3A_155 = arith.constant 384 : i32
    %dma_wait3A_156 = tpu.memref_slice %arg7[%dma_wait3A_155] : memref<512xi32, #tpu.memory_space<vmem>> -> memref<128xi32, #tpu.memory_space<vmem>>
    %dma_wait3A_157 = arith.constant 0 : i32
    %dma_wait3A_158 = arith.constant 0 : i32
    %dma_wait3A_159 = tpu.memref_slice %arg2[%dma_wait3A_157, %dma_wait3A_158] : memref<6000x64xi32, #tpu.memory_space<hbm>> -> memref<6000x64xi32, #tpu.memory_space<hbm>>
    tpu.wait_indirect_dma semaphore(%arg19 : memref<!tpu.dma_semaphore, #tpu.memory_space<semaphore_mem>>) src(%dma_wait3A_159 : memref<6000x64xi32, #tpu.memory_space<hbm>>) dst(%arg11 : memref<128x64xi32, #tpu.memory_space<vmem>>)
    %parallel_loop3A_160 = arith.constant 0 : i32
    %parallel_loop3A_161 = arith.constant 128 : i32
    %parallel_loop3A_162 = arith.constant 1 : i32
    scf.for %parallel_loop3A_301 = %parallel_loop3A_160 to %parallel_loop3A_161 step %parallel_loop3A_162  : i32 {
      %parallel_loop3A_302 = vector.broadcast %parallel_loop3A_301 : i32 to vector<16xi32>
      %parallel_loop3A_303 = arith.index_cast %parallel_loop3A_301 : i32 to index
      %parallel_loop3A_304 = arith.constant 0 : index
      %parallel_loop3A_305 = tpu.vector_load %arg11[%parallel_loop3A_303, %parallel_loop3A_304] {strides = array<i32>} : memref<128x64xi32, #tpu.memory_space<vmem>>, vector<16xi32>,
      %parallel_loop3A_306 = arith.constant 16 : i32
      %parallel_loop3A_307 = vector.broadcast %parallel_loop3A_306 : i32 to vector<16xi32>
      %parallel_loop3A_308 = arith.shli %parallel_loop3A_305, %parallel_loop3A_307 : vector<16xi32>
      %parallel_loop3A_309 = vector.bitcast %parallel_loop3A_308 : vector<16xi32> to vector<16xf32>
      %parallel_loop3A_310 = arith.constant -65536 : i32
      %parallel_loop3A_311 = vector.broadcast %parallel_loop3A_310 : i32 to vector<16xi32>
      %parallel_loop3A_312 = arith.andi %parallel_loop3A_305, %parallel_loop3A_311 : vector<16xi32>
      %parallel_loop3A_313 = vector.bitcast %parallel_loop3A_312 : vector<16xi32> to vector<16xf32>
      tpu.vector_store_idx %arg15[%parallel_loop3A_302, %add3A_38], %parallel_loop3A_309 : memref<128x128xf32, #tpu.memory_space<vmem>>[vector<16xi32>, vector<16xi32>], vector<16xf32>,
      tpu.vector_store_idx %arg15[%parallel_loop3A_302, %add3A_62], %parallel_loop3A_313 : memref<128x128xf32, #tpu.memory_space<vmem>>[vector<16xi32>, vector<16xi32>], vector<16xf32>,
      %parallel_loop3A_314 = arith.index_cast %parallel_loop3A_301 : i32 to index
      %parallel_loop3A_315 = arith.constant 16 : index
      %parallel_loop3A_316 = tpu.vector_load %arg11[%parallel_loop3A_314, %parallel_loop3A_315] {strides = array<i32>} : memref<128x64xi32, #tpu.memory_space<vmem>>, vector<16xi32>,
      %parallel_loop3A_317 = arith.constant 16 : i32
      %parallel_loop3A_318 = vector.broadcast %parallel_loop3A_317 : i32 to vector<16xi32>
      %parallel_loop3A_319 = arith.shli %parallel_loop3A_316, %parallel_loop3A_318 : vector<16xi32>
      %parallel_loop3A_320 = vector.bitcast %parallel_loop3A_319 : vector<16xi32> to vector<16xf32>
      %parallel_loop3A_321 = arith.constant -65536 : i32
      %parallel_loop3A_322 = vector.broadcast %parallel_loop3A_321 : i32 to vector<16xi32>
      %parallel_loop3A_323 = arith.andi %parallel_loop3A_316, %parallel_loop3A_322 : vector<16xi32>
      %parallel_loop3A_324 = vector.bitcast %parallel_loop3A_323 : vector<16xi32> to vector<16xf32>
      tpu.vector_store_idx %arg15[%parallel_loop3A_302, %add3A_45], %parallel_loop3A_320 : memref<128x128xf32, #tpu.memory_space<vmem>>[vector<16xi32>, vector<16xi32>], vector<16xf32>,
      tpu.vector_store_idx %arg15[%parallel_loop3A_302, %add3A_65], %parallel_loop3A_324 : memref<128x128xf32, #tpu.memory_space<vmem>>[vector<16xi32>, vector<16xi32>], vector<16xf32>,
      %parallel_loop3A_325 = arith.index_cast %parallel_loop3A_301 : i32 to index
      %parallel_loop3A_326 = arith.constant 32 : index
      %parallel_loop3A_327 = tpu.vector_load %arg11[%parallel_loop3A_325, %parallel_loop3A_326] {strides = array<i32>} : memref<128x64xi32, #tpu.memory_space<vmem>>, vector<16xi32>,
      %parallel_loop3A_328 = arith.constant 16 : i32
      %parallel_loop3A_329 = vector.broadcast %parallel_loop3A_328 : i32 to vector<16xi32>
      %parallel_loop3A_330 = arith.shli %parallel_loop3A_327, %parallel_loop3A_329 : vector<16xi32>
      %parallel_loop3A_331 = vector.bitcast %parallel_loop3A_330 : vector<16xi32> to vector<16xf32>
      %parallel_loop3A_332 = arith.constant -65536 : i32
      %parallel_loop3A_333 = vector.broadcast %parallel_loop3A_332 : i32 to vector<16xi32>
      %parallel_loop3A_334 = arith.andi %parallel_loop3A_327, %parallel_loop3A_333 : vector<16xi32>
      %parallel_loop3A_335 = vector.bitcast %parallel_loop3A_334 : vector<16xi32> to vector<16xf32>
      tpu.vector_store_idx %arg15[%parallel_loop3A_302, %add3A_52], %parallel_loop3A_331 : memref<128x128xf32, #tpu.memory_space<vmem>>[vector<16xi32>, vector<16xi32>], vector<16xf32>,
      tpu.vector_store_idx %arg15[%parallel_loop3A_302, %add3A_68], %parallel_loop3A_335 : memref<128x128xf32, #tpu.memory_space<vmem>>[vector<16xi32>, vector<16xi32>], vector<16xf32>,
      %parallel_loop3A_336 = arith.index_cast %parallel_loop3A_301 : i32 to index
      %parallel_loop3A_337 = arith.constant 48 : index
      %parallel_loop3A_338 = tpu.vector_load %arg11[%parallel_loop3A_336, %parallel_loop3A_337] {strides = array<i32>} : memref<128x64xi32, #tpu.memory_space<vmem>>, vector<16xi32>,
      %parallel_loop3A_339 = arith.constant 16 : i32
      %parallel_loop3A_340 = vector.broadcast %parallel_loop3A_339 : i32 to vector<16xi32>
      %parallel_loop3A_341 = arith.shli %parallel_loop3A_338, %parallel_loop3A_340 : vector<16xi32>
      %parallel_loop3A_342 = vector.bitcast %parallel_loop3A_341 : vector<16xi32> to vector<16xf32>
      %parallel_loop3A_343 = arith.constant -65536 : i32
      %parallel_loop3A_344 = vector.broadcast %parallel_loop3A_343 : i32 to vector<16xi32>
      %parallel_loop3A_345 = arith.andi %parallel_loop3A_338, %parallel_loop3A_344 : vector<16xi32>
      %parallel_loop3A_346 = vector.bitcast %parallel_loop3A_345 : vector<16xi32> to vector<16xf32>
      tpu.vector_store_idx %arg15[%parallel_loop3A_302, %add3A_59], %parallel_loop3A_342 : memref<128x128xf32, #tpu.memory_space<vmem>>[vector<16xi32>, vector<16xi32>], vector<16xf32>,
      tpu.vector_store_idx %arg15[%parallel_loop3A_302, %add3A_71], %parallel_loop3A_346 : memref<128x128xf32, #tpu.memory_space<vmem>>[vector<16xi32>, vector<16xi32>], vector<16xf32>,
    } {sc.loop_unroll_factor = 4 : i64, sc.parallel_access}
    %add3A_163 = arith.constant 384 : i32
    %add3A_164 = arith.addi %mul3A_32, %add3A_163 : i32
    %dma_start3A_165 = arith.constant 0 : i32
    %dma_start3A_166 = arith.constant 0 : i32
    %dma_start3A_167 = tpu.memref_slice %arg5[%select_n3A, %add3A_164, %dma_start3A_165, %dma_start3A_166] : memref<4x4096x1x128xf32, #tpu.memory_space<hbm>> -> memref<1x128x1x128xf32, #tpu.memory_space<hbm>>
    %dma_start3A_168 = tpu.memref_squeeze %dma_start3A_167 : memref<1x128x1x128xf32, #tpu.memory_space<hbm>> -> memref<128x128xf32, #tpu.memory_space<hbm>>
    %dma_start3A_169 = arith.constant 0 : i32
    %dma_start3A_170 = tpu.memref_slice %arg5[%select_n3A, %add3A_164, %dma_start3A_165, %dma_start3A_169] : memref<4x4096x1x128xf32, #tpu.memory_space<hbm>> -> memref<1x128x1x128xf32, #tpu.memory_space<hbm>>
    %dma_start3A_171 = tpu.memref_squeeze %dma_start3A_170 : memref<1x128x1x128xf32, #tpu.memory_space<hbm>> -> memref<128x128xf32, #tpu.memory_space<hbm>>
    tpu.enqueue_dma source(%arg15 : memref<128x128xf32, #tpu.memory_space<vmem>>) target(%dma_start3A_171 : memref<128x128xf32, #tpu.memory_space<hbm>>) target_semaphore(%arg23 : memref<!tpu.dma_semaphore, #tpu.memory_space<semaphore_mem>>)
    %dma_start3A_172 = arith.constant 384 : i32
    %dma_start3A_173 = tpu.memref_slice %arg7[%dma_start3A_172] : memref<512xi32, #tpu.memory_space<vmem>> -> memref<128xi32, #tpu.memory_space<vmem>>
    %dma_start3A_174 = arith.constant 0 : i32
    %dma_start3A_175 = arith.constant 0 : i32
    %dma_start3A_176 = tpu.memref_slice %arg3[%dma_start3A_174, %dma_start3A_175] : memref<6000x64xi32, #tpu.memory_space<hbm>> -> memref<6000x64xi32, #tpu.memory_space<hbm>>
    tpu.enqueue_indirect_dma source(%dma_start3A_176 : memref<6000x64xi32, #tpu.memory_space<hbm>>) target(%arg11 : memref<128x64xi32, #tpu.memory_space<vmem>>) offsets(%dma_start3A_173 : memref<128xi32, #tpu.memory_space<vmem>>) semaphore(%arg19 : memref<!tpu.dma_semaphore, #tpu.memory_space<semaphore_mem>>)
    %dma_wait3A_177 = arith.constant 0 : i32
    %dma_wait3A_178 = tpu.memref_slice %arg7[%dma_wait3A_177] : memref<512xi32, #tpu.memory_space<vmem>> -> memref<128xi32, #tpu.memory_space<vmem>>
    %dma_wait3A_179 = arith.constant 0 : i32
    %dma_wait3A_180 = arith.constant 0 : i32
    %dma_wait3A_181 = tpu.memref_slice %arg3[%dma_wait3A_179, %dma_wait3A_180] : memref<6000x64xi32, #tpu.memory_space<hbm>> -> memref<6000x64xi32, #tpu.memory_space<hbm>>
    tpu.wait_indirect_dma semaphore(%arg16 : memref<!tpu.dma_semaphore, #tpu.memory_space<semaphore_mem>>) src(%dma_wait3A_181 : memref<6000x64xi32, #tpu.memory_space<hbm>>) dst(%arg8 : memref<128x64xi32, #tpu.memory_space<vmem>>)
    %dma_wait3A_182 = arith.constant 0 : i32
    %dma_wait3A_183 = arith.constant 0 : i32
    %dma_wait3A_184 = tpu.memref_slice %arg5[%select_n3A, %add3A_98, %dma_wait3A_182, %dma_wait3A_183] : memref<4x4096x1x128xf32, #tpu.memory_space<hbm>> -> memref<1x128x1x128xf32, #tpu.memory_space<hbm>>
    %dma_wait3A_185 = tpu.memref_squeeze %dma_wait3A_184 : memref<1x128x1x128xf32, #tpu.memory_space<hbm>> -> memref<128x128xf32, #tpu.memory_space<hbm>>
    %dma_wait3A_186 = arith.constant 0 : i32
    %dma_wait3A_187 = tpu.memref_slice %arg5[%select_n3A, %add3A_98, %dma_wait3A_182, %dma_wait3A_186] : memref<4x4096x1x128xf32, #tpu.memory_space<hbm>> -> memref<1x128x1x128xf32, #tpu.memory_space<hbm>>
    %dma_wait3A_188 = tpu.memref_squeeze %dma_wait3A_187 : memref<1x128x1x128xf32, #tpu.memory_space<hbm>> -> memref<128x128xf32, #tpu.memory_space<hbm>>
    tpu.wait_dma2 semaphore(%arg20 : memref<!tpu.dma_semaphore, #tpu.memory_space<semaphore_mem>>) src(%arg12 : memref<128x128xf32, #tpu.memory_space<vmem>>) dst(%dma_wait3A_188 : memref<128x128xf32, #tpu.memory_space<hbm>>)
    %parallel_loop3A_189 = arith.constant 0 : i32
    %parallel_loop3A_190 = arith.constant 128 : i32
    %parallel_loop3A_191 = arith.constant 1 : i32
    scf.for %parallel_loop3A_301 = %parallel_loop3A_189 to %parallel_loop3A_190 step %parallel_loop3A_191  : i32 {
      %parallel_loop3A_302 = vector.broadcast %parallel_loop3A_301 : i32 to vector<16xi32>
      %parallel_loop3A_303 = arith.index_cast %parallel_loop3A_301 : i32 to index
      %parallel_loop3A_304 = arith.constant 0 : index
      %parallel_loop3A_305 = tpu.vector_load %arg8[%parallel_loop3A_303, %parallel_loop3A_304] {strides = array<i32>} : memref<128x64xi32, #tpu.memory_space<vmem>>, vector<16xi32>,
      %parallel_loop3A_306 = arith.constant 16 : i32
      %parallel_loop3A_307 = vector.broadcast %parallel_loop3A_306 : i32 to vector<16xi32>
      %parallel_loop3A_308 = arith.shli %parallel_loop3A_305, %parallel_loop3A_307 : vector<16xi32>
      %parallel_loop3A_309 = vector.bitcast %parallel_loop3A_308 : vector<16xi32> to vector<16xf32>
      %parallel_loop3A_310 = arith.constant -65536 : i32
      %parallel_loop3A_311 = vector.broadcast %parallel_loop3A_310 : i32 to vector<16xi32>
      %parallel_loop3A_312 = arith.andi %parallel_loop3A_305, %parallel_loop3A_311 : vector<16xi32>
      %parallel_loop3A_313 = vector.bitcast %parallel_loop3A_312 : vector<16xi32> to vector<16xf32>
      tpu.vector_store_idx %arg12[%parallel_loop3A_302, %add3A_38], %parallel_loop3A_309 : memref<128x128xf32, #tpu.memory_space<vmem>>[vector<16xi32>, vector<16xi32>], vector<16xf32>,
      tpu.vector_store_idx %arg12[%parallel_loop3A_302, %add3A_62], %parallel_loop3A_313 : memref<128x128xf32, #tpu.memory_space<vmem>>[vector<16xi32>, vector<16xi32>], vector<16xf32>,
      %parallel_loop3A_314 = arith.index_cast %parallel_loop3A_301 : i32 to index
      %parallel_loop3A_315 = arith.constant 16 : index
      %parallel_loop3A_316 = tpu.vector_load %arg8[%parallel_loop3A_314, %parallel_loop3A_315] {strides = array<i32>} : memref<128x64xi32, #tpu.memory_space<vmem>>, vector<16xi32>,
      %parallel_loop3A_317 = arith.constant 16 : i32
      %parallel_loop3A_318 = vector.broadcast %parallel_loop3A_317 : i32 to vector<16xi32>
      %parallel_loop3A_319 = arith.shli %parallel_loop3A_316, %parallel_loop3A_318 : vector<16xi32>
      %parallel_loop3A_320 = vector.bitcast %parallel_loop3A_319 : vector<16xi32> to vector<16xf32>
      %parallel_loop3A_321 = arith.constant -65536 : i32
      %parallel_loop3A_322 = vector.broadcast %parallel_loop3A_321 : i32 to vector<16xi32>
      %parallel_loop3A_323 = arith.andi %parallel_loop3A_316, %parallel_loop3A_322 : vector<16xi32>
      %parallel_loop3A_324 = vector.bitcast %parallel_loop3A_323 : vector<16xi32> to vector<16xf32>
      tpu.vector_store_idx %arg12[%parallel_loop3A_302, %add3A_45], %parallel_loop3A_320 : memref<128x128xf32, #tpu.memory_space<vmem>>[vector<16xi32>, vector<16xi32>], vector<16xf32>,
      tpu.vector_store_idx %arg12[%parallel_loop3A_302, %add3A_65], %parallel_loop3A_324 : memref<128x128xf32, #tpu.memory_space<vmem>>[vector<16xi32>, vector<16xi32>], vector<16xf32>,
      %parallel_loop3A_325 = arith.index_cast %parallel_loop3A_301 : i32 to index
      %parallel_loop3A_326 = arith.constant 32 : index
      %parallel_loop3A_327 = tpu.vector_load %arg8[%parallel_loop3A_325, %parallel_loop3A_326] {strides = array<i32>} : memref<128x64xi32, #tpu.memory_space<vmem>>, vector<16xi32>,
      %parallel_loop3A_328 = arith.constant 16 : i32
      %parallel_loop3A_329 = vector.broadcast %parallel_loop3A_328 : i32 to vector<16xi32>
      %parallel_loop3A_330 = arith.shli %parallel_loop3A_327, %parallel_loop3A_329 : vector<16xi32>
      %parallel_loop3A_331 = vector.bitcast %parallel_loop3A_330 : vector<16xi32> to vector<16xf32>
      %parallel_loop3A_332 = arith.constant -65536 : i32
      %parallel_loop3A_333 = vector.broadcast %parallel_loop3A_332 : i32 to vector<16xi32>
      %parallel_loop3A_334 = arith.andi %parallel_loop3A_327, %parallel_loop3A_333 : vector<16xi32>
      %parallel_loop3A_335 = vector.bitcast %parallel_loop3A_334 : vector<16xi32> to vector<16xf32>
      tpu.vector_store_idx %arg12[%parallel_loop3A_302, %add3A_52], %parallel_loop3A_331 : memref<128x128xf32, #tpu.memory_space<vmem>>[vector<16xi32>, vector<16xi32>], vector<16xf32>,
      tpu.vector_store_idx %arg12[%parallel_loop3A_302, %add3A_68], %parallel_loop3A_335 : memref<128x128xf32, #tpu.memory_space<vmem>>[vector<16xi32>, vector<16xi32>], vector<16xf32>,
      %parallel_loop3A_336 = arith.index_cast %parallel_loop3A_301 : i32 to index
      %parallel_loop3A_337 = arith.constant 48 : index
      %parallel_loop3A_338 = tpu.vector_load %arg8[%parallel_loop3A_336, %parallel_loop3A_337] {strides = array<i32>} : memref<128x64xi32, #tpu.memory_space<vmem>>, vector<16xi32>,
      %parallel_loop3A_339 = arith.constant 16 : i32
      %parallel_loop3A_340 = vector.broadcast %parallel_loop3A_339 : i32 to vector<16xi32>
      %parallel_loop3A_341 = arith.shli %parallel_loop3A_338, %parallel_loop3A_340 : vector<16xi32>
      %parallel_loop3A_342 = vector.bitcast %parallel_loop3A_341 : vector<16xi32> to vector<16xf32>
      %parallel_loop3A_343 = arith.constant -65536 : i32
      %parallel_loop3A_344 = vector.broadcast %parallel_loop3A_343 : i32 to vector<16xi32>
      %parallel_loop3A_345 = arith.andi %parallel_loop3A_338, %parallel_loop3A_344 : vector<16xi32>
      %parallel_loop3A_346 = vector.bitcast %parallel_loop3A_345 : vector<16xi32> to vector<16xf32>
      tpu.vector_store_idx %arg12[%parallel_loop3A_302, %add3A_59], %parallel_loop3A_342 : memref<128x128xf32, #tpu.memory_space<vmem>>[vector<16xi32>, vector<16xi32>], vector<16xf32>,
      tpu.vector_store_idx %arg12[%parallel_loop3A_302, %add3A_71], %parallel_loop3A_346 : memref<128x128xf32, #tpu.memory_space<vmem>>[vector<16xi32>, vector<16xi32>], vector<16xf32>,
    } {sc.loop_unroll_factor = 4 : i64, sc.parallel_access}
    %add3A_192 = arith.constant 0 : i32
    %add3A_193 = arith.addi %mul3A_32, %add3A_192 : i32
    %dma_start3A_194 = arith.constant 0 : i32
    %dma_start3A_195 = arith.constant 0 : i32
    %dma_start3A_196 = tpu.memref_slice %arg6[%select_n3A, %add3A_193, %dma_start3A_194, %dma_start3A_195] : memref<4x4096x1x128xf32, #tpu.memory_space<hbm>> -> memref<1x128x1x128xf32, #tpu.memory_space<hbm>>
    %dma_start3A_197 = tpu.memref_squeeze %dma_start3A_196 : memref<1x128x1x128xf32, #tpu.memory_space<hbm>> -> memref<128x128xf32, #tpu.memory_space<hbm>>
    %dma_start3A_198 = arith.constant 0 : i32
    %dma_start3A_199 = tpu.memref_slice %arg6[%select_n3A, %add3A_193, %dma_start3A_194, %dma_start3A_198] : memref<4x4096x1x128xf32, #tpu.memory_space<hbm>> -> memref<1x128x1x128xf32, #tpu.memory_space<hbm>>
    %dma_start3A_200 = tpu.memref_squeeze %dma_start3A_199 : memref<1x128x1x128xf32, #tpu.memory_space<hbm>> -> memref<128x128xf32, #tpu.memory_space<hbm>>
    tpu.enqueue_dma source(%arg12 : memref<128x128xf32, #tpu.memory_space<vmem>>) target(%dma_start3A_200 : memref<128x128xf32, #tpu.memory_space<hbm>>) target_semaphore(%arg20 : memref<!tpu.dma_semaphore, #tpu.memory_space<semaphore_mem>>)
    %dma_wait3A_201 = arith.constant 128 : i32
    %dma_wait3A_202 = tpu.memref_slice %arg7[%dma_wait3A_201] : memref<512xi32, #tpu.memory_space<vmem>> -> memref<128xi32, #tpu.memory_space<vmem>>
    %dma_wait3A_203 = arith.constant 0 : i32
    %dma_wait3A_204 = arith.constant 0 : i32
    %dma_wait3A_205 = tpu.memref_slice %arg3[%dma_wait3A_203, %dma_wait3A_204] : memref<6000x64xi32, #tpu.memory_space<hbm>> -> memref<6000x64xi32, #tpu.memory_space<hbm>>
    tpu.wait_indirect_dma semaphore(%arg17 : memref<!tpu.dma_semaphore, #tpu.memory_space<semaphore_mem>>) src(%dma_wait3A_205 : memref<6000x64xi32, #tpu.memory_space<hbm>>) dst(%arg9 : memref<128x64xi32, #tpu.memory_space<vmem>>)
    %dma_wait3A_206 = arith.constant 0 : i32
    %dma_wait3A_207 = arith.constant 0 : i32
    %dma_wait3A_208 = tpu.memref_slice %arg5[%select_n3A, %add3A_120, %dma_wait3A_206, %dma_wait3A_207] : memref<4x4096x1x128xf32, #tpu.memory_space<hbm>> -> memref<1x128x1x128xf32, #tpu.memory_space<hbm>>
    %dma_wait3A_209 = tpu.memref_squeeze %dma_wait3A_208 : memref<1x128x1x128xf32, #tpu.memory_space<hbm>> -> memref<128x128xf32, #tpu.memory_space<hbm>>
    %dma_wait3A_210 = arith.constant 0 : i32
    %dma_wait3A_211 = tpu.memref_slice %arg5[%select_n3A, %add3A_120, %dma_wait3A_206, %dma_wait3A_210] : memref<4x4096x1x128xf32, #tpu.memory_space<hbm>> -> memref<1x128x1x128xf32, #tpu.memory_space<hbm>>
    %dma_wait3A_212 = tpu.memref_squeeze %dma_wait3A_211 : memref<1x128x1x128xf32, #tpu.memory_space<hbm>> -> memref<128x128xf32, #tpu.memory_space<hbm>>
    tpu.wait_dma2 semaphore(%arg21 : memref<!tpu.dma_semaphore, #tpu.memory_space<semaphore_mem>>) src(%arg13 : memref<128x128xf32, #tpu.memory_space<vmem>>) dst(%dma_wait3A_212 : memref<128x128xf32, #tpu.memory_space<hbm>>)
    %parallel_loop3A_213 = arith.constant 0 : i32
    %parallel_loop3A_214 = arith.constant 128 : i32
    %parallel_loop3A_215 = arith.constant 1 : i32
    scf.for %parallel_loop3A_301 = %parallel_loop3A_213 to %parallel_loop3A_214 step %parallel_loop3A_215  : i32 {
      %parallel_loop3A_302 = vector.broadcast %parallel_loop3A_301 : i32 to vector<16xi32>
      %parallel_loop3A_303 = arith.index_cast %parallel_loop3A_301 : i32 to index
      %parallel_loop3A_304 = arith.constant 0 : index
      %parallel_loop3A_305 = tpu.vector_load %arg9[%parallel_loop3A_303, %parallel_loop3A_304] {strides = array<i32>} : memref<128x64xi32, #tpu.memory_space<vmem>>, vector<16xi32>,
      %parallel_loop3A_306 = arith.constant 16 : i32
      %parallel_loop3A_307 = vector.broadcast %parallel_loop3A_306 : i32 to vector<16xi32>
      %parallel_loop3A_308 = arith.shli %parallel_loop3A_305, %parallel_loop3A_307 : vector<16xi32>
      %parallel_loop3A_309 = vector.bitcast %parallel_loop3A_308 : vector<16xi32> to vector<16xf32>
      %parallel_loop3A_310 = arith.constant -65536 : i32
      %parallel_loop3A_311 = vector.broadcast %parallel_loop3A_310 : i32 to vector<16xi32>
      %parallel_loop3A_312 = arith.andi %parallel_loop3A_305, %parallel_loop3A_311 : vector<16xi32>
      %parallel_loop3A_313 = vector.bitcast %parallel_loop3A_312 : vector<16xi32> to vector<16xf32>
      tpu.vector_store_idx %arg13[%parallel_loop3A_302, %add3A_38], %parallel_loop3A_309 : memref<128x128xf32, #tpu.memory_space<vmem>>[vector<16xi32>, vector<16xi32>], vector<16xf32>,
      tpu.vector_store_idx %arg13[%parallel_loop3A_302, %add3A_62], %parallel_loop3A_313 : memref<128x128xf32, #tpu.memory_space<vmem>>[vector<16xi32>, vector<16xi32>], vector<16xf32>,
      %parallel_loop3A_314 = arith.index_cast %parallel_loop3A_301 : i32 to index
      %parallel_loop3A_315 = arith.constant 16 : index
      %parallel_loop3A_316 = tpu.vector_load %arg9[%parallel_loop3A_314, %parallel_loop3A_315] {strides = array<i32>} : memref<128x64xi32, #tpu.memory_space<vmem>>, vector<16xi32>,
      %parallel_loop3A_317 = arith.constant 16 : i32
      %parallel_loop3A_318 = vector.broadcast %parallel_loop3A_317 : i32 to vector<16xi32>
      %parallel_loop3A_319 = arith.shli %parallel_loop3A_316, %parallel_loop3A_318 : vector<16xi32>
      %parallel_loop3A_320 = vector.bitcast %parallel_loop3A_319 : vector<16xi32> to vector<16xf32>
      %parallel_loop3A_321 = arith.constant -65536 : i32
      %parallel_loop3A_322 = vector.broadcast %parallel_loop3A_321 : i32 to vector<16xi32>
      %parallel_loop3A_323 = arith.andi %parallel_loop3A_316, %parallel_loop3A_322 : vector<16xi32>
      %parallel_loop3A_324 = vector.bitcast %parallel_loop3A_323 : vector<16xi32> to vector<16xf32>
      tpu.vector_store_idx %arg13[%parallel_loop3A_302, %add3A_45], %parallel_loop3A_320 : memref<128x128xf32, #tpu.memory_space<vmem>>[vector<16xi32>, vector<16xi32>], vector<16xf32>,
      tpu.vector_store_idx %arg13[%parallel_loop3A_302, %add3A_65], %parallel_loop3A_324 : memref<128x128xf32, #tpu.memory_space<vmem>>[vector<16xi32>, vector<16xi32>], vector<16xf32>,
      %parallel_loop3A_325 = arith.index_cast %parallel_loop3A_301 : i32 to index
      %parallel_loop3A_326 = arith.constant 32 : index
      %parallel_loop3A_327 = tpu.vector_load %arg9[%parallel_loop3A_325, %parallel_loop3A_326] {strides = array<i32>} : memref<128x64xi32, #tpu.memory_space<vmem>>, vector<16xi32>,
      %parallel_loop3A_328 = arith.constant 16 : i32
      %parallel_loop3A_329 = vector.broadcast %parallel_loop3A_328 : i32 to vector<16xi32>
      %parallel_loop3A_330 = arith.shli %parallel_loop3A_327, %parallel_loop3A_329 : vector<16xi32>
      %parallel_loop3A_331 = vector.bitcast %parallel_loop3A_330 : vector<16xi32> to vector<16xf32>
      %parallel_loop3A_332 = arith.constant -65536 : i32
      %parallel_loop3A_333 = vector.broadcast %parallel_loop3A_332 : i32 to vector<16xi32>
      %parallel_loop3A_334 = arith.andi %parallel_loop3A_327, %parallel_loop3A_333 : vector<16xi32>
      %parallel_loop3A_335 = vector.bitcast %parallel_loop3A_334 : vector<16xi32> to vector<16xf32>
      tpu.vector_store_idx %arg13[%parallel_loop3A_302, %add3A_52], %parallel_loop3A_331 : memref<128x128xf32, #tpu.memory_space<vmem>>[vector<16xi32>, vector<16xi32>], vector<16xf32>,
      tpu.vector_store_idx %arg13[%parallel_loop3A_302, %add3A_68], %parallel_loop3A_335 : memref<128x128xf32, #tpu.memory_space<vmem>>[vector<16xi32>, vector<16xi32>], vector<16xf32>,
      %parallel_loop3A_336 = arith.index_cast %parallel_loop3A_301 : i32 to index
      %parallel_loop3A_337 = arith.constant 48 : index
      %parallel_loop3A_338 = tpu.vector_load %arg9[%parallel_loop3A_336, %parallel_loop3A_337] {strides = array<i32>} : memref<128x64xi32, #tpu.memory_space<vmem>>, vector<16xi32>,
      %parallel_loop3A_339 = arith.constant 16 : i32
      %parallel_loop3A_340 = vector.broadcast %parallel_loop3A_339 : i32 to vector<16xi32>
      %parallel_loop3A_341 = arith.shli %parallel_loop3A_338, %parallel_loop3A_340 : vector<16xi32>
      %parallel_loop3A_342 = vector.bitcast %parallel_loop3A_341 : vector<16xi32> to vector<16xf32>
      %parallel_loop3A_343 = arith.constant -65536 : i32
      %parallel_loop3A_344 = vector.broadcast %parallel_loop3A_343 : i32 to vector<16xi32>
      %parallel_loop3A_345 = arith.andi %parallel_loop3A_338, %parallel_loop3A_344 : vector<16xi32>
      %parallel_loop3A_346 = vector.bitcast %parallel_loop3A_345 : vector<16xi32> to vector<16xf32>
      tpu.vector_store_idx %arg13[%parallel_loop3A_302, %add3A_59], %parallel_loop3A_342 : memref<128x128xf32, #tpu.memory_space<vmem>>[vector<16xi32>, vector<16xi32>], vector<16xf32>,
      tpu.vector_store_idx %arg13[%parallel_loop3A_302, %add3A_71], %parallel_loop3A_346 : memref<128x128xf32, #tpu.memory_space<vmem>>[vector<16xi32>, vector<16xi32>], vector<16xf32>,
    } {sc.loop_unroll_factor = 4 : i64, sc.parallel_access}
    %add3A_216 = arith.constant 128 : i32
    %add3A_217 = arith.addi %mul3A_32, %add3A_216 : i32
    %dma_start3A_218 = arith.constant 0 : i32
    %dma_start3A_219 = arith.constant 0 : i32
    %dma_start3A_220 = tpu.memref_slice %arg6[%select_n3A, %add3A_217, %dma_start3A_218, %dma_start3A_219] : memref<4x4096x1x128xf32, #tpu.memory_space<hbm>> -> memref<1x128x1x128xf32, #tpu.memory_space<hbm>>
    %dma_start3A_221 = tpu.memref_squeeze %dma_start3A_220 : memref<1x128x1x128xf32, #tpu.memory_space<hbm>> -> memref<128x128xf32, #tpu.memory_space<hbm>>
    %dma_start3A_222 = arith.constant 0 : i32
    %dma_start3A_223 = tpu.memref_slice %arg6[%select_n3A, %add3A_217, %dma_start3A_218, %dma_start3A_222] : memref<4x4096x1x128xf32, #tpu.memory_space<hbm>> -> memref<1x128x1x128xf32, #tpu.memory_space<hbm>>
    %dma_start3A_224 = tpu.memref_squeeze %dma_start3A_223 : memref<1x128x1x128xf32, #tpu.memory_space<hbm>> -> memref<128x128xf32, #tpu.memory_space<hbm>>
    tpu.enqueue_dma source(%arg13 : memref<128x128xf32, #tpu.memory_space<vmem>>) target(%dma_start3A_224 : memref<128x128xf32, #tpu.memory_space<hbm>>) target_semaphore(%arg21 : memref<!tpu.dma_semaphore, #tpu.memory_space<semaphore_mem>>)
    %dma_wait3A_225 = arith.constant 256 : i32
    %dma_wait3A_226 = tpu.memref_slice %arg7[%dma_wait3A_225] : memref<512xi32, #tpu.memory_space<vmem>> -> memref<128xi32, #tpu.memory_space<vmem>>
    %dma_wait3A_227 = arith.constant 0 : i32
    %dma_wait3A_228 = arith.constant 0 : i32
    %dma_wait3A_229 = tpu.memref_slice %arg3[%dma_wait3A_227, %dma_wait3A_228] : memref<6000x64xi32, #tpu.memory_space<hbm>> -> memref<6000x64xi32, #tpu.memory_space<hbm>>
    tpu.wait_indirect_dma semaphore(%arg18 : memref<!tpu.dma_semaphore, #tpu.memory_space<semaphore_mem>>) src(%dma_wait3A_229 : memref<6000x64xi32, #tpu.memory_space<hbm>>) dst(%arg10 : memref<128x64xi32, #tpu.memory_space<vmem>>)
    %dma_wait3A_230 = arith.constant 0 : i32
    %dma_wait3A_231 = arith.constant 0 : i32
    %dma_wait3A_232 = tpu.memref_slice %arg5[%select_n3A, %add3A_142, %dma_wait3A_230, %dma_wait3A_231] : memref<4x4096x1x128xf32, #tpu.memory_space<hbm>> -> memref<1x128x1x128xf32, #tpu.memory_space<hbm>>
    %dma_wait3A_233 = tpu.memref_squeeze %dma_wait3A_232 : memref<1x128x1x128xf32, #tpu.memory_space<hbm>> -> memref<128x128xf32, #tpu.memory_space<hbm>>
    %dma_wait3A_234 = arith.constant 0 : i32
    %dma_wait3A_235 = tpu.memref_slice %arg5[%select_n3A, %add3A_142, %dma_wait3A_230, %dma_wait3A_234] : memref<4x4096x1x128xf32, #tpu.memory_space<hbm>> -> memref<1x128x1x128xf32, #tpu.memory_space<hbm>>
    %dma_wait3A_236 = tpu.memref_squeeze %dma_wait3A_235 : memref<1x128x1x128xf32, #tpu.memory_space<hbm>> -> memref<128x128xf32, #tpu.memory_space<hbm>>
    tpu.wait_dma2 semaphore(%arg22 : memref<!tpu.dma_semaphore, #tpu.memory_space<semaphore_mem>>) src(%arg14 : memref<128x128xf32, #tpu.memory_space<vmem>>) dst(%dma_wait3A_236 : memref<128x128xf32, #tpu.memory_space<hbm>>)
    %parallel_loop3A_237 = arith.constant 0 : i32
    %parallel_loop3A_238 = arith.constant 128 : i32
    %parallel_loop3A_239 = arith.constant 1 : i32
    scf.for %parallel_loop3A_301 = %parallel_loop3A_237 to %parallel_loop3A_238 step %parallel_loop3A_239  : i32 {
      %parallel_loop3A_302 = vector.broadcast %parallel_loop3A_301 : i32 to vector<16xi32>
      %parallel_loop3A_303 = arith.index_cast %parallel_loop3A_301 : i32 to index
      %parallel_loop3A_304 = arith.constant 0 : index
      %parallel_loop3A_305 = tpu.vector_load %arg10[%parallel_loop3A_303, %parallel_loop3A_304] {strides = array<i32>} : memref<128x64xi32, #tpu.memory_space<vmem>>, vector<16xi32>,
      %parallel_loop3A_306 = arith.constant 16 : i32
      %parallel_loop3A_307 = vector.broadcast %parallel_loop3A_306 : i32 to vector<16xi32>
      %parallel_loop3A_308 = arith.shli %parallel_loop3A_305, %parallel_loop3A_307 : vector<16xi32>
      %parallel_loop3A_309 = vector.bitcast %parallel_loop3A_308 : vector<16xi32> to vector<16xf32>
      %parallel_loop3A_310 = arith.constant -65536 : i32
      %parallel_loop3A_311 = vector.broadcast %parallel_loop3A_310 : i32 to vector<16xi32>
      %parallel_loop3A_312 = arith.andi %parallel_loop3A_305, %parallel_loop3A_311 : vector<16xi32>
      %parallel_loop3A_313 = vector.bitcast %parallel_loop3A_312 : vector<16xi32> to vector<16xf32>
      tpu.vector_store_idx %arg14[%parallel_loop3A_302, %add3A_38], %parallel_loop3A_309 : memref<128x128xf32, #tpu.memory_space<vmem>>[vector<16xi32>, vector<16xi32>], vector<16xf32>,
      tpu.vector_store_idx %arg14[%parallel_loop3A_302, %add3A_62], %parallel_loop3A_313 : memref<128x128xf32, #tpu.memory_space<vmem>>[vector<16xi32>, vector<16xi32>], vector<16xf32>,
      %parallel_loop3A_314 = arith.index_cast %parallel_loop3A_301 : i32 to index
      %parallel_loop3A_315 = arith.constant 16 : index
      %parallel_loop3A_316 = tpu.vector_load %arg10[%parallel_loop3A_314, %parallel_loop3A_315] {strides = array<i32>} : memref<128x64xi32, #tpu.memory_space<vmem>>, vector<16xi32>,
      %parallel_loop3A_317 = arith.constant 16 : i32
      %parallel_loop3A_318 = vector.broadcast %parallel_loop3A_317 : i32 to vector<16xi32>
      %parallel_loop3A_319 = arith.shli %parallel_loop3A_316, %parallel_loop3A_318 : vector<16xi32>
      %parallel_loop3A_320 = vector.bitcast %parallel_loop3A_319 : vector<16xi32> to vector<16xf32>
      %parallel_loop3A_321 = arith.constant -65536 : i32
      %parallel_loop3A_322 = vector.broadcast %parallel_loop3A_321 : i32 to vector<16xi32>
      %parallel_loop3A_323 = arith.andi %parallel_loop3A_316, %parallel_loop3A_322 : vector<16xi32>
      %parallel_loop3A_324 = vector.bitcast %parallel_loop3A_323 : vector<16xi32> to vector<16xf32>
      tpu.vector_store_idx %arg14[%parallel_loop3A_302, %add3A_45], %parallel_loop3A_320 : memref<128x128xf32, #tpu.memory_space<vmem>>[vector<16xi32>, vector<16xi32>], vector<16xf32>,
      tpu.vector_store_idx %arg14[%parallel_loop3A_302, %add3A_65], %parallel_loop3A_324 : memref<128x128xf32, #tpu.memory_space<vmem>>[vector<16xi32>, vector<16xi32>], vector<16xf32>,
      %parallel_loop3A_325 = arith.index_cast %parallel_loop3A_301 : i32 to index
      %parallel_loop3A_326 = arith.constant 32 : index
      %parallel_loop3A_327 = tpu.vector_load %arg10[%parallel_loop3A_325, %parallel_loop3A_326] {strides = array<i32>} : memref<128x64xi32, #tpu.memory_space<vmem>>, vector<16xi32>,
      %parallel_loop3A_328 = arith.constant 16 : i32
      %parallel_loop3A_329 = vector.broadcast %parallel_loop3A_328 : i32 to vector<16xi32>
      %parallel_loop3A_330 = arith.shli %parallel_loop3A_327, %parallel_loop3A_329 : vector<16xi32>
      %parallel_loop3A_331 = vector.bitcast %parallel_loop3A_330 : vector<16xi32> to vector<16xf32>
      %parallel_loop3A_332 = arith.constant -65536 : i32
      %parallel_loop3A_333 = vector.broadcast %parallel_loop3A_332 : i32 to vector<16xi32>
      %parallel_loop3A_334 = arith.andi %parallel_loop3A_327, %parallel_loop3A_333 : vector<16xi32>
      %parallel_loop3A_335 = vector.bitcast %parallel_loop3A_334 : vector<16xi32> to vector<16xf32>
      tpu.vector_store_idx %arg14[%parallel_loop3A_302, %add3A_52], %parallel_loop3A_331 : memref<128x128xf32, #tpu.memory_space<vmem>>[vector<16xi32>, vector<16xi32>], vector<16xf32>,
      tpu.vector_store_idx %arg14[%parallel_loop3A_302, %add3A_68], %parallel_loop3A_335 : memref<128x128xf32, #tpu.memory_space<vmem>>[vector<16xi32>, vector<16xi32>], vector<16xf32>,
      %parallel_loop3A_336 = arith.index_cast %parallel_loop3A_301 : i32 to index
      %parallel_loop3A_337 = arith.constant 48 : index
      %parallel_loop3A_338 = tpu.vector_load %arg10[%parallel_loop3A_336, %parallel_loop3A_337] {strides = array<i32>} : memref<128x64xi32, #tpu.memory_space<vmem>>, vector<16xi32>,
      %parallel_loop3A_339 = arith.constant 16 : i32
      %parallel_loop3A_340 = vector.broadcast %parallel_loop3A_339 : i32 to vector<16xi32>
      %parallel_loop3A_341 = arith.shli %parallel_loop3A_338, %parallel_loop3A_340 : vector<16xi32>
      %parallel_loop3A_342 = vector.bitcast %parallel_loop3A_341 : vector<16xi32> to vector<16xf32>
      %parallel_loop3A_343 = arith.constant -65536 : i32
      %parallel_loop3A_344 = vector.broadcast %parallel_loop3A_343 : i32 to vector<16xi32>
      %parallel_loop3A_345 = arith.andi %parallel_loop3A_338, %parallel_loop3A_344 : vector<16xi32>
      %parallel_loop3A_346 = vector.bitcast %parallel_loop3A_345 : vector<16xi32> to vector<16xf32>
      tpu.vector_store_idx %arg14[%parallel_loop3A_302, %add3A_59], %parallel_loop3A_342 : memref<128x128xf32, #tpu.memory_space<vmem>>[vector<16xi32>, vector<16xi32>], vector<16xf32>,
      tpu.vector_store_idx %arg14[%parallel_loop3A_302, %add3A_71], %parallel_loop3A_346 : memref<128x128xf32, #tpu.memory_space<vmem>>[vector<16xi32>, vector<16xi32>], vector<16xf32>,
    } {sc.loop_unroll_factor = 4 : i64, sc.parallel_access}
    %add3A_240 = arith.constant 256 : i32
    %add3A_241 = arith.addi %mul3A_32, %add3A_240 : i32
    %dma_start3A_242 = arith.constant 0 : i32
    %dma_start3A_243 = arith.constant 0 : i32
    %dma_start3A_244 = tpu.memref_slice %arg6[%select_n3A, %add3A_241, %dma_start3A_242, %dma_start3A_243] : memref<4x4096x1x128xf32, #tpu.memory_space<hbm>> -> memref<1x128x1x128xf32, #tpu.memory_space<hbm>>
    %dma_start3A_245 = tpu.memref_squeeze %dma_start3A_244 : memref<1x128x1x128xf32, #tpu.memory_space<hbm>> -> memref<128x128xf32, #tpu.memory_space<hbm>>
    %dma_start3A_246 = arith.constant 0 : i32
    %dma_start3A_247 = tpu.memref_slice %arg6[%select_n3A, %add3A_241, %dma_start3A_242, %dma_start3A_246] : memref<4x4096x1x128xf32, #tpu.memory_space<hbm>> -> memref<1x128x1x128xf32, #tpu.memory_space<hbm>>
    %dma_start3A_248 = tpu.memref_squeeze %dma_start3A_247 : memref<1x128x1x128xf32, #tpu.memory_space<hbm>> -> memref<128x128xf32, #tpu.memory_space<hbm>>
    tpu.enqueue_dma source(%arg14 : memref<128x128xf32, #tpu.memory_space<vmem>>) target(%dma_start3A_248 : memref<128x128xf32, #tpu.memory_space<hbm>>) target_semaphore(%arg22 : memref<!tpu.dma_semaphore, #tpu.memory_space<semaphore_mem>>)
    %dma_wait3A_249 = arith.constant 384 : i32
    %dma_wait3A_250 = tpu.memref_slice %arg7[%dma_wait3A_249] : memref<512xi32, #tpu.memory_space<vmem>> -> memref<128xi32, #tpu.memory_space<vmem>>
    %dma_wait3A_251 = arith.constant 0 : i32
    %dma_wait3A_252 = arith.constant 0 : i32
    %dma_wait3A_253 = tpu.memref_slice %arg3[%dma_wait3A_251, %dma_wait3A_252] : memref<6000x64xi32, #tpu.memory_space<hbm>> -> memref<6000x64xi32, #tpu.memory_space<hbm>>
    tpu.wait_indirect_dma semaphore(%arg19 : memref<!tpu.dma_semaphore, #tpu.memory_space<semaphore_mem>>) src(%dma_wait3A_253 : memref<6000x64xi32, #tpu.memory_space<hbm>>) dst(%arg11 : memref<128x64xi32, #tpu.memory_space<vmem>>)
    %dma_wait3A_254 = arith.constant 0 : i32
    %dma_wait3A_255 = arith.constant 0 : i32
    %dma_wait3A_256 = tpu.memref_slice %arg5[%select_n3A, %add3A_164, %dma_wait3A_254, %dma_wait3A_255] : memref<4x4096x1x128xf32, #tpu.memory_space<hbm>> -> memref<1x128x1x128xf32, #tpu.memory_space<hbm>>
    %dma_wait3A_257 = tpu.memref_squeeze %dma_wait3A_256 : memref<1x128x1x128xf32, #tpu.memory_space<hbm>> -> memref<128x128xf32, #tpu.memory_space<hbm>>
    %dma_wait3A_258 = arith.constant 0 : i32
    %dma_wait3A_259 = tpu.memref_slice %arg5[%select_n3A, %add3A_164, %dma_wait3A_254, %dma_wait3A_258] : memref<4x4096x1x128xf32, #tpu.memory_space<hbm>> -> memref<1x128x1x128xf32, #tpu.memory_space<hbm>>
    %dma_wait3A_260 = tpu.memref_squeeze %dma_wait3A_259 : memref<1x128x1x128xf32, #tpu.memory_space<hbm>> -> memref<128x128xf32, #tpu.memory_space<hbm>>
    tpu.wait_dma2 semaphore(%arg23 : memref<!tpu.dma_semaphore, #tpu.memory_space<semaphore_mem>>) src(%arg15 : memref<128x128xf32, #tpu.memory_space<vmem>>) dst(%dma_wait3A_260 : memref<128x128xf32, #tpu.memory_space<hbm>>)
    %parallel_loop3A_261 = arith.constant 0 : i32
    %parallel_loop3A_262 = arith.constant 128 : i32
    %parallel_loop3A_263 = arith.constant 1 : i32
    scf.for %parallel_loop3A_301 = %parallel_loop3A_261 to %parallel_loop3A_262 step %parallel_loop3A_263  : i32 {
      %parallel_loop3A_302 = vector.broadcast %parallel_loop3A_301 : i32 to vector<16xi32>
      %parallel_loop3A_303 = arith.index_cast %parallel_loop3A_301 : i32 to index
      %parallel_loop3A_304 = arith.constant 0 : index
      %parallel_loop3A_305 = tpu.vector_load %arg11[%parallel_loop3A_303, %parallel_loop3A_304] {strides = array<i32>} : memref<128x64xi32, #tpu.memory_space<vmem>>, vector<16xi32>,
      %parallel_loop3A_306 = arith.constant 16 : i32
      %parallel_loop3A_307 = vector.broadcast %parallel_loop3A_306 : i32 to vector<16xi32>
      %parallel_loop3A_308 = arith.shli %parallel_loop3A_305, %parallel_loop3A_307 : vector<16xi32>
      %parallel_loop3A_309 = vector.bitcast %parallel_loop3A_308 : vector<16xi32> to vector<16xf32>
      %parallel_loop3A_310 = arith.constant -65536 : i32
      %parallel_loop3A_311 = vector.broadcast %parallel_loop3A_310 : i32 to vector<16xi32>
      %parallel_loop3A_312 = arith.andi %parallel_loop3A_305, %parallel_loop3A_311 : vector<16xi32>
      %parallel_loop3A_313 = vector.bitcast %parallel_loop3A_312 : vector<16xi32> to vector<16xf32>
      tpu.vector_store_idx %arg15[%parallel_loop3A_302, %add3A_38], %parallel_loop3A_309 : memref<128x128xf32, #tpu.memory_space<vmem>>[vector<16xi32>, vector<16xi32>], vector<16xf32>,
      tpu.vector_store_idx %arg15[%parallel_loop3A_302, %add3A_62], %parallel_loop3A_313 : memref<128x128xf32, #tpu.memory_space<vmem>>[vector<16xi32>, vector<16xi32>], vector<16xf32>,
      %parallel_loop3A_314 = arith.index_cast %parallel_loop3A_301 : i32 to index
      %parallel_loop3A_315 = arith.constant 16 : index
      %parallel_loop3A_316 = tpu.vector_load %arg11[%parallel_loop3A_314, %parallel_loop3A_315] {strides = array<i32>} : memref<128x64xi32, #tpu.memory_space<vmem>>, vector<16xi32>,
      %parallel_loop3A_317 = arith.constant 16 : i32
      %parallel_loop3A_318 = vector.broadcast %parallel_loop3A_317 : i32 to vector<16xi32>
      %parallel_loop3A_319 = arith.shli %parallel_loop3A_316, %parallel_loop3A_318 : vector<16xi32>
      %parallel_loop3A_320 = vector.bitcast %parallel_loop3A_319 : vector<16xi32> to vector<16xf32>
      %parallel_loop3A_321 = arith.constant -65536 : i32
      %parallel_loop3A_322 = vector.broadcast %parallel_loop3A_321 : i32 to vector<16xi32>
      %parallel_loop3A_323 = arith.andi %parallel_loop3A_316, %parallel_loop3A_322 : vector<16xi32>
      %parallel_loop3A_324 = vector.bitcast %parallel_loop3A_323 : vector<16xi32> to vector<16xf32>
      tpu.vector_store_idx %arg15[%parallel_loop3A_302, %add3A_45], %parallel_loop3A_320 : memref<128x128xf32, #tpu.memory_space<vmem>>[vector<16xi32>, vector<16xi32>], vector<16xf32>,
      tpu.vector_store_idx %arg15[%parallel_loop3A_302, %add3A_65], %parallel_loop3A_324 : memref<128x128xf32, #tpu.memory_space<vmem>>[vector<16xi32>, vector<16xi32>], vector<16xf32>,
      %parallel_loop3A_325 = arith.index_cast %parallel_loop3A_301 : i32 to index
      %parallel_loop3A_326 = arith.constant 32 : index
      %parallel_loop3A_327 = tpu.vector_load %arg11[%parallel_loop3A_325, %parallel_loop3A_326] {strides = array<i32>} : memref<128x64xi32, #tpu.memory_space<vmem>>, vector<16xi32>,
      %parallel_loop3A_328 = arith.constant 16 : i32
      %parallel_loop3A_329 = vector.broadcast %parallel_loop3A_328 : i32 to vector<16xi32>
      %parallel_loop3A_330 = arith.shli %parallel_loop3A_327, %parallel_loop3A_329 : vector<16xi32>
      %parallel_loop3A_331 = vector.bitcast %parallel_loop3A_330 : vector<16xi32> to vector<16xf32>
      %parallel_loop3A_332 = arith.constant -65536 : i32
      %parallel_loop3A_333 = vector.broadcast %parallel_loop3A_332 : i32 to vector<16xi32>
      %parallel_loop3A_334 = arith.andi %parallel_loop3A_327, %parallel_loop3A_333 : vector<16xi32>
      %parallel_loop3A_335 = vector.bitcast %parallel_loop3A_334 : vector<16xi32> to vector<16xf32>
      tpu.vector_store_idx %arg15[%parallel_loop3A_302, %add3A_52], %parallel_loop3A_331 : memref<128x128xf32, #tpu.memory_space<vmem>>[vector<16xi32>, vector<16xi32>], vector<16xf32>,
      tpu.vector_store_idx %arg15[%parallel_loop3A_302, %add3A_68], %parallel_loop3A_335 : memref<128x128xf32, #tpu.memory_space<vmem>>[vector<16xi32>, vector<16xi32>], vector<16xf32>,
      %parallel_loop3A_336 = arith.index_cast %parallel_loop3A_301 : i32 to index
      %parallel_loop3A_337 = arith.constant 48 : index
      %parallel_loop3A_338 = tpu.vector_load %arg11[%parallel_loop3A_336, %parallel_loop3A_337] {strides = array<i32>} : memref<128x64xi32, #tpu.memory_space<vmem>>, vector<16xi32>,
      %parallel_loop3A_339 = arith.constant 16 : i32
      %parallel_loop3A_340 = vector.broadcast %parallel_loop3A_339 : i32 to vector<16xi32>
      %parallel_loop3A_341 = arith.shli %parallel_loop3A_338, %parallel_loop3A_340 : vector<16xi32>
      %parallel_loop3A_342 = vector.bitcast %parallel_loop3A_341 : vector<16xi32> to vector<16xf32>
      %parallel_loop3A_343 = arith.constant -65536 : i32
      %parallel_loop3A_344 = vector.broadcast %parallel_loop3A_343 : i32 to vector<16xi32>
      %parallel_loop3A_345 = arith.andi %parallel_loop3A_338, %parallel_loop3A_344 : vector<16xi32>
      %parallel_loop3A_346 = vector.bitcast %parallel_loop3A_345 : vector<16xi32> to vector<16xf32>
      tpu.vector_store_idx %arg15[%parallel_loop3A_302, %add3A_59], %parallel_loop3A_342 : memref<128x128xf32, #tpu.memory_space<vmem>>[vector<16xi32>, vector<16xi32>], vector<16xf32>,
      tpu.vector_store_idx %arg15[%parallel_loop3A_302, %add3A_71], %parallel_loop3A_346 : memref<128x128xf32, #tpu.memory_space<vmem>>[vector<16xi32>, vector<16xi32>], vector<16xf32>,
    } {sc.loop_unroll_factor = 4 : i64, sc.parallel_access}
    %add3A_264 = arith.constant 384 : i32
    %add3A_265 = arith.addi %mul3A_32, %add3A_264 : i32
    %dma_start3A_266 = arith.constant 0 : i32
    %dma_start3A_267 = arith.constant 0 : i32
    %dma_start3A_268 = tpu.memref_slice %arg6[%select_n3A, %add3A_265, %dma_start3A_266, %dma_start3A_267] : memref<4x4096x1x128xf32, #tpu.memory_space<hbm>> -> memref<1x128x1x128xf32, #tpu.memory_space<hbm>>
    %dma_start3A_269 = tpu.memref_squeeze %dma_start3A_268 : memref<1x128x1x128xf32, #tpu.memory_space<hbm>> -> memref<128x128xf32, #tpu.memory_space<hbm>>
    %dma_start3A_270 = arith.constant 0 : i32
    %dma_start3A_271 = tpu.memref_slice %arg6[%select_n3A, %add3A_265, %dma_start3A_266, %dma_start3A_270] : memref<4x4096x1x128xf32, #tpu.memory_space<hbm>> -> memref<1x128x1x128xf32, #tpu.memory_space<hbm>>
    %dma_start3A_272 = tpu.memref_squeeze %dma_start3A_271 : memref<1x128x1x128xf32, #tpu.memory_space<hbm>> -> memref<128x128xf32, #tpu.memory_space<hbm>>
    tpu.enqueue_dma source(%arg15 : memref<128x128xf32, #tpu.memory_space<vmem>>) target(%dma_start3A_272 : memref<128x128xf32, #tpu.memory_space<hbm>>) target_semaphore(%arg23 : memref<!tpu.dma_semaphore, #tpu.memory_space<semaphore_mem>>)
    %dma_wait3A_273 = arith.constant 0 : i32
    %dma_wait3A_274 = arith.constant 0 : i32
    %dma_wait3A_275 = tpu.memref_slice %arg6[%select_n3A, %add3A_193, %dma_wait3A_273, %dma_wait3A_274] : memref<4x4096x1x128xf32, #tpu.memory_space<hbm>> -> memref<1x128x1x128xf32, #tpu.memory_space<hbm>>
    %dma_wait3A_276 = tpu.memref_squeeze %dma_wait3A_275 : memref<1x128x1x128xf32, #tpu.memory_space<hbm>> -> memref<128x128xf32, #tpu.memory_space<hbm>>
    %dma_wait3A_277 = arith.constant 0 : i32
    %dma_wait3A_278 = tpu.memref_slice %arg6[%select_n3A, %add3A_193, %dma_wait3A_273, %dma_wait3A_277] : memref<4x4096x1x128xf32, #tpu.memory_space<hbm>> -> memref<1x128x1x128xf32, #tpu.memory_space<hbm>>
    %dma_wait3A_279 = tpu.memref_squeeze %dma_wait3A_278 : memref<1x128x1x128xf32, #tpu.memory_space<hbm>> -> memref<128x128xf32, #tpu.memory_space<hbm>>
    tpu.wait_dma2 semaphore(%arg20 : memref<!tpu.dma_semaphore, #tpu.memory_space<semaphore_mem>>) src(%arg12 : memref<128x128xf32, #tpu.memory_space<vmem>>) dst(%dma_wait3A_279 : memref<128x128xf32, #tpu.memory_space<hbm>>)
    %dma_wait3A_280 = arith.constant 0 : i32
    %dma_wait3A_281 = arith.constant 0 : i32
    %dma_wait3A_282 = tpu.memref_slice %arg6[%select_n3A, %add3A_217, %dma_wait3A_280, %dma_wait3A_281] : memref<4x4096x1x128xf32, #tpu.memory_space<hbm>> -> memref<1x128x1x128xf32, #tpu.memory_space<hbm>>
    %dma_wait3A_283 = tpu.memref_squeeze %dma_wait3A_282 : memref<1x128x1x128xf32, #tpu.memory_space<hbm>> -> memref<128x128xf32, #tpu.memory_space<hbm>>
    %dma_wait3A_284 = arith.constant 0 : i32
    %dma_wait3A_285 = tpu.memref_slice %arg6[%select_n3A, %add3A_217, %dma_wait3A_280, %dma_wait3A_284] : memref<4x4096x1x128xf32, #tpu.memory_space<hbm>> -> memref<1x128x1x128xf32, #tpu.memory_space<hbm>>
    %dma_wait3A_286 = tpu.memref_squeeze %dma_wait3A_285 : memref<1x128x1x128xf32, #tpu.memory_space<hbm>> -> memref<128x128xf32, #tpu.memory_space<hbm>>
    tpu.wait_dma2 semaphore(%arg21 : memref<!tpu.dma_semaphore, #tpu.memory_space<semaphore_mem>>) src(%arg13 : memref<128x128xf32, #tpu.memory_space<vmem>>) dst(%dma_wait3A_286 : memref<128x128xf32, #tpu.memory_space<hbm>>)
    %dma_wait3A_287 = arith.constant 0 : i32
    %dma_wait3A_288 = arith.constant 0 : i32
    %dma_wait3A_289 = tpu.memref_slice %arg6[%select_n3A, %add3A_241, %dma_wait3A_287, %dma_wait3A_288] : memref<4x4096x1x128xf32, #tpu.memory_space<hbm>> -> memref<1x128x1x128xf32, #tpu.memory_space<hbm>>
    %dma_wait3A_290 = tpu.memref_squeeze %dma_wait3A_289 : memref<1x128x1x128xf32, #tpu.memory_space<hbm>> -> memref<128x128xf32, #tpu.memory_space<hbm>>
    %dma_wait3A_291 = arith.constant 0 : i32
    %dma_wait3A_292 = tpu.memref_slice %arg6[%select_n3A, %add3A_241, %dma_wait3A_287, %dma_wait3A_291] : memref<4x4096x1x128xf32, #tpu.memory_space<hbm>> -> memref<1x128x1x128xf32, #tpu.memory_space<hbm>>
    %dma_wait3A_293 = tpu.memref_squeeze %dma_wait3A_292 : memref<1x128x1x128xf32, #tpu.memory_space<hbm>> -> memref<128x128xf32, #tpu.memory_space<hbm>>
    tpu.wait_dma2 semaphore(%arg22 : memref<!tpu.dma_semaphore, #tpu.memory_space<semaphore_mem>>) src(%arg14 : memref<128x128xf32, #tpu.memory_space<vmem>>) dst(%dma_wait3A_293 : memref<128x128xf32, #tpu.memory_space<hbm>>)
    %dma_wait3A_294 = arith.constant 0 : i32
    %dma_wait3A_295 = arith.constant 0 : i32
    %dma_wait3A_296 = tpu.memref_slice %arg6[%select_n3A, %add3A_265, %dma_wait3A_294, %dma_wait3A_295] : memref<4x4096x1x128xf32, #tpu.memory_space<hbm>> -> memref<1x128x1x128xf32, #tpu.memory_space<hbm>>
    %dma_wait3A_297 = tpu.memref_squeeze %dma_wait3A_296 : memref<1x128x1x128xf32, #tpu.memory_space<hbm>> -> memref<128x128xf32, #tpu.memory_space<hbm>>
    %dma_wait3A_298 = arith.constant 0 : i32
    %dma_wait3A_299 = tpu.memref_slice %arg6[%select_n3A, %add3A_265, %dma_wait3A_294, %dma_wait3A_298] : memref<4x4096x1x128xf32, #tpu.memory_space<hbm>> -> memref<1x128x1x128xf32, #tpu.memory_space<hbm>>
    %dma_wait3A_300 = tpu.memref_squeeze %dma_wait3A_299 : memref<1x128x1x128xf32, #tpu.memory_space<hbm>> -> memref<128x128xf32, #tpu.memory_space<hbm>>
    tpu.wait_dma2 semaphore(%arg23 : memref<!tpu.dma_semaphore, #tpu.memory_space<semaphore_mem>>) src(%arg15 : memref<128x128xf32, #tpu.memory_space<vmem>>) dst(%dma_wait3A_300 : memref<128x128xf32, #tpu.memory_space<hbm>>)
    return
  }
}

</mosaic_0001>

<sc_bundles>
// kernel: kernel.3.cloned.1.call-start
scs
__scs_entry_jumppad:
0x0: {  	(pc) =	sbr.rel $0x88, $3  }
0x1: {  	(tag) =	ssettag $0x0;
	lr =	simm.s32 $0x1  }
0x2: {  	[smem:$0x3F9E] =	sst lr;
	_ =	strace $0xD0000000  }
0x3: {  	_ = 	snop  }
0x4: {  	_ = 	snop  }
0x5: {  	_ = 	snop  }
0x6: {  	_ = 	snop  }
0x7: {  	_ = 	snop  }
__scs_overlays_trampoline_lowered:
0x8: {  	[smem:$0x3FAD] =	sst s0  }
0x9: {  	[smem:$0x3FAE] =	sst s1  }
0xa: {  	[smem:$0x3FAF] =	sst s2  }
0xb: {  	[smem:$0x3FB0] =	sst s3  }
0xc: {  	[smem:$0x3FB1] =	sst s4  }
0xd: {  	[smem:$0x3FB2] =	sst s5  }
0xe: {  	[smem:$0x3FB3] =	sst s6  }
0xf: {  	[smem:$0x3FB4] =	sst s7  }
0x10: {  	[smem:$0x3FB5] =	sst s8  }
0x11: {  	[smem:$0x3FB6] =	sst s9;
	s0 =	simm.s32 @!p0 $0x0  }
0x12: {  	s1 =	sld [smem:$0x3F9C];
	s0 =	simm.s32 @p0 $0x1  }
0x13: {  	[smem:$0x3FB7] =	sst s0;
	s0 =	simm.s32 @!p1 $0x0  }
0x14: {  	s2 =	sld [smem:$0x3F9B];
	s0 =	simm.s32 @p1 $0x1  }
0x15: {  	[smem:$0x3FB8] =	sst s0;
	s0 =	simm.s32 @!p2 $0x0  }
0x16: {  	s3 =	sld [smem:$0x3FDB];
	s0 =	simm.s32 @p2 $0x1  }
0x17: {  	s4 =	simm.s32 $0x1BF5;
	[smem:$0x3FBA] =	sst s0  }
0x18: {  	s0 =	sld [smem:$0x3F9D];
	_ =	swait.ge [sflag:s4], $0x0  }
0x19: {  	s7 =	sld [smem:$0x3F9E]  }
0x1a: {  	s8 =	sadd.s32 $0xFFFFE003, lr  }
0x1b: {  	s9 =	sadd.s32 $0xFFFFFEF7, lr;
	s5 =	simm.s32 $0xFFFFFFFF;
	p2 =	slt.u32 s8, $0xFFFFF086  }
0x1c: {  	p1 =	slt.u32 s9, $0xF7A;
	s5 =	simm.s32 @!p2 $0x0  }
0x1d: {  	s5 =	simm.s32 @p1 $0x1;
	p0 =	seq.s32 s7, s2  }
0x1e: {  	s7 =	smul.u32 @!p0 $0xF7A, s2;
	p2 =	seq.s32 @!p0 s5, $0x0  }
0x1f: {  	s9 =	smul.u32 $0xF7A, s1;
	s8 =	simm.s32 @!p0 $0x1BF5;
	p2 =	por !p2, p0  }
0x20: {  	[sflag:s8] =	ssyncset.s32 @!p0 $0xFFFFF086;
	s6 =	sadd.s32 @!p0 s3, s7;
	s7 =	simm.s32 @!p0 $0x108  }
0x21: {  	s3 =	sadd.s32 s3, s9;
	s6 =	sadd.s32 @!p0 $0x88, s6;
	s7 =	simm.s32 @p2 $0x1082  }
0x22: {  	[simem:s7], [sflag:s8] =	dma.local @!p0 [hbm:s6], $0xF7A  }
0x23: {  	s9 =	sor.u32 $0xD0000000, s2;
	s6 =	simm.s32 $0x108;
	_ =	swait.ge @!p0 [sflag:s8], $0x0  }
0x24: {  	s3 =	sadd.s32 $0x88, s3;
	s6 =	simm.s32 @!p1 $0x1082;
	[sflag:s4] =	ssyncset.s32 $0xFFFFF086  }
0x25: {  	[simem:s6], [sflag:s4] =	dma.local [hbm:s3], $0xF7A  }
0x26: {  	[smem:$0x3F9E] =	sst s1;
	(tag) =	ssettag s2;
	_ =	strace s9  }
0x27: {  	s1 =	sld [smem:$0x3FAE]  }
0x28: {  	s2 =	sld [smem:$0x3FAF]  }
0x29: {  	s4 =	sld [smem:$0x3FB1]  }
0x2a: {  	p0 =	seq.s32 s5, $0x0;
	s5 =	sld [smem:$0x3FB2]  }
0x2b: {  	s6 =	sld [smem:$0x3FB3]  }
0x2c: {  	s7 =	sld [smem:$0x3FB4]  }
0x2d: {  	s3 =	simm.s32 $0x108;
	s8 =	sld [smem:$0x3FB5]  }
0x2e: {  	s3 =	simm.s32 @!p0 $0x1082;
	s9 =	sld [smem:$0x3FB6]  }
0x2f: {  	lr =	sadd.s32 s0, s3;
	s0 =	sld [smem:$0x3FAD]  }
0x30: {  	s3 =	sld [smem:$0x3FB0]  }
0x31: {  	[smem:$0x3FB9] =	sst s10  }
0x32: {  	s10 =	sld [smem:$0x3FB7];
	_ =	sdelay $0x3  }
0x33: {  	p0 =	seq.s32 s10, $0x1;
	s10 =	sld [smem:$0x3FB9];
	_ =	sdelay $0x3  }
0x34: {  	[smem:$0x3FB9] =	sst s10  }
0x35: {  	s10 =	sld [smem:$0x3FB8];
	_ =	sdelay $0x3  }
0x36: {  	p1 =	seq.s32 s10, $0x1;
	s10 =	sld [smem:$0x3FB9];
	_ =	sdelay $0x3  }
0x37: {  	[smem:$0x3FB9] =	sst s10  }
0x38: {  	s10 =	sld [smem:$0x3FBA]  }
0x39: {  	_ = 	snop;
	(pc) =	sbr.ind lr, $3  }
0x3a: {  	_ = 	snop  }
0x3b: {  	_ = 	snop  }
0x3c: {  	p2 =	seq.s32 s10, $0x1;
	s10 =	sld [smem:$0x3FB9]  }
0x3d: {  	_ =	shalt  }
0x3e: {  	_ =	shalt  }
0x3f: {  	_ =	shalt  }
0x40: {  	_ =	shalt  }
0x41: {  	_ =	shalt  }
0x42: {  	_ =	shalt  }
0x43: {  	_ =	shalt  }
0x44: {  	_ =	shalt  }
0x45: {  	_ =	shalt  }
0x46: {  	_ =	shalt  }
0x47: {  	_ =	shalt  }
0x48: {  	_ =	shalt  }
0x49: {  	_ =	shalt  }
0x4a: {  	_ =	shalt  }
0x4b: {  	_ =	shalt  }
0x4c: {  	_ =	shalt  }
0x4d: {  	_ =	shalt  }
0x4e: {  	_ =	shalt  }
0x4f: {  	_ =	shalt  }
0x50: {  	_ =	shalt  }
0x51: {  	_ =	shalt  }
0x52: {  	_ =	shalt  }
0x53: {  	_ =	shalt  }
0x54: {  	_ =	shalt  }
0x55: {  	_ =	shalt  }
0x56: {  	_ =	shalt  }
0x57: {  	_ =	shalt  }
0x58: {  	_ =	shalt  }
0x59: {  	_ =	shalt  }
0x5a: {  	_ =	shalt  }
0x5b: {  	_ =	shalt  }
0x5c: {  	_ =	shalt  }
0x5d: {  	_ =	shalt  }
0x5e: {  	_ =	shalt  }
0x5f: {  	_ =	shalt  }
0x60: {  	_ =	shalt  }
0x61: {  	_ =	shalt  }
0x62: {  	_ =	shalt  }
0x63: {  	_ =	shalt  }
0x64: {  	_ =	shalt  }
0x65: {  	_ =	shalt  }
0x66: {  	_ =	shalt  }
0x67: {  	_ =	shalt  }
0x68: {  	_ =	shalt  }
0x69: {  	_ =	shalt  }
0x6a: {  	_ =	shalt  }
0x6b: {  	_ =	shalt  }
0x6c: {  	_ =	shalt  }
0x6d: {  	_ =	shalt  }
0x6e: {  	_ =	shalt  }
0x6f: {  	_ =	shalt  }
0x70: {  	_ =	shalt  }
0x71: {  	_ =	shalt  }
0x72: {  	_ =	shalt  }
0x73: {  	_ =	shalt  }
0x74: {  	_ =	shalt  }
0x75: {  	_ =	shalt  }
0x76: {  	_ =	shalt  }
0x77: {  	_ =	shalt  }
0x78: {  	_ =	shalt  }
0x79: {  	_ =	shalt  }
0x7a: {  	_ =	shalt  }
0x7b: {  	_ =	shalt  }
0x7c: {  	_ =	shalt  }
0x7d: {  	_ =	shalt  }
0x7e: {  	_ =	shalt  }
0x7f: {  	_ =	shalt  }
0x80: {  	_ =	shalt  }
0x81: {  	_ =	shalt  }
0x82: {  	_ =	shalt  }
0x83: {  	_ =	shalt  }
0x84: {  	_ =	shalt  }
0x85: {  	_ =	shalt  }
0x86: {  	_ =	shalt  }
0x87: {  	_ =	shalt  }
.Lfunc_end0:
.L_simem_size_0:
called_computation_lowered:
.L_overlay_start_0:
0x88: {  	s2 =	sld [smem:$0x3FD9]  }
0x89: {  	s3 =	sld [smem:$0x3FFE];
	_ =	sdelay $0x1  }
0x8a: {  	s1 =	srdreg.scid  }
0x8b: {  	s0 =	sand.u32 $0x1, s1  }
0x8c: {  	s14 =	sshll.u32 s0, $0xA;
	s2 =	sadd.s32 s3, s2  }
0x8d: {  	s2 =	sadd.s32 s2, s14  }
0x8e: {  	[smem:$0x3FC5] =	sst s2  }
0x8f: {  	_ = 	snop  }
0x90: {  	s2 =	sld [smem:$0x3FD0];
	_ =	sdelay $0x2  }
0x91: {  	s15 =	simm.s32 $0xA;
	s4 =	simm.s32 $0x10  }
0x92: {  	[smem:s4], [sflag:s15] =	dma.local [hbm:s2], $0x1  }
0x93: {  	_ =	swait.eq [sflag:s15], $0x1  }
0x94: {  	[sflag:s15] =	ssyncset.done $0x0  }
0x95: {  	s16 =	sld [smem:$0x10];
	[sflag:s15] =	ssyncadd.s32 $0xFFFFFFFF  }
0x96: {  	s17 =	sld [smem:$0x11];
	(tm) =	ssettm $0x1  }
0x97: {  	s18 =	sld [smem:$0x3FFB];
	_ =	sdelay $0x3  }
0x98: {  	_ =	strace s18  }
0x99: {  	s4 =	sld [smem:$0x3FFC];
	_ =	sdelay $0x3  }
0x9a: {  	_ =	strace s4  }
0x9b: {  	s4 =	sld [smem:$0x3FFD];
	_ =	sdelay $0x3  }
0x9c: {  	_ =	strace s4  }
0x9d: {  	_ =	strace $0x8FFFFFFF  }
0x9e: {  	s19 =	sld [smem:$0x3FDB];
	_ =	sdelay $0x1  }
0x9f: {  	s5 =	simm.s32 $_scs_section_size  }
0xa0: {  	s6 =	simm.s32 $_size__tile_overlayer_lowered;
	s7 =	simm.s32 $_tile_overlayer_lowered  }
0xa1: {  	s22 =	simm.s32 $0x1BFF;
	s21 =	sshll.u32 s7, $0x1;
	s4 =	sadd.s32 s5, s19  }
0xa2: {  	s8 =	simm.s32 $0x0;
	s20 =	sshll.u32 s6, $0x1;
	s6 =	sadd.s32 s21, s4  }
0xa3: {  	[timem:s8], [sflag:s22] =	dma.local [hbm:s6], s20  }
0xa4: {  	_ =	swait.ge [sflag:s22], s20  }
0xa5: {  	s5 =	ssub.s32 $0x0, s20;
	[sflag:s22] =	ssyncset.done $0x0  }
0xa6: {  	[sflag:s22] =	ssyncadd.s32 s5;
	_ =	sdelay $0x1  }
0xa7: {  	s23 =	simm.s32 $0x1B8B  }
0xa8: {  	_ =	swait.ge [sflag:s23], $0x1  }
0xa9: {  	[sflag:s23] =	ssyncset.done $0x0  }
0xaa: {  	s25 =	simm.s32 $0x1B8E;
	s24 =	sld [smem:$0x3FFE];
	[sflag:s23] =	ssyncadd.s32 $0xFFFFFFFF  }
0xab: {  	s26 =	simm.s32 $execute0_lowered;
	[smem:$0x3FD2] =	sst s25  }
0xac: {  	s6 =	sshll.u32 s26, $0x1;
	_ =	strace $0x80000046;
	[dreg:$0x1] =	wrdreg $0xFFFFFFFF  }
0xad: {  	s28 =	simm.s32 $_size_execute0_lowered;
	s4 =	sadd.s32 s4, s6;
	[dreg:$0x0] =	wrdreg $0x0  }
0xae: {  	s6 =	sshll.u32 s28, $0x1;
	[dreg:$0x2] =	wrdreg s4  }
0xaf: {  	[dreg:$0x3] =	wrdreg s6  }
0xb0: {  	[dreg:$0x4] =	wrdreg $0xC0  }
0xb1: {  	_ =	task [dreg:s8], $0x5FFFF  }
0xb2: {  	[dreg:$0x1] =	wrdreg $0xFFFFFFFF  }
0xb3: {  	[dreg:$0x0] =	wrdreg $0x60  }
0xb4: {  	[dreg:$0x2] =	wrdreg s24  }
0xb5: {  	[dreg:$0x3] =	wrdreg s16  }
0xb6: {  	[dreg:$0x4] =	wrdreg s17  }
0xb7: {  	[dreg:$0x5] =	wrdreg $0x9  }
0xb8: {  	_ =	task.clear_ibuf [dreg:s8], $0x6FFFF;
	_ =	strace $0x90000046  }
0xb9: {  	s29 =	simm.s32 $0x9;
	_ =	strace $0x80000048  }
0xba: {  	_ =	swait.ge [sflag:s29], $0x1  }
0xbb: {  	[sflag:s29] =	ssyncadd.s32 $0xFFFFFFFF  }
0xbc: {  	_ =	strace $0x90000048  }
0xbd: {  	_ =	sfence  }
0xbe: {  	s30 =	sld [smem:$0x0];
	_ =	sdelay $0x2  }
0xbf: {  	s31 =	sshll.u32 s1, $0xD;
	s1 =	sshrl.u32 s1, $0x2  }
0xc0: {  	s3 =	sand.u32 $0x4000, s31;
	s1 =	sadd.s32 s1, s30  }
0xc1: {  	s0 =	sor.u32 s3, s0;
	s1 =	sshll.u32 s1, $0x11  }
0xc2: {  	s0 =	sor.u32 s1, s0  }
0xc3: {  	s0 =	sadd.s32 $0x8F2B, s0  }
0xc4: {  	[sflag:s0] =	ssyncadd.remote.s32 $0x1  }
0xc5: {  	_ =	sfence.sel $0xFFFF  }
0xc6: {  	[dreg:$0x0] =	wrdreg $0xFFFFFFFF;
	(pc) =	sbr.abs _section_cstart, $3  }
0xc7: {  	[dreg:$0x1] =	wrdreg $0xFFFFFFFF  }
0xc8: {  	_ =	task.clear_ibuf [dreg:s8], $0x2FFFF;
	_ =	strace $0x9FFFFFFF  }
0xc9: {  	(tm) =	ssettm $0x7FFFFFFF  }
tec
execute0_lowered:
.L_overlay_start_1:
0x0: {  	(tag) =	ssettag $0x1  }
0x1: {  	s0 =	rddreg [dreg:$0x0]  }
0x2: {  	s1 =	rddreg [dreg:$0x1]  }
0x3: {  	s5 =	rddreg [dreg:$0x2]  }
0x4: {  	s2 =	simm.s32 $0x0;
	s9 =	stileid.u32;
	s6 =	srdreg.scid  }
0x5: {  	s15 =	simm.s32 $0x9;
	s16 =	simm.s32 $0x80;
	s28 =	simm.s32 $0x3  }
0x6: {  	s29 =	simm.s32 $0x10200;
	s30 =	simm.s32 $0x4;
	s31 =	simm.s32 $0x14200  }
0x7: {  	s17 =	simm.s32 $0x7;
	s18 =	simm.s32 $0x8;
	s19 =	simm.s32 $0x0  }
0x8: {  	[smem:$0x7FF] =	sst s2;
	s3 =	sadd.s32 $0x800, s0;
	s7 =	sshll.u32 s9, $0x1  }
0x9: {  	s4 =	sadd.s32 $0xC400, s0;
	s6 =	sand.u32 $0x1, s6;
	s9 =	sshrl.u32 s9, $0x2  }
0xa: {  	_ =	strace $0x80000047;
	s7 =	sand.u32 $0x6, s7;
	s8 =	ssub.s32 $0x2, s6  }
0xb: {  	s11 =	sshll.u32 s9, $0x9;
	s9 =	sshll.u32 s9, $0x10;
	s6 =	sor.u32 s6, s7  }
0xc: {  	s20 =	sshrl.u32 s8, $0x1;
	s0 =	sadd.s32 s0, s11;
	s10 =	sshll.u32 s6, $0x6  }
0xd: {  	s6 =	sshll.u32 s6, $0xD;
	s7 =	ssub.s32 s8, s20;
	s0 =	sadd.s32 s10, s0  }
0xe: {  	s21 =	sor.u32 s9, s6;
	s14 =	smax.u32 s7, $0x1;
	[dreg:$0x4] =	wrdreg s0  }
0xf: {  	s6 =	sadd.s32 s1, s21;
	s22 =	sor.u32 $0x800, s21;
	s23 =	sor.u32 $0x1000, s21  }
0x10: {  	v0 =	vlaneseq.u32;
	s26 =	sor.u32 $0x1800, s21;
	s10 =	sadd.s32 s5, s21;
	s0 =	simm.s32 $0x5  }
0x11: {  	v0 =	vmul.u32 $0x2, v0;
	[dreg:$0x5] =	wrdreg s6;
	s24 =	sadd.s32 s1, s22;
	s25 =	sadd.s32 s1, s23  }
0x12: {  	s1 =	sadd.s32 s1, s26;
	s11 =	sadd.s32 s5, s22;
	[dreg:$0x6] =	wrdreg s24  }
0x13: {  	v1 =	vor.u32 $0x1, v0;
	s12 =	sadd.s32 s5, s23;
	s13 =	sadd.s32 s5, s26;
	[dreg:$0x7] =	wrdreg s25  }
0x14: {  	v2 =	vor.u32 $0x20, v0;
	v3 =	vor.u32 $0x21, v0;
	v4 =	vor.u32 $0x40, v0;
	s23 =	simm.s32 $0x1;
	s26 =	simm.s32 $0xC200;
	[dreg:$0x8] =	wrdreg s1  }
0x15: {  	v5 =	vor.u32 $0x41, v0;
	v6 =	vor.u32 $0x60, v0;
	v7 =	vor.u32 $0x61, v0;
	s24 =	simm.s32 $0x8200;
	s25 =	simm.s32 $0x2;
	s1 =	simm.s32 $0x6  }
.LBB2_1:
0x16: {  	s5 =	rddreg [dreg:$0x4]  }
0x17: {  	[tilespmem:s2], [sflag:$0x9] =	stream.linear.gather [hbm4b:s5+s2], $0x200, $0x38;
	[tilespmem:$0x18200] =	vst v63  }
0x18: {  	_ =	swait.ge [sflag:s15], $0x200  }
0x19: {  	[sflag:s15] =	ssyncset.done $0x0  }
0x1a: {  	s7 =	simm.s32 $0x200;
	[sflag:s15] =	ssyncadd.s32 $0xFFFFFE00  }
0x1b: {  	[tilespmem:s7], [sflag:$0x1] =	stream.indirect.gather [hbm4b:s3+s16], $0x40, s2, s16, $0xb8;
	[tilespmem:$0x18200] =	vst v63  }
0x1c: {  	s8 =	simm.s32 $0x2200  }
0x1d: {  	[tilespmem:s8], [sflag:$0x2] =	stream.indirect.gather [hbm4b:s3+s16], $0x40, s16, s16, $0xb8;
	[tilespmem:$0x18200] =	vst v63  }
0x1e: {  	s9 =	simm.s32 $0x100;
	s6 =	simm.s32 $0x4200  }
0x1f: {  	[tilespmem:s6], [sflag:$0x3] =	stream.indirect.gather [hbm4b:s3+s16], $0x40, s9, s16, $0xb8;
	[tilespmem:$0x18200] =	vst v63  }
0x20: {  	s20 =	simm.s32 $0x180;
	s21 =	simm.s32 $0x6200  }
0x21: {  	[tilespmem:s21], [sflag:$0x4] =	stream.indirect.gather [hbm4b:s3+s16], $0x40, s20, s16, $0xb8;
	[tilespmem:$0x18200] =	vst v63  }
0x22: {  	_ =	swait.ge [sflag:s23], $0x2000  }
0x23: {  	[sflag:s23] =	ssyncset.done $0x0  }
0x24: {  	s21 =	simm.s32 $0x280;
	[sflag:s23] =	ssyncadd.s32 $0xFFFFE000  }
0x25: {  	s22 =	simm.s32 $0x180;
	v8 =	vld [tilespmem:s21+$0x40]  }
0x26: {  	v9 =	vor.u32 s22, v0  }
0x27: {  	v11 =	vor.u32 s22, v1;
	s7 =	simm.s32 $0x80;
	v10 =	vld [tilespmem:s21+$0xFFFFFFC0]  }
0x28: {  	v12 =	vor.u32 s7, v0  }
0x29: {  	v13 =	vor.u32 s7, v1;
	s20 =	simm.s32 $0x100;
	v14 =	vld [tilespmem:s21+$0x0]  }
0x2a: {  	v15 =	vor.u32 s20, v0;
	v16 =	vshll.u32 v8, $0x10  }
0x2b: {  	s5 =	simm.s32 $0x0;
	v17 =	vor.u32 s20, v1;
	v18 =	vld [tilespmem:s21+$0xFFFFFF80];
	v8 =	vand.u32 $0xFFFF0000, v8;
	[tilespmem:v9+s24+$0x0] =	vst.idx.msk $0xffff, v16  }
0x2c: {  	v9 =	vor.u32 s5, v0;
	v16 =	vshll.u32 v10, $0x10;
	[tilespmem:v11+s24+$0x0] =	vst.idx.msk $0xffff, v8  }
0x2d: {  	v10 =	vand.u32 $0xFFFF0000, v10;
	v8 =	vor.u32 s5, v1;
	[tilespmem:v12+s24+$0x0] =	vst.idx.msk $0xffff, v16;
	v11 =	vld [tilespmem:s21+$0x50]  }
0x2e: {  	v12 =	vshll.u32 v14, $0x10;
	[tilespmem:v13+s24+$0x0] =	vst.idx.msk $0xffff, v10;
	v10 =	vor.u32 s22, v2  }
0x2f: {  	v13 =	vand.u32 $0xFFFF0000, v14;
	[tilespmem:v15+s24+$0x0] =	vst.idx.msk $0xffff, v12;
	v12 =	vor.u32 s22, v3;
	v14 =	vld [tilespmem:s21+$0xFFFFFFD0]  }
0x30: {  	v16 =	vshll.u32 v18, $0x10;
	v15 =	vor.u32 s7, v2;
	[tilespmem:v17+s24+$0x0] =	vst.idx.msk $0xffff, v13  }
0x31: {  	v13 =	vor.u32 s7, v3;
	v17 =	vand.u32 $0xFFFF0000, v18;
	[tilespmem:v9+s24+$0x0] =	vst.idx.msk $0xffff, v16;
	v9 =	vld [tilespmem:s21+$0x10]  }
0x32: {  	v16 =	vor.u32 s20, v2;
	[tilespmem:v8+s24+$0x0] =	vst.idx.msk $0xffff, v17;
	v8 =	vshll.u32 v11, $0x10  }
0x33: {  	v17 =	vor.u32 s20, v3;
	v18 =	vld [tilespmem:s21+$0xFFFFFF90];
	v11 =	vand.u32 $0xFFFF0000, v11;
	[tilespmem:v10+s24+$0x0] =	vst.idx.msk $0xffff, v8  }
0x34: {  	v8 =	vor.u32 s5, v2;
	v10 =	vshll.u32 v14, $0x10;
	[tilespmem:v12+s24+$0x0] =	vst.idx.msk $0xffff, v11  }
0x35: {  	v11 =	vor.u32 s5, v3;
	v12 =	vand.u32 $0xFFFF0000, v14;
	[tilespmem:v15+s24+$0x0] =	vst.idx.msk $0xffff, v10;
	v10 =	vld [tilespmem:s21+$0x60]  }
0x36: {  	[tilespmem:v13+s24+$0x0] =	vst.idx.msk $0xffff, v12;
	v12 =	vshll.u32 v9, $0x10;
	v13 =	vor.u32 s22, v4  }
0x37: {  	v9 =	vand.u32 $0xFFFF0000, v9;
	v14 =	vld [tilespmem:s21+$0xFFFFFFE0];
	[tilespmem:v16+s24+$0x0] =	vst.idx.msk $0xffff, v12;
	v12 =	vor.u32 s22, v5  }
0x38: {  	v15 =	vor.u32 s7, v4;
	v16 =	vshll.u32 v18, $0x10;
	[tilespmem:v17+s24+$0x0] =	vst.idx.msk $0xffff, v9  }
0x39: {  	v9 =	vor.u32 s7, v5;
	v17 =	vand.u32 $0xFFFF0000, v18;
	[tilespmem:v8+s24+$0x0] =	vst.idx.msk $0xffff, v16;
	v8 =	vld [tilespmem:s21+$0x20]  }
0x3a: {  	v16 =	vor.u32 s20, v4;
	[tilespmem:v11+s24+$0x0] =	vst.idx.msk $0xffff, v17;
	v11 =	vshll.u32 v10, $0x10  }
0x3b: {  	v17 =	vor.u32 s20, v5;
	v18 =	vld [tilespmem:s21+$0xFFFFFFA0];
	v10 =	vand.u32 $0xFFFF0000, v10;
	[tilespmem:v13+s24+$0x0] =	vst.idx.msk $0xffff, v11  }
0x3c: {  	v11 =	vor.u32 s5, v4;
	v13 =	vshll.u32 v14, $0x10;
	[tilespmem:v12+s24+$0x0] =	vst.idx.msk $0xffff, v10  }
0x3d: {  	v10 =	vor.u32 s5, v5;
	v12 =	vand.u32 $0xFFFF0000, v14;
	[tilespmem:v15+s24+$0x0] =	vst.idx.msk $0xffff, v13;
	v13 =	vld [tilespmem:s21+$0x70]  }
0x3e: {  	[tilespmem:v9+s24+$0x0] =	vst.idx.msk $0xffff, v12;
	v9 =	vshll.u32 v8, $0x10;
	v12 =	vor.u32 s22, v6  }
0x3f: {  	v8 =	vand.u32 $0xFFFF0000, v8;
	v14 =	vld [tilespmem:s21+$0xFFFFFFF0];
	[tilespmem:v16+s24+$0x0] =	vst.idx.msk $0xffff, v9;
	v9 =	vor.u32 s22, v7  }
0x40: {  	s6 =	simm.s32 $0x380;
	v15 =	vor.u32 s7, v6;
	v16 =	vshll.u32 v18, $0x10;
	[tilespmem:v17+s24+$0x0] =	vst.idx.msk $0xffff, v8  }
0x41: {  	s8 =	simm.s32 $0x380;
	v8 =	vor.u32 s7, v7;
	v17 =	vand.u32 $0xFFFF0000, v18;
	[tilespmem:v11+s24+$0x0] =	vst.idx.msk $0xffff, v16;
	v11 =	vld [tilespmem:s6+$0x40]  }
0x42: {  	v16 =	vor.u32 s8, v0;
	[tilespmem:v10+s24+$0x0] =	vst.idx.msk $0xffff, v17;
	v10 =	vshll.u32 v13, $0x10  }
0x43: {  	s22 =	simm.s32 $0x280;
	v13 =	vand.u32 $0xFFFF0000, v13;
	[tilespmem:v12+s24+$0x0] =	vst.idx.msk $0xffff, v10;
	v10 =	vld [tilespmem:s6+$0xFFFFFFC0];
	v12 =	vor.u32 s8, v1  }
0x44: {  	v17 =	vshll.u32 v14, $0x10;
	[tilespmem:v9+s24+$0x0] =	vst.idx.msk $0xffff, v13;
	v9 =	vor.u32 s22, v0  }
0x45: {  	s7 =	simm.s32 $0x300;
	v13 =	vand.u32 $0xFFFF0000, v14;
	[tilespmem:v15+s24+$0x0] =	vst.idx.msk $0xffff, v17;
	v14 =	vor.u32 s22, v1;
	v15 =	vld [tilespmem:s6+$0x0]  }
0x46: {  	[tilespmem:v8+s24+$0x0] =	vst.idx.msk $0xffff, v13;
	v8 =	vor.u32 s7, v0;
	v13 =	vshll.u32 v11, $0x10  }
0x47: {  	s9 =	simm.s32 $0x200;
	v18 =	vld [tilespmem:s6+$0xFFFFFF80];
	v17 =	vor.u32 s7, v1;
	v11 =	vand.u32 $0xFFFF0000, v11;
	[tilespmem:v16+s24+$0x0] =	vst.idx.msk $0xffff, v13  }
0x48: {  	v13 =	vor.u32 s9, v0;
	v16 =	vshll.u32 v10, $0x10;
	[tilespmem:v12+s24+$0x0] =	vst.idx.msk $0xffff, v11  }
0x49: {  	v11 =	vor.u32 s9, v1;
	v10 =	vand.u32 $0xFFFF0000, v10;
	[tilespmem:v9+s24+$0x0] =	vst.idx.msk $0xffff, v16;
	v9 =	vld [tilespmem:s6+$0x50]  }
0x4a: {  	v12 =	vshll.u32 v15, $0x10;
	[tilespmem:v14+s24+$0x0] =	vst.idx.msk $0xffff, v10;
	v10 =	vor.u32 s8, v2  }
0x4b: {  	v14 =	vand.u32 $0xFFFF0000, v15;
	[tilespmem:v8+s24+$0x0] =	vst.idx.msk $0xffff, v12;
	v8 =	vor.u32 s8, v3;
	v15 =	vld [tilespmem:s6+$0xFFFFFFD0]  }
0x4c: {  	v16 =	vshll.u32 v18, $0x10;
	v12 =	vor.u32 s22, v2;
	[tilespmem:v17+s24+$0x0] =	vst.idx.msk $0xffff, v14  }
0x4d: {  	v14 =	vor.u32 s22, v3;
	v17 =	vand.u32 $0xFFFF0000, v18;
	[tilespmem:v13+s24+$0x0] =	vst.idx.msk $0xffff, v16;
	v13 =	vld [tilespmem:s6+$0x10]  }
0x4e: {  	v16 =	vor.u32 s7, v2;
	[tilespmem:v11+s24+$0x0] =	vst.idx.msk $0xffff, v17;
	v11 =	vshll.u32 v9, $0x10  }
0x4f: {  	v17 =	vor.u32 s7, v3;
	v18 =	vld [tilespmem:s6+$0xFFFFFF90];
	v9 =	vand.u32 $0xFFFF0000, v9;
	[tilespmem:v10+s24+$0x0] =	vst.idx.msk $0xffff, v11  }
0x50: {  	v10 =	vor.u32 s9, v2;
	v11 =	vshll.u32 v15, $0x10;
	[tilespmem:v8+s24+$0x0] =	vst.idx.msk $0xffff, v9  }
0x51: {  	v8 =	vor.u32 s9, v3;
	v9 =	vand.u32 $0xFFFF0000, v15;
	v15 =	vld [tilespmem:s21+$0x30];
	[tilespmem:v12+s24+$0x0] =	vst.idx.msk $0xffff, v11  }
0x52: {  	v21 =	vor.u32 s20, v6;
	v11 =	vld [tilespmem:s6+$0x60];
	[tilespmem:v14+s24+$0x0] =	vst.idx.msk $0xffff, v9;
	v9 =	vshll.u32 v13, $0x10  }
0x53: {  	v12 =	vor.u32 s8, v4;
	v13 =	vand.u32 $0xFFFF0000, v13;
	[tilespmem:v16+s24+$0x0] =	vst.idx.msk $0xffff, v9  }
0x54: {  	v14 =	vld [tilespmem:s6+$0xFFFFFFE0];
	v9 =	vor.u32 s8, v5;
	v19 =	vshll.u32 v18, $0x10;
	[tilespmem:v17+s24+$0x0] =	vst.idx.msk $0xffff, v13  }
0x55: {  	v16 =	vor.u32 s22, v4;
	v13 =	vand.u32 $0xFFFF0000, v18;
	[tilespmem:v10+s24+$0x0] =	vst.idx.msk $0xffff, v19  }
0x56: {  	v17 =	vor.u32 s22, v5;
	v10 =	vld [tilespmem:s6+$0x20];
	[tilespmem:v8+s24+$0x0] =	vst.idx.msk $0xffff, v13;
	v23 =	vshll.u32 v15, $0x10  }
0x57: {  	v34 =	vor.u32 s20, v7;
	v19 =	vor.u32 s7, v4;
	v8 =	vshll.u32 v11, $0x10;
	[tilespmem:v21+s24+$0x0] =	vst.idx.msk $0xffff, v23  }
0x58: {  	v25 =	vor.u32 s22, v6;
	v20 =	vor.u32 s7, v5;
	v22 =	vld [tilespmem:s6+$0xFFFFFFA0];
	v11 =	vand.u32 $0xFFFF0000, v11;
	[tilespmem:v12+s24+$0x0] =	vst.idx.msk $0xffff, v8  }
0x59: {  	v26 =	vor.u32 s22, v7;
	v18 =	vld [tilespmem:s21+$0xFFFFFFB0];
	v8 =	vor.u32 s9, v4;
	v13 =	vshll.u32 v14, $0x10;
	[tilespmem:v9+s24+$0x0] =	vst.idx.msk $0xffff, v11  }
0x5a: {  	s21 =	simm.s32 $0x580;
	v35 =	vand.u32 $0xFFFF0000, v15;
	v9 =	vor.u32 s9, v5;
	v11 =	vand.u32 $0xFFFF0000, v14;
	[tilespmem:v16+s24+$0x0] =	vst.idx.msk $0xffff, v13  }
0x5b: {  	v32 =	vor.u32 s21, v0;
	v33 =	vor.u32 s21, v1;
	v14 =	vld [tilespmem:s6+$0x70];
	[tilespmem:v17+s24+$0x0] =	vst.idx.msk $0xffff, v11;
	v11 =	vshll.u32 v10, $0x10  }
0x5c: {  	v12 =	vor.u32 s5, v6;
	v16 =	vor.u32 s8, v6;
	v10 =	vand.u32 $0xFFFF0000, v10;
	[tilespmem:v19+s24+$0x0] =	vst.idx.msk $0xffff, v11  }
0x5d: {  	s20 =	simm.s32 $0x480;
	v13 =	vor.u32 s5, v7;
	s5 =	simm.s32 $0x500;
	v24 =	vld [tilespmem:s6+$0xFFFFFFF0];
	v19 =	vor.u32 s8, v7;
	v11 =	vshll.u32 v22, $0x10;
	[tilespmem:v20+s24+$0x0] =	vst.idx.msk $0xffff, v10  }
0x5e: {  	v28 =	vld [tilespmem:s20+$0x40];
	v17 =	vshll.u32 v18, $0x10;
	v21 =	vor.u32 s5, v2;
	v15 =	vand.u32 $0xFFFF0000, v22;
	[tilespmem:v8+s24+$0x0] =	vst.idx.msk $0xffff, v11  }
0x5f: {  	v18 =	vand.u32 $0xFFFF0000, v18;
	v10 =	vor.u32 s9, v6;
	v8 =	vor.u32 s7, v7;
	[tilespmem:v9+s24+$0x0] =	vst.idx.msk $0xffff, v15;
	v15 =	vld [tilespmem:s6+$0x30]  }
0x60: {  	s22 =	simm.s32 $0x400;
	[tilespmem:v34+s24+$0x0] =	vst.idx.msk $0xffff, v35;
	v9 =	vor.u32 s7, v6;
	v11 =	vshll.u32 v14, $0x10;
	v20 =	vand.u32 $0xFFFF0000, v14;
	v14 =	vld [tilespmem:s6+$0xFFFFFFB0];
	s6 =	simm.s32 $0x480  }
0x61: {  	[tilespmem:v16+s24+$0x0] =	vst.idx.msk $0xffff, v11;
	v11 =	vor.u32 s9, v7;
	v16 =	vor.u32 s22, v2;
	v27 =	vor.u32 s6, v0  }
0x62: {  	v29 =	vld [tilespmem:s20+$0xFFFFFFC0];
	v23 =	vor.u32 s6, v2;
	v22 =	vshll.u32 v24, $0x10;
	v24 =	vand.u32 $0xFFFF0000, v24;
	[tilespmem:v19+s24+$0x0] =	vst.idx.msk $0xffff, v20  }
0x63: {  	v30 =	vld [tilespmem:s20+$0x0];
	v20 =	vor.u32 s22, v0;
	v19 =	vor.u32 s22, v1;
	[tilespmem:v25+s24+$0x0] =	vst.idx.msk $0xffff, v22;
	v25 =	vor.u32 s6, v1  }
0x64: {  	v31 =	vld [tilespmem:s20+$0xFFFFFF80];
	s7 =	simm.s32 $0xC;
	v22 =	vor.u32 s6, v3;
	[tilespmem:v26+s24+$0x0] =	vst.idx.msk $0xffff, v24;
	v26 =	vor.u32 s5, v0;
	v24 =	vor.u32 s5, v1  }
.LBB2_2:
0x65: {  	p0 =	slt.u32 s7, $0x7C;
	v34 =	vor.u32 s22, v3;
	v35 =	vor.u32 s6, v4;
	v36 =	vor.u32 s5, v3;
	[tilespmem:v12+s24+$0x0] =	vst.idx.msk $0xffff, v17;
	v12 =	vmovc v10  }
0x66: {  	v37 =	vor.u32 s6, v5;
	v38 =	vor.u32 s5, v4;
	v10 =	vshll.u32 v28, $0x10;
	[tilespmem:v13+s24+$0x0] =	vst.idx.msk $0xffff, v18;
	v13 =	vmovc v11  }
0x67: {  	v18 =	vand.u32 $0xFFFF0000, v28;
	v11 =	vshll.u32 v29, $0x10;
	v17 =	vand.u32 $0xFFFF0000, v29;
	[tilespmem:v32+s24+$0x0] =	vst.idx.msk $0xffff, v10  }
0x68: {  	v29 =	vor.u32 s5, v5;
	v10 =	vshll.u32 v30, $0x10;
	v28 =	vand.u32 $0xFFFF0000, v30;
	[tilespmem:v33+s24+$0x0] =	vst.idx.msk $0xffff, v18  }
0x69: {  	v32 =	vor.u32 s22, v4;
	v30 =	vshll.u32 v31, $0x10;
	v31 =	vand.u32 $0xFFFF0000, v31;
	[tilespmem:v27+s24+$0x0] =	vst.idx.msk $0xffff, v11;
	v27 =	vld [tilespmem:s20+$0x50]  }
0x6a: {  	v39 =	vshll.u32 v15, $0x10;
	v33 =	vor.u32 s22, v5;
	[tilespmem:v25+s24+$0x0] =	vst.idx.msk $0xffff, v17;
	v25 =	vor.u32 s21, v2  }
0x6b: {  	v41 =	vand.u32 $0xFFFF0000, v15;
	v17 =	vshll.u32 v14, $0x10;
	v40 =	vld [tilespmem:s20+$0xFFFFFFD0];
	[tilespmem:v26+s24+$0x0] =	vst.idx.msk $0xffff, v10;
	v26 =	vor.u32 s21, v3  }
0x6c: {  	v42 =	vor.u32 s6, v6;
	v43 =	vor.u32 s6, v7;
	v18 =	vand.u32 $0xFFFF0000, v14;
	[tilespmem:v24+s24+$0x0] =	vst.idx.msk $0xffff, v28  }
0x6d: {  	v44 =	vor.u32 s5, v6;
	v45 =	vor.u32 s5, v7;
	v10 =	vor.u32 s22, v6;
	[tilespmem:v20+s24+$0x0] =	vst.idx.msk $0xffff, v30;
	v14 =	vld [tilespmem:s20+$0x10]  }
0x6e: {  	v11 =	vor.u32 s22, v7;
	[tilespmem:v19+s24+$0x0] =	vst.idx.msk $0xffff, v31;
	v15 =	vshll.u32 v27, $0x10  }
0x6f: {  	v20 =	vand.u32 $0xFFFF0000, v27;
	v19 =	vld [tilespmem:s20+$0xFFFFFF90];
	[tilespmem:v25+s24+$0x0] =	vst.idx.msk $0xffff, v15  }
0x70: {  	v15 =	vshll.u32 v40, $0x10;
	v24 =	vand.u32 $0xFFFF0000, v40;
	[tilespmem:v26+s24+$0x0] =	vst.idx.msk $0xffff, v20  }
0x71: {  	[tilespmem:v23+s24+$0x0] =	vst.idx.msk $0xffff, v15;
	v15 =	vld [tilespmem:s20+$0x60]  }
0x72: {  	[tilespmem:v22+s24+$0x0] =	vst.idx.msk $0xffff, v24;
	v20 =	vshll.u32 v14, $0x10;
	v14 =	vand.u32 $0xFFFF0000, v14;
	v22 =	vor.u32 s21, v4  }
0x73: {  	v23 =	vld [tilespmem:s20+$0xFFFFFFE0];
	[tilespmem:v21+s24+$0x0] =	vst.idx.msk $0xffff, v20;
	v20 =	vor.u32 s21, v5  }
0x74: {  	v21 =	vshll.u32 v19, $0x10;
	v19 =	vand.u32 $0xFFFF0000, v19;
	[tilespmem:v36+s24+$0x0] =	vst.idx.msk $0xffff, v14  }
0x75: {  	[tilespmem:v16+s24+$0x0] =	vst.idx.msk $0xffff, v21;
	v14 =	vld [tilespmem:s20+$0x20]  }
0x76: {  	[tilespmem:v34+s24+$0x0] =	vst.idx.msk $0xffff, v19;
	v16 =	vshll.u32 v15, $0x10  }
0x77: {  	v15 =	vand.u32 $0xFFFF0000, v15;
	v19 =	vld [tilespmem:s20+$0xFFFFFFA0];
	[tilespmem:v22+s24+$0x0] =	vst.idx.msk $0xffff, v16  }
0x78: {  	v16 =	vshll.u32 v23, $0x10;
	v21 =	vand.u32 $0xFFFF0000, v23;
	[tilespmem:v20+s24+$0x0] =	vst.idx.msk $0xffff, v15  }
0x79: {  	[tilespmem:v35+s24+$0x0] =	vst.idx.msk $0xffff, v16;
	v16 =	vld [tilespmem:s20+$0x70]  }
0x7a: {  	v20 =	vor.u32 s21, v6;
	[tilespmem:v37+s24+$0x0] =	vst.idx.msk $0xffff, v21;
	v15 =	vshll.u32 v14, $0x10;
	v14 =	vand.u32 $0xFFFF0000, v14  }
0x7b: {  	v22 =	vor.u32 s21, v7;
	v21 =	vld [tilespmem:s20+$0xFFFFFFF0];
	[tilespmem:v38+s24+$0x0] =	vst.idx.msk $0xffff, v15  }
0x7c: {  	v15 =	vshll.u32 v19, $0x10;
	v19 =	vand.u32 $0xFFFF0000, v19;
	[tilespmem:v29+s24+$0x0] =	vst.idx.msk $0xffff, v14  }
0x7d: {  	[tilespmem:v32+s24+$0x0] =	vst.idx.msk $0xffff, v15;
	v15 =	vld [tilespmem:s20+$0x30]  }
0x7e: {  	[tilespmem:v33+s24+$0x0] =	vst.idx.msk $0xffff, v19;
	v19 =	vshll.u32 v16, $0x10  }
0x7f: {  	v16 =	vand.u32 $0xFFFF0000, v16;
	v14 =	vld [tilespmem:s20+$0xFFFFFFB0];
	[tilespmem:v20+s24+$0x0] =	vst.idx.msk $0xffff, v19  }
.Ltmp0:
0x80: {  	s22 =	sshll.u32 s7, $0x7;
	s20 =	sadd.s32 $0x100, s20;
	v23 =	vshll.u32 v21, $0x10;
	v21 =	vand.u32 $0xFFFF0000, v21;
	[tilespmem:v22+s24+$0x0] =	vst.idx.msk $0xffff, v16;
	(pc) =	sbr.rel @p0 .LBB2_2-.Ltmp0, $4  }
0x81: {  	s6 =	sadd.s32 $0x80, s22;
	s5 =	sadd.s32 $0x100, s22;
	s21 =	sadd.s32 $0x180, s22;
	v20 =	vor.u32 s22, v0;
	v19 =	vor.u32 s22, v1;
	v16 =	vor.u32 s22, v2;
	v28 =	vld [tilespmem:s20+$0x40];
	[tilespmem:v42+s24+$0x0] =	vst.idx.msk $0xffff, v23  }
0x82: {  	v27 =	vor.u32 s6, v0;
	v25 =	vor.u32 s6, v1;
	v32 =	vor.u32 s21, v0;
	v29 =	vld [tilespmem:s20+$0xFFFFFFC0];
	[tilespmem:v43+s24+$0x0] =	vst.idx.msk $0xffff, v21  }
0x83: {  	v26 =	vor.u32 s5, v0;
	v24 =	vor.u32 s5, v1;
	v33 =	vor.u32 s21, v1;
	v30 =	vld [tilespmem:s20+$0x0];
	[tilespmem:v9+s24+$0x0] =	vst.idx.msk $0xffff, v39;
	v9 =	vmovc v44  }
0x84: {  	s7 =	sadd.s32 $0x4, s7;
	v22 =	vor.u32 s6, v3;
	v23 =	vor.u32 s6, v2;
	v21 =	vor.u32 s5, v2;
	v31 =	vld [tilespmem:s20+$0xFFFFFF80];
	[tilespmem:v8+s24+$0x0] =	vst.idx.msk $0xffff, v41;
	v8 =	vmovc v45  }
0x85: {  	_ =	sdelay $0x3  }
0x86: {  	[tilespmem:v12+s24+$0x0] =	vst.idx.msk $0xffff, v17  }
0x87: {  	v12 =	vshll.u32 v28, $0x10;
	[tilespmem:v13+s24+$0x0] =	vst.idx.msk $0xffff, v18  }
0x88: {  	v13 =	vand.u32 $0xFFFF0000, v28;
	[tilespmem:v32+s24+$0x0] =	vst.idx.msk $0xffff, v12  }
0x89: {  	v12 =	vshll.u32 v29, $0x10;
	[tilespmem:v33+s24+$0x0] =	vst.idx.msk $0xffff, v13  }
0x8a: {  	v13 =	vand.u32 $0xFFFF0000, v29;
	[tilespmem:v27+s24+$0x0] =	vst.idx.msk $0xffff, v12;
	v12 =	vld [tilespmem:s20+$0x50]  }
0x8b: {  	v17 =	vshll.u32 v30, $0x10;
	[tilespmem:v25+s24+$0x0] =	vst.idx.msk $0xffff, v13;
	v13 =	vor.u32 s21, v2  }
0x8c: {  	v18 =	vand.u32 $0xFFFF0000, v30;
	[tilespmem:v26+s24+$0x0] =	vst.idx.msk $0xffff, v17;
	v17 =	vor.u32 s21, v3;
	v25 =	vld [tilespmem:s20+$0xFFFFFFD0]  }
0x8d: {  	v26 =	vshll.u32 v31, $0x10;
	[tilespmem:v24+s24+$0x0] =	vst.idx.msk $0xffff, v18  }
0x8e: {  	v18 =	vand.u32 $0xFFFF0000, v31;
	[tilespmem:v20+s24+$0x0] =	vst.idx.msk $0xffff, v26;
	v20 =	vld [tilespmem:s20+$0x10]  }
0x8f: {  	[tilespmem:v19+s24+$0x0] =	vst.idx.msk $0xffff, v18;
	v18 =	vshll.u32 v12, $0x10  }
0x90: {  	v19 =	vor.u32 s5, v3;
	v24 =	vld [tilespmem:s20+$0xFFFFFF90];
	v12 =	vand.u32 $0xFFFF0000, v12;
	[tilespmem:v13+s24+$0x0] =	vst.idx.msk $0xffff, v18  }
0x91: {  	v13 =	vshll.u32 v25, $0x10;
	[tilespmem:v17+s24+$0x0] =	vst.idx.msk $0xffff, v12  }
0x92: {  	v12 =	vor.u32 s22, v3;
	v17 =	vand.u32 $0xFFFF0000, v25;
	[tilespmem:v23+s24+$0x0] =	vst.idx.msk $0xffff, v13;
	v13 =	vld [tilespmem:s20+$0x60]  }
0x93: {  	v18 =	vor.u32 s21, v4;
	[tilespmem:v22+s24+$0x0] =	vst.idx.msk $0xffff, v17;
	v17 =	vshll.u32 v20, $0x10  }
0x94: {  	v20 =	vand.u32 $0xFFFF0000, v20;
	v22 =	vld [tilespmem:s20+$0xFFFFFFE0];
	[tilespmem:v21+s24+$0x0] =	vst.idx.msk $0xffff, v17;
	v17 =	vor.u32 s21, v5  }
0x95: {  	v23 =	vshll.u32 v24, $0x10;
	v21 =	vor.u32 s6, v4;
	[tilespmem:v19+s24+$0x0] =	vst.idx.msk $0xffff, v20  }
0x96: {  	[tilespmem:v16+s24+$0x0] =	vst.idx.msk $0xffff, v23;
	v19 =	vor.u32 s6, v5;
	v20 =	vand.u32 $0xFFFF0000, v24;
	v16 =	vld [tilespmem:s20+$0x20]  }
0x97: {  	v23 =	vor.u32 s5, v4;
	[tilespmem:v12+s24+$0x0] =	vst.idx.msk $0xffff, v20;
	v12 =	vshll.u32 v13, $0x10  }
0x98: {  	v20 =	vor.u32 s5, v5;
	v24 =	vld [tilespmem:s20+$0xFFFFFFA0];
	v13 =	vand.u32 $0xFFFF0000, v13;
	[tilespmem:v18+s24+$0x0] =	vst.idx.msk $0xffff, v12  }
0x99: {  	v12 =	vor.u32 s22, v4;
	v18 =	vshll.u32 v22, $0x10;
	[tilespmem:v17+s24+$0x0] =	vst.idx.msk $0xffff, v13  }
0x9a: {  	v13 =	vor.u32 s22, v5;
	v17 =	vand.u32 $0xFFFF0000, v22;
	[tilespmem:v21+s24+$0x0] =	vst.idx.msk $0xffff, v18;
	v18 =	vld [tilespmem:s20+$0x70]  }
0x9b: {  	[tilespmem:v19+s24+$0x0] =	vst.idx.msk $0xffff, v17;
	v17 =	vshll.u32 v16, $0x10;
	v19 =	vor.u32 s21, v6  }
0x9c: {  	v16 =	vand.u32 $0xFFFF0000, v16;
	v21 =	vld [tilespmem:s20+$0xFFFFFFF0];
	[tilespmem:v23+s24+$0x0] =	vst.idx.msk $0xffff, v17;
	v17 =	vor.u32 s21, v7  }
0x9d: {  	v22 =	vor.u32 s6, v6;
	v23 =	vshll.u32 v24, $0x10;
	[tilespmem:v20+s24+$0x0] =	vst.idx.msk $0xffff, v16  }
0x9e: {  	v16 =	vor.u32 s6, v7;
	v20 =	vand.u32 $0xFFFF0000, v24;
	[tilespmem:v12+s24+$0x0] =	vst.idx.msk $0xffff, v23  }
0x9f: {  	[tilespmem:v13+s24+$0x0] =	vst.idx.msk $0xffff, v20;
	v12 =	vshll.u32 v18, $0x10  }
0xa0: {  	v13 =	vand.u32 $0xFFFF0000, v18;
	[tilespmem:v19+s24+$0x0] =	vst.idx.msk $0xffff, v12  }
0xa1: {  	v12 =	vshll.u32 v21, $0x10;
	[tilespmem:v17+s24+$0x0] =	vst.idx.msk $0xffff, v13  }
0xa2: {  	v13 =	vld [tilespmem:s20+$0x30];
	v17 =	vand.u32 $0xFFFF0000, v21;
	[tilespmem:v22+s24+$0x0] =	vst.idx.msk $0xffff, v12  }
0xa3: {  	v18 =	vor.u32 s5, v6;
	v12 =	vshll.u32 v15, $0x10;
	[tilespmem:v16+s24+$0x0] =	vst.idx.msk $0xffff, v17  }
0xa4: {  	v15 =	vand.u32 $0xFFFF0000, v15;
	v16 =	vor.u32 s5, v7;
	v17 =	vld [tilespmem:s20+$0xFFFFFFB0];
	[tilespmem:v9+s24+$0x0] =	vst.idx.msk $0xffff, v12  }
0xa5: {  	v9 =	vshll.u32 v14, $0x10;
	v12 =	vor.u32 s22, v6;
	[tilespmem:v8+s24+$0x0] =	vst.idx.msk $0xffff, v15  }
0xa6: {  	v8 =	vand.u32 $0xFFFF0000, v14;
	v14 =	vor.u32 s22, v7;
	[tilespmem:v10+s24+$0x0] =	vst.idx.msk $0xffff, v9  }
0xa7: {  	[tilespmem:v11+s24+$0x0] =	vst.idx.msk $0xffff, v8;
	v8 =	vshll.u32 v13, $0x10  }
0xa8: {  	v9 =	vand.u32 $0xFFFF0000, v13;
	[tilespmem:v18+s24+$0x0] =	vst.idx.msk $0xffff, v8  }
0xa9: {  	v8 =	vshll.u32 v17, $0x10;
	[tilespmem:v16+s24+$0x0] =	vst.idx.msk $0xffff, v9  }
0xaa: {  	v9 =	vand.u32 $0xFFFF0000, v17;
	[tilespmem:v12+s24+$0x0] =	vst.idx.msk $0xffff, v8  }
0xab: {  	[tilespmem:v14+s24+$0x0] =	vst.idx.msk $0xffff, v9  }
0xac: {  	s9 =	simm.s32 $0x0;
	s20 =	rddreg [dreg:$0x5]  }
0xad: {  	[hbm4b:s20+s9] =	stream.linear.scatter [tilespmem:s24], [sflag:$0x5], $0x4000, $0x38;
	[tilespmem:$0x18200] =	vst v63  }
0xae: {  	s21 =	simm.s32 $0x200  }
0xaf: {  	[tilespmem:s21], [sflag:$0x1] =	stream.indirect.gather [hbm4b:s4+s16], $0x40, s9, s16, $0xb8;
	[tilespmem:$0x18200] =	vst v63  }
0xb0: {  	_ =	swait.ge [sflag:s25], $0x2000  }
0xb1: {  	[sflag:s25] =	ssyncset.done $0x0  }
0xb2: {  	s21 =	simm.s32 $0x2280;
	[sflag:s25] =	ssyncadd.s32 $0xFFFFE000  }
0xb3: {  	s22 =	simm.s32 $0x180;
	v8 =	vld [tilespmem:s21+$0x40]  }
0xb4: {  	v9 =	vor.u32 s22, v0  }
0xb5: {  	s7 =	simm.s32 $0x80;
	v11 =	vor.u32 s22, v1;
	v10 =	vld [tilespmem:s21+$0xFFFFFFC0]  }
0xb6: {  	v12 =	vor.u32 s7, v0  }
0xb7: {  	v13 =	vor.u32 s7, v1;
	s20 =	simm.s32 $0x100;
	v14 =	vld [tilespmem:s21+$0x0]  }
0xb8: {  	v15 =	vor.u32 s20, v0;
	v16 =	vshll.u32 v8, $0x10  }
0xb9: {  	s5 =	simm.s32 $0x0;
	v17 =	vor.u32 s20, v1;
	v18 =	vld [tilespmem:s21+$0xFFFFFF80];
	v8 =	vand.u32 $0xFFFF0000, v8;
	[tilespmem:v9+s26+$0x0] =	vst.idx.msk $0xffff, v16  }
0xba: {  	v9 =	vor.u32 s5, v0;
	v16 =	vshll.u32 v10, $0x10;
	[tilespmem:v11+s26+$0x0] =	vst.idx.msk $0xffff, v8  }
0xbb: {  	v10 =	vand.u32 $0xFFFF0000, v10;
	v8 =	vor.u32 s5, v1;
	[tilespmem:v12+s26+$0x0] =	vst.idx.msk $0xffff, v16;
	v11 =	vld [tilespmem:s21+$0x50]  }
0xbc: {  	v12 =	vshll.u32 v14, $0x10;
	[tilespmem:v13+s26+$0x0] =	vst.idx.msk $0xffff, v10;
	v10 =	vor.u32 s22, v2  }
0xbd: {  	v13 =	vand.u32 $0xFFFF0000, v14;
	[tilespmem:v15+s26+$0x0] =	vst.idx.msk $0xffff, v12;
	v12 =	vor.u32 s22, v3;
	v14 =	vld [tilespmem:s21+$0xFFFFFFD0]  }
0xbe: {  	v16 =	vshll.u32 v18, $0x10;
	v15 =	vor.u32 s7, v2;
	[tilespmem:v17+s26+$0x0] =	vst.idx.msk $0xffff, v13  }
0xbf: {  	v13 =	vor.u32 s7, v3;
	v17 =	vand.u32 $0xFFFF0000, v18;
	[tilespmem:v9+s26+$0x0] =	vst.idx.msk $0xffff, v16;
	v9 =	vld [tilespmem:s21+$0x10]  }
0xc0: {  	v16 =	vor.u32 s20, v2;
	[tilespmem:v8+s26+$0x0] =	vst.idx.msk $0xffff, v17;
	v8 =	vshll.u32 v11, $0x10  }
0xc1: {  	v17 =	vor.u32 s20, v3;
	v18 =	vld [tilespmem:s21+$0xFFFFFF90];
	v11 =	vand.u32 $0xFFFF0000, v11;
	[tilespmem:v10+s26+$0x0] =	vst.idx.msk $0xffff, v8  }
0xc2: {  	v8 =	vor.u32 s5, v2;
	v10 =	vshll.u32 v14, $0x10;
	[tilespmem:v12+s26+$0x0] =	vst.idx.msk $0xffff, v11  }
0xc3: {  	v11 =	vor.u32 s5, v3;
	v12 =	vand.u32 $0xFFFF0000, v14;
	[tilespmem:v15+s26+$0x0] =	vst.idx.msk $0xffff, v10;
	v10 =	vld [tilespmem:s21+$0x60]  }
0xc4: {  	[tilespmem:v13+s26+$0x0] =	vst.idx.msk $0xffff, v12;
	v12 =	vshll.u32 v9, $0x10;
	v13 =	vor.u32 s22, v4  }
0xc5: {  	v9 =	vand.u32 $0xFFFF0000, v9;
	v14 =	vld [tilespmem:s21+$0xFFFFFFE0];
	[tilespmem:v16+s26+$0x0] =	vst.idx.msk $0xffff, v12;
	v12 =	vor.u32 s22, v5  }
0xc6: {  	v15 =	vor.u32 s7, v4;
	v16 =	vshll.u32 v18, $0x10;
	[tilespmem:v17+s26+$0x0] =	vst.idx.msk $0xffff, v9  }
0xc7: {  	v9 =	vor.u32 s7, v5;
	v17 =	vand.u32 $0xFFFF0000, v18;
	[tilespmem:v8+s26+$0x0] =	vst.idx.msk $0xffff, v16;
	v8 =	vld [tilespmem:s21+$0x20]  }
0xc8: {  	v16 =	vor.u32 s20, v4;
	[tilespmem:v11+s26+$0x0] =	vst.idx.msk $0xffff, v17;
	v11 =	vshll.u32 v10, $0x10  }
0xc9: {  	v17 =	vor.u32 s20, v5;
	v18 =	vld [tilespmem:s21+$0xFFFFFFA0];
	v10 =	vand.u32 $0xFFFF0000, v10;
	[tilespmem:v13+s26+$0x0] =	vst.idx.msk $0xffff, v11  }
0xca: {  	v11 =	vor.u32 s5, v4;
	v13 =	vshll.u32 v14, $0x10;
	[tilespmem:v12+s26+$0x0] =	vst.idx.msk $0xffff, v10  }
0xcb: {  	v10 =	vor.u32 s5, v5;
	v12 =	vand.u32 $0xFFFF0000, v14;
	[tilespmem:v15+s26+$0x0] =	vst.idx.msk $0xffff, v13;
	v13 =	vld [tilespmem:s21+$0x70]  }
0xcc: {  	[tilespmem:v9+s26+$0x0] =	vst.idx.msk $0xffff, v12;
	v9 =	vshll.u32 v8, $0x10;
	v12 =	vor.u32 s22, v6  }
0xcd: {  	v8 =	vand.u32 $0xFFFF0000, v8;
	v14 =	vld [tilespmem:s21+$0xFFFFFFF0];
	[tilespmem:v16+s26+$0x0] =	vst.idx.msk $0xffff, v9;
	v9 =	vor.u32 s22, v7  }
0xce: {  	s6 =	simm.s32 $0x2380;
	v15 =	vor.u32 s7, v6;
	v16 =	vshll.u32 v18, $0x10;
	[tilespmem:v17+s26+$0x0] =	vst.idx.msk $0xffff, v8  }
0xcf: {  	s22 =	simm.s32 $0x380;
	v8 =	vor.u32 s7, v7;
	v17 =	vand.u32 $0xFFFF0000, v18;
	[tilespmem:v11+s26+$0x0] =	vst.idx.msk $0xffff, v16;
	v11 =	vld [tilespmem:s6+$0x40]  }
0xd0: {  	v16 =	vor.u32 s22, v0;
	[tilespmem:v10+s26+$0x0] =	vst.idx.msk $0xffff, v17;
	v10 =	vshll.u32 v13, $0x10  }
0xd1: {  	s8 =	simm.s32 $0x280;
	v13 =	vand.u32 $0xFFFF0000, v13;
	[tilespmem:v12+s26+$0x0] =	vst.idx.msk $0xffff, v10;
	v10 =	vld [tilespmem:s6+$0xFFFFFFC0];
	v12 =	vor.u32 s22, v1  }
0xd2: {  	v17 =	vshll.u32 v14, $0x10;
	[tilespmem:v9+s26+$0x0] =	vst.idx.msk $0xffff, v13;
	v9 =	vor.u32 s8, v0  }
0xd3: {  	s7 =	simm.s32 $0x300;
	v13 =	vand.u32 $0xFFFF0000, v14;
	[tilespmem:v15+s26+$0x0] =	vst.idx.msk $0xffff, v17;
	v14 =	vor.u32 s8, v1;
	v15 =	vld [tilespmem:s6+$0x0]  }
0xd4: {  	[tilespmem:v8+s26+$0x0] =	vst.idx.msk $0xffff, v13;
	v8 =	vor.u32 s7, v0;
	v13 =	vshll.u32 v11, $0x10  }
0xd5: {  	s9 =	simm.s32 $0x200;
	v18 =	vld [tilespmem:s6+$0xFFFFFF80];
	v17 =	vor.u32 s7, v1;
	v11 =	vand.u32 $0xFFFF0000, v11;
	[tilespmem:v16+s26+$0x0] =	vst.idx.msk $0xffff, v13  }
0xd6: {  	v13 =	vor.u32 s9, v0;
	v16 =	vshll.u32 v10, $0x10;
	[tilespmem:v12+s26+$0x0] =	vst.idx.msk $0xffff, v11  }
0xd7: {  	v11 =	vor.u32 s9, v1;
	v10 =	vand.u32 $0xFFFF0000, v10;
	[tilespmem:v9+s26+$0x0] =	vst.idx.msk $0xffff, v16;
	v9 =	vld [tilespmem:s6+$0x50]  }
0xd8: {  	v12 =	vshll.u32 v15, $0x10;
	[tilespmem:v14+s26+$0x0] =	vst.idx.msk $0xffff, v10;
	v10 =	vor.u32 s22, v2  }
0xd9: {  	v14 =	vand.u32 $0xFFFF0000, v15;
	[tilespmem:v8+s26+$0x0] =	vst.idx.msk $0xffff, v12;
	v8 =	vor.u32 s22, v3;
	v15 =	vld [tilespmem:s6+$0xFFFFFFD0]  }
0xda: {  	v16 =	vshll.u32 v18, $0x10;
	v12 =	vor.u32 s8, v2;
	[tilespmem:v17+s26+$0x0] =	vst.idx.msk $0xffff, v14  }
0xdb: {  	v14 =	vor.u32 s8, v3;
	v17 =	vand.u32 $0xFFFF0000, v18;
	[tilespmem:v13+s26+$0x0] =	vst.idx.msk $0xffff, v16;
	v13 =	vld [tilespmem:s6+$0x10]  }
0xdc: {  	v16 =	vor.u32 s7, v2;
	[tilespmem:v11+s26+$0x0] =	vst.idx.msk $0xffff, v17;
	v11 =	vshll.u32 v9, $0x10  }
0xdd: {  	v17 =	vor.u32 s7, v3;
	v18 =	vld [tilespmem:s6+$0xFFFFFF90];
	v9 =	vand.u32 $0xFFFF0000, v9;
	[tilespmem:v10+s26+$0x0] =	vst.idx.msk $0xffff, v11  }
0xde: {  	v10 =	vor.u32 s9, v2;
	v11 =	vshll.u32 v15, $0x10;
	[tilespmem:v8+s26+$0x0] =	vst.idx.msk $0xffff, v9  }
0xdf: {  	v8 =	vor.u32 s9, v3;
	v9 =	vand.u32 $0xFFFF0000, v15;
	v15 =	vld [tilespmem:s21+$0x30];
	[tilespmem:v12+s26+$0x0] =	vst.idx.msk $0xffff, v11  }
0xe0: {  	v21 =	vor.u32 s20, v6;
	v11 =	vld [tilespmem:s6+$0x60];
	[tilespmem:v14+s26+$0x0] =	vst.idx.msk $0xffff, v9;
	v9 =	vshll.u32 v13, $0x10  }
0xe1: {  	v12 =	vor.u32 s22, v4;
	v13 =	vand.u32 $0xFFFF0000, v13;
	[tilespmem:v16+s26+$0x0] =	vst.idx.msk $0xffff, v9  }
0xe2: {  	v14 =	vld [tilespmem:s6+$0xFFFFFFE0];
	v9 =	vor.u32 s22, v5;
	v19 =	vshll.u32 v18, $0x10;
	[tilespmem:v17+s26+$0x0] =	vst.idx.msk $0xffff, v13  }
0xe3: {  	v16 =	vor.u32 s8, v4;
	v13 =	vand.u32 $0xFFFF0000, v18;
	[tilespmem:v10+s26+$0x0] =	vst.idx.msk $0xffff, v19  }
0xe4: {  	v17 =	vor.u32 s8, v5;
	v10 =	vld [tilespmem:s6+$0x20];
	[tilespmem:v8+s26+$0x0] =	vst.idx.msk $0xffff, v13;
	v23 =	vshll.u32 v15, $0x10  }
0xe5: {  	v26 =	vor.u32 s8, v7;
	v19 =	vor.u32 s7, v4;
	v8 =	vshll.u32 v11, $0x10;
	[tilespmem:v21+s26+$0x0] =	vst.idx.msk $0xffff, v23  }
0xe6: {  	v25 =	vor.u32 s8, v6;
	v20 =	vor.u32 s7, v5;
	v22 =	vld [tilespmem:s6+$0xFFFFFFA0];
	v11 =	vand.u32 $0xFFFF0000, v11;
	[tilespmem:v12+s26+$0x0] =	vst.idx.msk $0xffff, v8  }
0xe7: {  	v34 =	vor.u32 s20, v7;
	v18 =	vld [tilespmem:s21+$0xFFFFFFB0];
	v8 =	vor.u32 s9, v4;
	v13 =	vshll.u32 v14, $0x10;
	[tilespmem:v9+s26+$0x0] =	vst.idx.msk $0xffff, v11  }
0xe8: {  	s21 =	simm.s32 $0x580;
	v35 =	vand.u32 $0xFFFF0000, v15;
	v9 =	vor.u32 s9, v5;
	v11 =	vand.u32 $0xFFFF0000, v14;
	[tilespmem:v16+s26+$0x0] =	vst.idx.msk $0xffff, v13  }
0xe9: {  	v32 =	vor.u32 s21, v0;
	v33 =	vor.u32 s21, v1;
	v14 =	vld [tilespmem:s6+$0x70];
	[tilespmem:v17+s26+$0x0] =	vst.idx.msk $0xffff, v11;
	v11 =	vshll.u32 v10, $0x10  }
0xea: {  	v12 =	vor.u32 s5, v6;
	v16 =	vor.u32 s22, v6;
	v10 =	vand.u32 $0xFFFF0000, v10;
	[tilespmem:v19+s26+$0x0] =	vst.idx.msk $0xffff, v11  }
0xeb: {  	s20 =	simm.s32 $0x2480;
	v13 =	vor.u32 s5, v7;
	s5 =	simm.s32 $0x500;
	v24 =	vld [tilespmem:s6+$0xFFFFFFF0];
	v19 =	vor.u32 s22, v7;
	v11 =	vshll.u32 v22, $0x10;
	[tilespmem:v20+s26+$0x0] =	vst.idx.msk $0xffff, v10  }
0xec: {  	v28 =	vld [tilespmem:s20+$0x40];
	v17 =	vshll.u32 v18, $0x10;
	v21 =	vor.u32 s5, v2;
	v15 =	vand.u32 $0xFFFF0000, v22;
	[tilespmem:v8+s26+$0x0] =	vst.idx.msk $0xffff, v11  }
0xed: {  	v18 =	vand.u32 $0xFFFF0000, v18;
	v10 =	vor.u32 s9, v6;
	v8 =	vor.u32 s7, v7;
	[tilespmem:v9+s26+$0x0] =	vst.idx.msk $0xffff, v15;
	v15 =	vld [tilespmem:s6+$0x30]  }
0xee: {  	[tilespmem:v34+s26+$0x0] =	vst.idx.msk $0xffff, v35;
	s22 =	simm.s32 $0x400;
	v9 =	vor.u32 s7, v6;
	v11 =	vshll.u32 v14, $0x10;
	v20 =	vand.u32 $0xFFFF0000, v14;
	v14 =	vld [tilespmem:s6+$0xFFFFFFB0];
	s6 =	simm.s32 $0x480  }
0xef: {  	[tilespmem:v16+s26+$0x0] =	vst.idx.msk $0xffff, v11;
	v11 =	vor.u32 s9, v7;
	v16 =	vor.u32 s22, v2;
	v27 =	vor.u32 s6, v0  }
0xf0: {  	v29 =	vld [tilespmem:s20+$0xFFFFFFC0];
	v23 =	vor.u32 s6, v2;
	v22 =	vshll.u32 v24, $0x10;
	v24 =	vand.u32 $0xFFFF0000, v24;
	[tilespmem:v19+s26+$0x0] =	vst.idx.msk $0xffff, v20  }
0xf1: {  	v30 =	vld [tilespmem:s20+$0x0];
	v20 =	vor.u32 s22, v0;
	v19 =	vor.u32 s22, v1;
	[tilespmem:v25+s26+$0x0] =	vst.idx.msk $0xffff, v22;
	v25 =	vor.u32 s6, v1  }
0xf2: {  	v31 =	vld [tilespmem:s20+$0xFFFFFF80];
	s7 =	simm.s32 $0xC;
	v22 =	vor.u32 s6, v3;
	[tilespmem:v26+s26+$0x0] =	vst.idx.msk $0xffff, v24;
	v26 =	vor.u32 s5, v0;
	v24 =	vor.u32 s5, v1  }
.LBB2_4:
0xf3: {  	p0 =	slt.u32 s7, $0x7C;
	v34 =	vor.u32 s22, v3;
	v35 =	vor.u32 s6, v4;
	v36 =	vor.u32 s5, v3;
	[tilespmem:v12+s26+$0x0] =	vst.idx.msk $0xffff, v17;
	v12 =	vmovc v10  }
0xf4: {  	v37 =	vor.u32 s6, v5;
	v38 =	vor.u32 s5, v4;
	v10 =	vshll.u32 v28, $0x10;
	[tilespmem:v13+s26+$0x0] =	vst.idx.msk $0xffff, v18;
	v13 =	vmovc v11  }
0xf5: {  	v18 =	vand.u32 $0xFFFF0000, v28;
	v11 =	vshll.u32 v29, $0x10;
	v17 =	vand.u32 $0xFFFF0000, v29;
	[tilespmem:v32+s26+$0x0] =	vst.idx.msk $0xffff, v10  }
0xf6: {  	v29 =	vor.u32 s5, v5;
	v10 =	vshll.u32 v30, $0x10;
	v28 =	vand.u32 $0xFFFF0000, v30;
	[tilespmem:v33+s26+$0x0] =	vst.idx.msk $0xffff, v18  }
0xf7: {  	v32 =	vor.u32 s22, v4;
	v30 =	vshll.u32 v31, $0x10;
	v31 =	vand.u32 $0xFFFF0000, v31;
	[tilespmem:v27+s26+$0x0] =	vst.idx.msk $0xffff, v11;
	v27 =	vld [tilespmem:s20+$0x50]  }
0xf8: {  	v39 =	vshll.u32 v15, $0x10;
	v33 =	vor.u32 s22, v5;
	[tilespmem:v25+s26+$0x0] =	vst.idx.msk $0xffff, v17;
	v25 =	vor.u32 s21, v2  }
0xf9: {  	v41 =	vand.u32 $0xFFFF0000, v15;
	v17 =	vshll.u32 v14, $0x10;
	v40 =	vld [tilespmem:s20+$0xFFFFFFD0];
	[tilespmem:v26+s26+$0x0] =	vst.idx.msk $0xffff, v10;
	v26 =	vor.u32 s21, v3  }
0xfa: {  	v42 =	vor.u32 s6, v6;
	v43 =	vor.u32 s6, v7;
	v18 =	vand.u32 $0xFFFF0000, v14;
	[tilespmem:v24+s26+$0x0] =	vst.idx.msk $0xffff, v28  }
0xfb: {  	v44 =	vor.u32 s5, v6;
	v45 =	vor.u32 s5, v7;
	v10 =	vor.u32 s22, v6;
	[tilespmem:v20+s26+$0x0] =	vst.idx.msk $0xffff, v30;
	v14 =	vld [tilespmem:s20+$0x10]  }
0xfc: {  	v11 =	vor.u32 s22, v7;
	[tilespmem:v19+s26+$0x0] =	vst.idx.msk $0xffff, v31;
	v15 =	vshll.u32 v27, $0x10  }
0xfd: {  	v20 =	vand.u32 $0xFFFF0000, v27;
	v19 =	vld [tilespmem:s20+$0xFFFFFF90];
	[tilespmem:v25+s26+$0x0] =	vst.idx.msk $0xffff, v15  }
0xfe: {  	v15 =	vshll.u32 v40, $0x10;
	v24 =	vand.u32 $0xFFFF0000, v40;
	[tilespmem:v26+s26+$0x0] =	vst.idx.msk $0xffff, v20  }
0xff: {  	[tilespmem:v23+s26+$0x0] =	vst.idx.msk $0xffff, v15;
	v15 =	vld [tilespmem:s20+$0x60]  }
0x100: {  	[tilespmem:v22+s26+$0x0] =	vst.idx.msk $0xffff, v24;
	v20 =	vshll.u32 v14, $0x10;
	v14 =	vand.u32 $0xFFFF0000, v14;
	v22 =	vor.u32 s21, v4  }
0x101: {  	v23 =	vld [tilespmem:s20+$0xFFFFFFE0];
	[tilespmem:v21+s26+$0x0] =	vst.idx.msk $0xffff, v20;
	v20 =	vor.u32 s21, v5  }
0x102: {  	v21 =	vshll.u32 v19, $0x10;
	v19 =	vand.u32 $0xFFFF0000, v19;
	[tilespmem:v36+s26+$0x0] =	vst.idx.msk $0xffff, v14  }
0x103: {  	[tilespmem:v16+s26+$0x0] =	vst.idx.msk $0xffff, v21;
	v14 =	vld [tilespmem:s20+$0x20]  }
0x104: {  	[tilespmem:v34+s26+$0x0] =	vst.idx.msk $0xffff, v19;
	v16 =	vshll.u32 v15, $0x10  }
0x105: {  	v15 =	vand.u32 $0xFFFF0000, v15;
	v19 =	vld [tilespmem:s20+$0xFFFFFFA0];
	[tilespmem:v22+s26+$0x0] =	vst.idx.msk $0xffff, v16  }
0x106: {  	v16 =	vshll.u32 v23, $0x10;
	v21 =	vand.u32 $0xFFFF0000, v23;
	[tilespmem:v20+s26+$0x0] =	vst.idx.msk $0xffff, v15  }
0x107: {  	[tilespmem:v35+s26+$0x0] =	vst.idx.msk $0xffff, v16;
	v16 =	vld [tilespmem:s20+$0x70]  }
0x108: {  	v20 =	vor.u32 s21, v6;
	[tilespmem:v37+s26+$0x0] =	vst.idx.msk $0xffff, v21;
	v15 =	vshll.u32 v14, $0x10;
	v14 =	vand.u32 $0xFFFF0000, v14  }
0x109: {  	v22 =	vor.u32 s21, v7;
	v21 =	vld [tilespmem:s20+$0xFFFFFFF0];
	[tilespmem:v38+s26+$0x0] =	vst.idx.msk $0xffff, v15  }
0x10a: {  	v15 =	vshll.u32 v19, $0x10;
	v19 =	vand.u32 $0xFFFF0000, v19;
	[tilespmem:v29+s26+$0x0] =	vst.idx.msk $0xffff, v14  }
0x10b: {  	[tilespmem:v32+s26+$0x0] =	vst.idx.msk $0xffff, v15;
	v15 =	vld [tilespmem:s20+$0x30]  }
0x10c: {  	[tilespmem:v33+s26+$0x0] =	vst.idx.msk $0xffff, v19;
	v19 =	vshll.u32 v16, $0x10  }
0x10d: {  	v16 =	vand.u32 $0xFFFF0000, v16;
	v14 =	vld [tilespmem:s20+$0xFFFFFFB0];
	[tilespmem:v20+s26+$0x0] =	vst.idx.msk $0xffff, v19  }
.Ltmp1:
0x10e: {  	s22 =	sshll.u32 s7, $0x7;
	s20 =	sadd.s32 $0x100, s20;
	v23 =	vshll.u32 v21, $0x10;
	v21 =	vand.u32 $0xFFFF0000, v21;
	[tilespmem:v22+s26+$0x0] =	vst.idx.msk $0xffff, v16;
	(pc) =	sbr.rel @p0 .LBB2_4-.Ltmp1, $4  }
0x10f: {  	s6 =	sadd.s32 $0x80, s22;
	s5 =	sadd.s32 $0x100, s22;
	s21 =	sadd.s32 $0x180, s22;
	v20 =	vor.u32 s22, v0;
	v19 =	vor.u32 s22, v1;
	v16 =	vor.u32 s22, v2;
	v28 =	vld [tilespmem:s20+$0x40];
	[tilespmem:v42+s26+$0x0] =	vst.idx.msk $0xffff, v23  }
0x110: {  	v27 =	vor.u32 s6, v0;
	v25 =	vor.u32 s6, v1;
	v32 =	vor.u32 s21, v0;
	v29 =	vld [tilespmem:s20+$0xFFFFFFC0];
	[tilespmem:v43+s26+$0x0] =	vst.idx.msk $0xffff, v21  }
0x111: {  	v26 =	vor.u32 s5, v0;
	v24 =	vor.u32 s5, v1;
	v33 =	vor.u32 s21, v1;
	v30 =	vld [tilespmem:s20+$0x0];
	[tilespmem:v9+s26+$0x0] =	vst.idx.msk $0xffff, v39;
	v9 =	vmovc v44  }
0x112: {  	s7 =	sadd.s32 $0x4, s7;
	v22 =	vor.u32 s6, v3;
	v23 =	vor.u32 s6, v2;
	v21 =	vor.u32 s5, v2;
	v31 =	vld [tilespmem:s20+$0xFFFFFF80];
	[tilespmem:v8+s26+$0x0] =	vst.idx.msk $0xffff, v41;
	v8 =	vmovc v45  }
0x113: {  	_ =	sdelay $0x3  }
0x114: {  	[tilespmem:v12+s26+$0x0] =	vst.idx.msk $0xffff, v17  }
0x115: {  	v12 =	vshll.u32 v28, $0x10;
	[tilespmem:v13+s26+$0x0] =	vst.idx.msk $0xffff, v18  }
0x116: {  	v13 =	vand.u32 $0xFFFF0000, v28;
	[tilespmem:v32+s26+$0x0] =	vst.idx.msk $0xffff, v12  }
0x117: {  	v12 =	vshll.u32 v29, $0x10;
	[tilespmem:v33+s26+$0x0] =	vst.idx.msk $0xffff, v13  }
0x118: {  	v13 =	vand.u32 $0xFFFF0000, v29;
	[tilespmem:v27+s26+$0x0] =	vst.idx.msk $0xffff, v12;
	v12 =	vld [tilespmem:s20+$0x50]  }
0x119: {  	v17 =	vshll.u32 v30, $0x10;
	[tilespmem:v25+s26+$0x0] =	vst.idx.msk $0xffff, v13;
	v13 =	vor.u32 s21, v2  }
0x11a: {  	v18 =	vand.u32 $0xFFFF0000, v30;
	[tilespmem:v26+s26+$0x0] =	vst.idx.msk $0xffff, v17;
	v17 =	vor.u32 s21, v3;
	v25 =	vld [tilespmem:s20+$0xFFFFFFD0]  }
0x11b: {  	v26 =	vshll.u32 v31, $0x10;
	[tilespmem:v24+s26+$0x0] =	vst.idx.msk $0xffff, v18  }
0x11c: {  	v18 =	vand.u32 $0xFFFF0000, v31;
	[tilespmem:v20+s26+$0x0] =	vst.idx.msk $0xffff, v26;
	v20 =	vld [tilespmem:s20+$0x10]  }
0x11d: {  	[tilespmem:v19+s26+$0x0] =	vst.idx.msk $0xffff, v18;
	v18 =	vshll.u32 v12, $0x10  }
0x11e: {  	v19 =	vor.u32 s5, v3;
	v24 =	vld [tilespmem:s20+$0xFFFFFF90];
	v12 =	vand.u32 $0xFFFF0000, v12;
	[tilespmem:v13+s26+$0x0] =	vst.idx.msk $0xffff, v18  }
0x11f: {  	v13 =	vshll.u32 v25, $0x10;
	[tilespmem:v17+s26+$0x0] =	vst.idx.msk $0xffff, v12  }
0x120: {  	v12 =	vor.u32 s22, v3;
	v17 =	vand.u32 $0xFFFF0000, v25;
	[tilespmem:v23+s26+$0x0] =	vst.idx.msk $0xffff, v13;
	v13 =	vld [tilespmem:s20+$0x60]  }
0x121: {  	v18 =	vor.u32 s21, v4;
	[tilespmem:v22+s26+$0x0] =	vst.idx.msk $0xffff, v17;
	v17 =	vshll.u32 v20, $0x10  }
0x122: {  	v20 =	vand.u32 $0xFFFF0000, v20;
	v22 =	vld [tilespmem:s20+$0xFFFFFFE0];
	[tilespmem:v21+s26+$0x0] =	vst.idx.msk $0xffff, v17;
	v17 =	vor.u32 s21, v5  }
0x123: {  	v23 =	vshll.u32 v24, $0x10;
	v21 =	vor.u32 s6, v4;
	[tilespmem:v19+s26+$0x0] =	vst.idx.msk $0xffff, v20  }
0x124: {  	[tilespmem:v16+s26+$0x0] =	vst.idx.msk $0xffff, v23;
	v19 =	vor.u32 s6, v5;
	v20 =	vand.u32 $0xFFFF0000, v24;
	v16 =	vld [tilespmem:s20+$0x20]  }
0x125: {  	v23 =	vor.u32 s5, v4;
	[tilespmem:v12+s26+$0x0] =	vst.idx.msk $0xffff, v20;
	v12 =	vshll.u32 v13, $0x10  }
0x126: {  	v20 =	vor.u32 s5, v5;
	v24 =	vld [tilespmem:s20+$0xFFFFFFA0];
	v13 =	vand.u32 $0xFFFF0000, v13;
	[tilespmem:v18+s26+$0x0] =	vst.idx.msk $0xffff, v12  }
0x127: {  	v12 =	vor.u32 s22, v4;
	v18 =	vshll.u32 v22, $0x10;
	[tilespmem:v17+s26+$0x0] =	vst.idx.msk $0xffff, v13  }
0x128: {  	v13 =	vor.u32 s22, v5;
	v17 =	vand.u32 $0xFFFF0000, v22;
	[tilespmem:v21+s26+$0x0] =	vst.idx.msk $0xffff, v18;
	v18 =	vld [tilespmem:s20+$0x70]  }
0x129: {  	[tilespmem:v19+s26+$0x0] =	vst.idx.msk $0xffff, v17;
	v17 =	vshll.u32 v16, $0x10;
	v19 =	vor.u32 s21, v6  }
0x12a: {  	v16 =	vand.u32 $0xFFFF0000, v16;
	v21 =	vld [tilespmem:s20+$0xFFFFFFF0];
	[tilespmem:v23+s26+$0x0] =	vst.idx.msk $0xffff, v17;
	v17 =	vor.u32 s21, v7  }
0x12b: {  	v22 =	vor.u32 s6, v6;
	v23 =	vshll.u32 v24, $0x10;
	[tilespmem:v20+s26+$0x0] =	vst.idx.msk $0xffff, v16  }
0x12c: {  	v16 =	vor.u32 s6, v7;
	v20 =	vand.u32 $0xFFFF0000, v24;
	[tilespmem:v12+s26+$0x0] =	vst.idx.msk $0xffff, v23  }
0x12d: {  	[tilespmem:v13+s26+$0x0] =	vst.idx.msk $0xffff, v20;
	v12 =	vshll.u32 v18, $0x10  }
0x12e: {  	v13 =	vand.u32 $0xFFFF0000, v18;
	[tilespmem:v19+s26+$0x0] =	vst.idx.msk $0xffff, v12  }
0x12f: {  	v12 =	vshll.u32 v21, $0x10;
	[tilespmem:v17+s26+$0x0] =	vst.idx.msk $0xffff, v13  }
0x130: {  	v13 =	vld [tilespmem:s20+$0x30];
	v17 =	vand.u32 $0xFFFF0000, v21;
	[tilespmem:v22+s26+$0x0] =	vst.idx.msk $0xffff, v12  }
0x131: {  	v18 =	vor.u32 s5, v6;
	v12 =	vshll.u32 v15, $0x10;
	[tilespmem:v16+s26+$0x0] =	vst.idx.msk $0xffff, v17  }
0x132: {  	v15 =	vand.u32 $0xFFFF0000, v15;
	v16 =	vor.u32 s5, v7;
	v17 =	vld [tilespmem:s20+$0xFFFFFFB0];
	[tilespmem:v9+s26+$0x0] =	vst.idx.msk $0xffff, v12  }
0x133: {  	v9 =	vshll.u32 v14, $0x10;
	v12 =	vor.u32 s22, v6;
	[tilespmem:v8+s26+$0x0] =	vst.idx.msk $0xffff, v15  }
0x134: {  	v8 =	vand.u32 $0xFFFF0000, v14;
	v14 =	vor.u32 s22, v7;
	[tilespmem:v10+s26+$0x0] =	vst.idx.msk $0xffff, v9  }
0x135: {  	[tilespmem:v11+s26+$0x0] =	vst.idx.msk $0xffff, v8;
	v8 =	vshll.u32 v13, $0x10  }
0x136: {  	v9 =	vand.u32 $0xFFFF0000, v13;
	[tilespmem:v18+s26+$0x0] =	vst.idx.msk $0xffff, v8  }
0x137: {  	v8 =	vshll.u32 v17, $0x10;
	[tilespmem:v16+s26+$0x0] =	vst.idx.msk $0xffff, v9  }
0x138: {  	v9 =	vand.u32 $0xFFFF0000, v17;
	[tilespmem:v12+s26+$0x0] =	vst.idx.msk $0xffff, v8  }
0x139: {  	[tilespmem:v14+s26+$0x0] =	vst.idx.msk $0xffff, v9  }
0x13a: {  	s9 =	simm.s32 $0x0;
	s20 =	rddreg [dreg:$0x6]  }
0x13b: {  	[hbm4b:s20+s9] =	stream.linear.scatter [tilespmem:s26], [sflag:$0x6], $0x4000, $0x38;
	[tilespmem:$0x18200] =	vst v63  }
0x13c: {  	s21 =	simm.s32 $0x2200  }
0x13d: {  	[tilespmem:s21], [sflag:$0x2] =	stream.indirect.gather [hbm4b:s4+s16], $0x40, s16, s16, $0xb8;
	[tilespmem:$0x18200] =	vst v63  }
0x13e: {  	_ =	swait.ge [sflag:s28], $0x2000  }
0x13f: {  	[sflag:s28] =	ssyncset.done $0x0  }
0x140: {  	s21 =	simm.s32 $0x4280;
	[sflag:s28] =	ssyncadd.s32 $0xFFFFE000  }
0x141: {  	s22 =	simm.s32 $0x180;
	v8 =	vld [tilespmem:s21+$0x40]  }
0x142: {  	v9 =	vor.u32 s22, v0  }
0x143: {  	s7 =	simm.s32 $0x80;
	v11 =	vor.u32 s22, v1;
	v10 =	vld [tilespmem:s21+$0xFFFFFFC0]  }
0x144: {  	v12 =	vor.u32 s7, v0  }
0x145: {  	v13 =	vor.u32 s7, v1;
	s20 =	simm.s32 $0x100;
	v14 =	vld [tilespmem:s21+$0x0]  }
0x146: {  	v15 =	vor.u32 s20, v0;
	v16 =	vshll.u32 v8, $0x10  }
0x147: {  	s5 =	simm.s32 $0x0;
	v17 =	vor.u32 s20, v1;
	v18 =	vld [tilespmem:s21+$0xFFFFFF80];
	v8 =	vand.u32 $0xFFFF0000, v8;
	[tilespmem:v9+s29+$0x0] =	vst.idx.msk $0xffff, v16  }
0x148: {  	v9 =	vor.u32 s5, v0;
	v16 =	vshll.u32 v10, $0x10;
	[tilespmem:v11+s29+$0x0] =	vst.idx.msk $0xffff, v8  }
0x149: {  	v10 =	vand.u32 $0xFFFF0000, v10;
	v8 =	vor.u32 s5, v1;
	[tilespmem:v12+s29+$0x0] =	vst.idx.msk $0xffff, v16;
	v11 =	vld [tilespmem:s21+$0x50]  }
0x14a: {  	v12 =	vshll.u32 v14, $0x10;
	[tilespmem:v13+s29+$0x0] =	vst.idx.msk $0xffff, v10;
	v10 =	vor.u32 s22, v2  }
0x14b: {  	v13 =	vand.u32 $0xFFFF0000, v14;
	[tilespmem:v15+s29+$0x0] =	vst.idx.msk $0xffff, v12;
	v12 =	vor.u32 s22, v3;
	v14 =	vld [tilespmem:s21+$0xFFFFFFD0]  }
0x14c: {  	v16 =	vshll.u32 v18, $0x10;
	v15 =	vor.u32 s7, v2;
	[tilespmem:v17+s29+$0x0] =	vst.idx.msk $0xffff, v13  }
0x14d: {  	v13 =	vor.u32 s7, v3;
	v17 =	vand.u32 $0xFFFF0000, v18;
	[tilespmem:v9+s29+$0x0] =	vst.idx.msk $0xffff, v16;
	v9 =	vld [tilespmem:s21+$0x10]  }
0x14e: {  	v16 =	vor.u32 s20, v2;
	[tilespmem:v8+s29+$0x0] =	vst.idx.msk $0xffff, v17;
	v8 =	vshll.u32 v11, $0x10  }
0x14f: {  	v17 =	vor.u32 s20, v3;
	v18 =	vld [tilespmem:s21+$0xFFFFFF90];
	v11 =	vand.u32 $0xFFFF0000, v11;
	[tilespmem:v10+s29+$0x0] =	vst.idx.msk $0xffff, v8  }
0x150: {  	v8 =	vor.u32 s5, v2;
	v10 =	vshll.u32 v14, $0x10;
	[tilespmem:v12+s29+$0x0] =	vst.idx.msk $0xffff, v11  }
0x151: {  	v11 =	vor.u32 s5, v3;
	v12 =	vand.u32 $0xFFFF0000, v14;
	[tilespmem:v15+s29+$0x0] =	vst.idx.msk $0xffff, v10;
	v10 =	vld [tilespmem:s21+$0x60]  }
0x152: {  	[tilespmem:v13+s29+$0x0] =	vst.idx.msk $0xffff, v12;
	v12 =	vshll.u32 v9, $0x10;
	v13 =	vor.u32 s22, v4  }
0x153: {  	v9 =	vand.u32 $0xFFFF0000, v9;
	v14 =	vld [tilespmem:s21+$0xFFFFFFE0];
	[tilespmem:v16+s29+$0x0] =	vst.idx.msk $0xffff, v12;
	v12 =	vor.u32 s22, v5  }
0x154: {  	v15 =	vor.u32 s7, v4;
	v16 =	vshll.u32 v18, $0x10;
	[tilespmem:v17+s29+$0x0] =	vst.idx.msk $0xffff, v9  }
0x155: {  	v9 =	vor.u32 s7, v5;
	v17 =	vand.u32 $0xFFFF0000, v18;
	[tilespmem:v8+s29+$0x0] =	vst.idx.msk $0xffff, v16;
	v8 =	vld [tilespmem:s21+$0x20]  }
0x156: {  	v16 =	vor.u32 s20, v4;
	[tilespmem:v11+s29+$0x0] =	vst.idx.msk $0xffff, v17;
	v11 =	vshll.u32 v10, $0x10  }
0x157: {  	v17 =	vor.u32 s20, v5;
	v18 =	vld [tilespmem:s21+$0xFFFFFFA0];
	v10 =	vand.u32 $0xFFFF0000, v10;
	[tilespmem:v13+s29+$0x0] =	vst.idx.msk $0xffff, v11  }
0x158: {  	v11 =	vor.u32 s5, v4;
	v13 =	vshll.u32 v14, $0x10;
	[tilespmem:v12+s29+$0x0] =	vst.idx.msk $0xffff, v10  }
0x159: {  	v10 =	vor.u32 s5, v5;
	v12 =	vand.u32 $0xFFFF0000, v14;
	[tilespmem:v15+s29+$0x0] =	vst.idx.msk $0xffff, v13;
	v13 =	vld [tilespmem:s21+$0x70]  }
0x15a: {  	[tilespmem:v9+s29+$0x0] =	vst.idx.msk $0xffff, v12;
	v9 =	vshll.u32 v8, $0x10;
	v12 =	vor.u32 s22, v6  }
0x15b: {  	v8 =	vand.u32 $0xFFFF0000, v8;
	v14 =	vld [tilespmem:s21+$0xFFFFFFF0];
	[tilespmem:v16+s29+$0x0] =	vst.idx.msk $0xffff, v9;
	v9 =	vor.u32 s22, v7  }
0x15c: {  	s6 =	simm.s32 $0x4380;
	v15 =	vor.u32 s7, v6;
	v16 =	vshll.u32 v18, $0x10;
	[tilespmem:v17+s29+$0x0] =	vst.idx.msk $0xffff, v8  }
0x15d: {  	s22 =	simm.s32 $0x380;
	v8 =	vor.u32 s7, v7;
	v17 =	vand.u32 $0xFFFF0000, v18;
	[tilespmem:v11+s29+$0x0] =	vst.idx.msk $0xffff, v16;
	v11 =	vld [tilespmem:s6+$0x40]  }
0x15e: {  	v16 =	vor.u32 s22, v0;
	[tilespmem:v10+s29+$0x0] =	vst.idx.msk $0xffff, v17;
	v10 =	vshll.u32 v13, $0x10  }
0x15f: {  	s8 =	simm.s32 $0x280;
	v13 =	vand.u32 $0xFFFF0000, v13;
	[tilespmem:v12+s29+$0x0] =	vst.idx.msk $0xffff, v10;
	v10 =	vld [tilespmem:s6+$0xFFFFFFC0];
	v12 =	vor.u32 s22, v1  }
0x160: {  	v17 =	vshll.u32 v14, $0x10;
	[tilespmem:v9+s29+$0x0] =	vst.idx.msk $0xffff, v13;
	v9 =	vor.u32 s8, v0  }
0x161: {  	s7 =	simm.s32 $0x300;
	v13 =	vand.u32 $0xFFFF0000, v14;
	[tilespmem:v15+s29+$0x0] =	vst.idx.msk $0xffff, v17;
	v14 =	vor.u32 s8, v1;
	v15 =	vld [tilespmem:s6+$0x0]  }
0x162: {  	[tilespmem:v8+s29+$0x0] =	vst.idx.msk $0xffff, v13;
	v8 =	vor.u32 s7, v0;
	v13 =	vshll.u32 v11, $0x10  }
0x163: {  	s9 =	simm.s32 $0x200;
	v18 =	vld [tilespmem:s6+$0xFFFFFF80];
	v17 =	vor.u32 s7, v1;
	v11 =	vand.u32 $0xFFFF0000, v11;
	[tilespmem:v16+s29+$0x0] =	vst.idx.msk $0xffff, v13  }
0x164: {  	v13 =	vor.u32 s9, v0;
	v16 =	vshll.u32 v10, $0x10;
	[tilespmem:v12+s29+$0x0] =	vst.idx.msk $0xffff, v11  }
0x165: {  	v11 =	vor.u32 s9, v1;
	v10 =	vand.u32 $0xFFFF0000, v10;
	[tilespmem:v9+s29+$0x0] =	vst.idx.msk $0xffff, v16;
	v9 =	vld [tilespmem:s6+$0x50]  }
0x166: {  	v12 =	vshll.u32 v15, $0x10;
	[tilespmem:v14+s29+$0x0] =	vst.idx.msk $0xffff, v10;
	v10 =	vor.u32 s22, v2  }
0x167: {  	v14 =	vand.u32 $0xFFFF0000, v15;
	[tilespmem:v8+s29+$0x0] =	vst.idx.msk $0xffff, v12;
	v8 =	vor.u32 s22, v3;
	v15 =	vld [tilespmem:s6+$0xFFFFFFD0]  }
0x168: {  	v16 =	vshll.u32 v18, $0x10;
	v12 =	vor.u32 s8, v2;
	[tilespmem:v17+s29+$0x0] =	vst.idx.msk $0xffff, v14  }
0x169: {  	v14 =	vor.u32 s8, v3;
	v17 =	vand.u32 $0xFFFF0000, v18;
	[tilespmem:v13+s29+$0x0] =	vst.idx.msk $0xffff, v16;
	v13 =	vld [tilespmem:s6+$0x10]  }
0x16a: {  	v16 =	vor.u32 s7, v2;
	[tilespmem:v11+s29+$0x0] =	vst.idx.msk $0xffff, v17;
	v11 =	vshll.u32 v9, $0x10  }
0x16b: {  	v17 =	vor.u32 s7, v3;
	v18 =	vld [tilespmem:s6+$0xFFFFFF90];
	v9 =	vand.u32 $0xFFFF0000, v9;
	[tilespmem:v10+s29+$0x0] =	vst.idx.msk $0xffff, v11  }
0x16c: {  	v10 =	vor.u32 s9, v2;
	v11 =	vshll.u32 v15, $0x10;
	[tilespmem:v8+s29+$0x0] =	vst.idx.msk $0xffff, v9  }
0x16d: {  	v8 =	vor.u32 s9, v3;
	v9 =	vand.u32 $0xFFFF0000, v15;
	v15 =	vld [tilespmem:s21+$0x30];
	[tilespmem:v12+s29+$0x0] =	vst.idx.msk $0xffff, v11  }
0x16e: {  	v21 =	vor.u32 s20, v6;
	v11 =	vld [tilespmem:s6+$0x60];
	[tilespmem:v14+s29+$0x0] =	vst.idx.msk $0xffff, v9;
	v9 =	vshll.u32 v13, $0x10  }
0x16f: {  	v12 =	vor.u32 s22, v4;
	v13 =	vand.u32 $0xFFFF0000, v13;
	[tilespmem:v16+s29+$0x0] =	vst.idx.msk $0xffff, v9  }
0x170: {  	v14 =	vld [tilespmem:s6+$0xFFFFFFE0];
	v9 =	vor.u32 s22, v5;
	v19 =	vshll.u32 v18, $0x10;
	[tilespmem:v17+s29+$0x0] =	vst.idx.msk $0xffff, v13  }
0x171: {  	v16 =	vor.u32 s8, v4;
	v13 =	vand.u32 $0xFFFF0000, v18;
	[tilespmem:v10+s29+$0x0] =	vst.idx.msk $0xffff, v19  }
0x172: {  	v17 =	vor.u32 s8, v5;
	v10 =	vld [tilespmem:s6+$0x20];
	[tilespmem:v8+s29+$0x0] =	vst.idx.msk $0xffff, v13;
	v23 =	vshll.u32 v15, $0x10  }
0x173: {  	v26 =	vor.u32 s8, v7;
	v19 =	vor.u32 s7, v4;
	v8 =	vshll.u32 v11, $0x10;
	[tilespmem:v21+s29+$0x0] =	vst.idx.msk $0xffff, v23  }
0x174: {  	v25 =	vor.u32 s8, v6;
	v20 =	vor.u32 s7, v5;
	v22 =	vld [tilespmem:s6+$0xFFFFFFA0];
	v11 =	vand.u32 $0xFFFF0000, v11;
	[tilespmem:v12+s29+$0x0] =	vst.idx.msk $0xffff, v8  }
0x175: {  	v34 =	vor.u32 s20, v7;
	v18 =	vld [tilespmem:s21+$0xFFFFFFB0];
	v8 =	vor.u32 s9, v4;
	v13 =	vshll.u32 v14, $0x10;
	[tilespmem:v9+s29+$0x0] =	vst.idx.msk $0xffff, v11  }
0x176: {  	s21 =	simm.s32 $0x580;
	v35 =	vand.u32 $0xFFFF0000, v15;
	v9 =	vor.u32 s9, v5;
	v11 =	vand.u32 $0xFFFF0000, v14;
	[tilespmem:v16+s29+$0x0] =	vst.idx.msk $0xffff, v13  }
0x177: {  	v32 =	vor.u32 s21, v0;
	v33 =	vor.u32 s21, v1;
	v14 =	vld [tilespmem:s6+$0x70];
	[tilespmem:v17+s29+$0x0] =	vst.idx.msk $0xffff, v11;
	v11 =	vshll.u32 v10, $0x10  }
0x178: {  	v12 =	vor.u32 s5, v6;
	v16 =	vor.u32 s22, v6;
	v10 =	vand.u32 $0xFFFF0000, v10;
	[tilespmem:v19+s29+$0x0] =	vst.idx.msk $0xffff, v11  }
0x179: {  	s20 =	simm.s32 $0x4480;
	v13 =	vor.u32 s5, v7;
	s5 =	simm.s32 $0x500;
	v24 =	vld [tilespmem:s6+$0xFFFFFFF0];
	v19 =	vor.u32 s22, v7;
	v11 =	vshll.u32 v22, $0x10;
	[tilespmem:v20+s29+$0x0] =	vst.idx.msk $0xffff, v10  }
0x17a: {  	v28 =	vld [tilespmem:s20+$0x40];
	v17 =	vshll.u32 v18, $0x10;
	v21 =	vor.u32 s5, v2;
	v15 =	vand.u32 $0xFFFF0000, v22;
	[tilespmem:v8+s29+$0x0] =	vst.idx.msk $0xffff, v11  }
0x17b: {  	v18 =	vand.u32 $0xFFFF0000, v18;
	v10 =	vor.u32 s9, v6;
	v8 =	vor.u32 s7, v7;
	[tilespmem:v9+s29+$0x0] =	vst.idx.msk $0xffff, v15;
	v15 =	vld [tilespmem:s6+$0x30]  }
0x17c: {  	[tilespmem:v34+s29+$0x0] =	vst.idx.msk $0xffff, v35;
	s22 =	simm.s32 $0x400;
	v9 =	vor.u32 s7, v6;
	v11 =	vshll.u32 v14, $0x10;
	v20 =	vand.u32 $0xFFFF0000, v14;
	v14 =	vld [tilespmem:s6+$0xFFFFFFB0];
	s6 =	simm.s32 $0x480  }
0x17d: {  	[tilespmem:v16+s29+$0x0] =	vst.idx.msk $0xffff, v11;
	v11 =	vor.u32 s9, v7;
	v16 =	vor.u32 s22, v2;
	v27 =	vor.u32 s6, v0  }
0x17e: {  	v29 =	vld [tilespmem:s20+$0xFFFFFFC0];
	v23 =	vor.u32 s6, v2;
	v22 =	vshll.u32 v24, $0x10;
	v24 =	vand.u32 $0xFFFF0000, v24;
	[tilespmem:v19+s29+$0x0] =	vst.idx.msk $0xffff, v20  }
0x17f: {  	v30 =	vld [tilespmem:s20+$0x0];
	v20 =	vor.u32 s22, v0;
	v19 =	vor.u32 s22, v1;
	[tilespmem:v25+s29+$0x0] =	vst.idx.msk $0xffff, v22;
	v25 =	vor.u32 s6, v1  }
0x180: {  	v31 =	vld [tilespmem:s20+$0xFFFFFF80];
	s7 =	simm.s32 $0xC;
	v22 =	vor.u32 s6, v3;
	[tilespmem:v26+s29+$0x0] =	vst.idx.msk $0xffff, v24;
	v26 =	vor.u32 s5, v0;
	v24 =	vor.u32 s5, v1  }
.LBB2_6:
0x181: {  	p0 =	slt.u32 s7, $0x7C;
	v34 =	vor.u32 s22, v3;
	v35 =	vor.u32 s6, v4;
	v36 =	vor.u32 s5, v3;
	[tilespmem:v12+s29+$0x0] =	vst.idx.msk $0xffff, v17;
	v12 =	vmovc v10  }
0x182: {  	v37 =	vor.u32 s6, v5;
	v38 =	vor.u32 s5, v4;
	v10 =	vshll.u32 v28, $0x10;
	[tilespmem:v13+s29+$0x0] =	vst.idx.msk $0xffff, v18;
	v13 =	vmovc v11  }
0x183: {  	v18 =	vand.u32 $0xFFFF0000, v28;
	v11 =	vshll.u32 v29, $0x10;
	v17 =	vand.u32 $0xFFFF0000, v29;
	[tilespmem:v32+s29+$0x0] =	vst.idx.msk $0xffff, v10  }
0x184: {  	v29 =	vor.u32 s5, v5;
	v10 =	vshll.u32 v30, $0x10;
	v28 =	vand.u32 $0xFFFF0000, v30;
	[tilespmem:v33+s29+$0x0] =	vst.idx.msk $0xffff, v18  }
0x185: {  	v32 =	vor.u32 s22, v4;
	v30 =	vshll.u32 v31, $0x10;
	v31 =	vand.u32 $0xFFFF0000, v31;
	[tilespmem:v27+s29+$0x0] =	vst.idx.msk $0xffff, v11;
	v27 =	vld [tilespmem:s20+$0x50]  }
0x186: {  	v39 =	vshll.u32 v15, $0x10;
	v33 =	vor.u32 s22, v5;
	[tilespmem:v25+s29+$0x0] =	vst.idx.msk $0xffff, v17;
	v25 =	vor.u32 s21, v2  }
0x187: {  	v41 =	vand.u32 $0xFFFF0000, v15;
	v17 =	vshll.u32 v14, $0x10;
	v40 =	vld [tilespmem:s20+$0xFFFFFFD0];
	[tilespmem:v26+s29+$0x0] =	vst.idx.msk $0xffff, v10;
	v26 =	vor.u32 s21, v3  }
0x188: {  	v42 =	vor.u32 s6, v6;
	v43 =	vor.u32 s6, v7;
	v18 =	vand.u32 $0xFFFF0000, v14;
	[tilespmem:v24+s29+$0x0] =	vst.idx.msk $0xffff, v28  }
0x189: {  	v44 =	vor.u32 s5, v6;
	v45 =	vor.u32 s5, v7;
	v10 =	vor.u32 s22, v6;
	[tilespmem:v20+s29+$0x0] =	vst.idx.msk $0xffff, v30;
	v14 =	vld [tilespmem:s20+$0x10]  }
0x18a: {  	v11 =	vor.u32 s22, v7;
	[tilespmem:v19+s29+$0x0] =	vst.idx.msk $0xffff, v31;
	v15 =	vshll.u32 v27, $0x10  }
0x18b: {  	v20 =	vand.u32 $0xFFFF0000, v27;
	v19 =	vld [tilespmem:s20+$0xFFFFFF90];
	[tilespmem:v25+s29+$0x0] =	vst.idx.msk $0xffff, v15  }
0x18c: {  	v15 =	vshll.u32 v40, $0x10;
	v24 =	vand.u32 $0xFFFF0000, v40;
	[tilespmem:v26+s29+$0x0] =	vst.idx.msk $0xffff, v20  }
0x18d: {  	[tilespmem:v23+s29+$0x0] =	vst.idx.msk $0xffff, v15;
	v15 =	vld [tilespmem:s20+$0x60]  }
0x18e: {  	[tilespmem:v22+s29+$0x0] =	vst.idx.msk $0xffff, v24;
	v20 =	vshll.u32 v14, $0x10;
	v14 =	vand.u32 $0xFFFF0000, v14;
	v22 =	vor.u32 s21, v4  }
0x18f: {  	v23 =	vld [tilespmem:s20+$0xFFFFFFE0];
	[tilespmem:v21+s29+$0x0] =	vst.idx.msk $0xffff, v20;
	v20 =	vor.u32 s21, v5  }
0x190: {  	v21 =	vshll.u32 v19, $0x10;
	v19 =	vand.u32 $0xFFFF0000, v19;
	[tilespmem:v36+s29+$0x0] =	vst.idx.msk $0xffff, v14  }
0x191: {  	[tilespmem:v16+s29+$0x0] =	vst.idx.msk $0xffff, v21;
	v14 =	vld [tilespmem:s20+$0x20]  }
0x192: {  	[tilespmem:v34+s29+$0x0] =	vst.idx.msk $0xffff, v19;
	v16 =	vshll.u32 v15, $0x10  }
0x193: {  	v15 =	vand.u32 $0xFFFF0000, v15;
	v19 =	vld [tilespmem:s20+$0xFFFFFFA0];
	[tilespmem:v22+s29+$0x0] =	vst.idx.msk $0xffff, v16  }
0x194: {  	v16 =	vshll.u32 v23, $0x10;
	v21 =	vand.u32 $0xFFFF0000, v23;
	[tilespmem:v20+s29+$0x0] =	vst.idx.msk $0xffff, v15  }
0x195: {  	[tilespmem:v35+s29+$0x0] =	vst.idx.msk $0xffff, v16;
	v16 =	vld [tilespmem:s20+$0x70]  }
0x196: {  	v20 =	vor.u32 s21, v6;
	[tilespmem:v37+s29+$0x0] =	vst.idx.msk $0xffff, v21;
	v15 =	vshll.u32 v14, $0x10;
	v14 =	vand.u32 $0xFFFF0000, v14  }
0x197: {  	v22 =	vor.u32 s21, v7;
	v21 =	vld [tilespmem:s20+$0xFFFFFFF0];
	[tilespmem:v38+s29+$0x0] =	vst.idx.msk $0xffff, v15  }
0x198: {  	v15 =	vshll.u32 v19, $0x10;
	v19 =	vand.u32 $0xFFFF0000, v19;
	[tilespmem:v29+s29+$0x0] =	vst.idx.msk $0xffff, v14  }
0x199: {  	[tilespmem:v32+s29+$0x0] =	vst.idx.msk $0xffff, v15;
	v15 =	vld [tilespmem:s20+$0x30]  }
0x19a: {  	[tilespmem:v33+s29+$0x0] =	vst.idx.msk $0xffff, v19;
	v19 =	vshll.u32 v16, $0x10  }
0x19b: {  	v16 =	vand.u32 $0xFFFF0000, v16;
	v14 =	vld [tilespmem:s20+$0xFFFFFFB0];
	[tilespmem:v20+s29+$0x0] =	vst.idx.msk $0xffff, v19  }
.Ltmp2:
0x19c: {  	s22 =	sshll.u32 s7, $0x7;
	s20 =	sadd.s32 $0x100, s20;
	v23 =	vshll.u32 v21, $0x10;
	v21 =	vand.u32 $0xFFFF0000, v21;
	[tilespmem:v22+s29+$0x0] =	vst.idx.msk $0xffff, v16;
	(pc) =	sbr.rel @p0 .LBB2_6-.Ltmp2, $4  }
0x19d: {  	s6 =	sadd.s32 $0x80, s22;
	s5 =	sadd.s32 $0x100, s22;
	s21 =	sadd.s32 $0x180, s22;
	v20 =	vor.u32 s22, v0;
	v19 =	vor.u32 s22, v1;
	v16 =	vor.u32 s22, v2;
	v28 =	vld [tilespmem:s20+$0x40];
	[tilespmem:v42+s29+$0x0] =	vst.idx.msk $0xffff, v23  }
0x19e: {  	v27 =	vor.u32 s6, v0;
	v25 =	vor.u32 s6, v1;
	v32 =	vor.u32 s21, v0;
	v29 =	vld [tilespmem:s20+$0xFFFFFFC0];
	[tilespmem:v43+s29+$0x0] =	vst.idx.msk $0xffff, v21  }
0x19f: {  	v26 =	vor.u32 s5, v0;
	v24 =	vor.u32 s5, v1;
	v33 =	vor.u32 s21, v1;
	v30 =	vld [tilespmem:s20+$0x0];
	[tilespmem:v9+s29+$0x0] =	vst.idx.msk $0xffff, v39;
	v9 =	vmovc v44  }
0x1a0: {  	s7 =	sadd.s32 $0x4, s7;
	v22 =	vor.u32 s6, v3;
	v23 =	vor.u32 s6, v2;
	v21 =	vor.u32 s5, v2;
	v31 =	vld [tilespmem:s20+$0xFFFFFF80];
	[tilespmem:v8+s29+$0x0] =	vst.idx.msk $0xffff, v41;
	v8 =	vmovc v45  }
0x1a1: {  	_ =	sdelay $0x3  }
0x1a2: {  	[tilespmem:v12+s29+$0x0] =	vst.idx.msk $0xffff, v17  }
0x1a3: {  	v12 =	vshll.u32 v28, $0x10;
	[tilespmem:v13+s29+$0x0] =	vst.idx.msk $0xffff, v18  }
0x1a4: {  	v13 =	vand.u32 $0xFFFF0000, v28;
	[tilespmem:v32+s29+$0x0] =	vst.idx.msk $0xffff, v12  }
0x1a5: {  	v12 =	vshll.u32 v29, $0x10;
	[tilespmem:v33+s29+$0x0] =	vst.idx.msk $0xffff, v13  }
0x1a6: {  	v13 =	vand.u32 $0xFFFF0000, v29;
	[tilespmem:v27+s29+$0x0] =	vst.idx.msk $0xffff, v12;
	v12 =	vld [tilespmem:s20+$0x50]  }
0x1a7: {  	v17 =	vshll.u32 v30, $0x10;
	[tilespmem:v25+s29+$0x0] =	vst.idx.msk $0xffff, v13;
	v13 =	vor.u32 s21, v2  }
0x1a8: {  	v18 =	vand.u32 $0xFFFF0000, v30;
	[tilespmem:v26+s29+$0x0] =	vst.idx.msk $0xffff, v17;
	v17 =	vor.u32 s21, v3;
	v25 =	vld [tilespmem:s20+$0xFFFFFFD0]  }
0x1a9: {  	v26 =	vshll.u32 v31, $0x10;
	[tilespmem:v24+s29+$0x0] =	vst.idx.msk $0xffff, v18  }
0x1aa: {  	v18 =	vand.u32 $0xFFFF0000, v31;
	[tilespmem:v20+s29+$0x0] =	vst.idx.msk $0xffff, v26;
	v20 =	vld [tilespmem:s20+$0x10]  }
0x1ab: {  	[tilespmem:v19+s29+$0x0] =	vst.idx.msk $0xffff, v18;
	v18 =	vshll.u32 v12, $0x10  }
0x1ac: {  	v19 =	vor.u32 s5, v3;
	v24 =	vld [tilespmem:s20+$0xFFFFFF90];
	v12 =	vand.u32 $0xFFFF0000, v12;
	[tilespmem:v13+s29+$0x0] =	vst.idx.msk $0xffff, v18  }
0x1ad: {  	v13 =	vshll.u32 v25, $0x10;
	[tilespmem:v17+s29+$0x0] =	vst.idx.msk $0xffff, v12  }
0x1ae: {  	v12 =	vor.u32 s22, v3;
	v17 =	vand.u32 $0xFFFF0000, v25;
	[tilespmem:v23+s29+$0x0] =	vst.idx.msk $0xffff, v13;
	v13 =	vld [tilespmem:s20+$0x60]  }
0x1af: {  	v18 =	vor.u32 s21, v4;
	[tilespmem:v22+s29+$0x0] =	vst.idx.msk $0xffff, v17;
	v17 =	vshll.u32 v20, $0x10  }
0x1b0: {  	v20 =	vand.u32 $0xFFFF0000, v20;
	v22 =	vld [tilespmem:s20+$0xFFFFFFE0];
	[tilespmem:v21+s29+$0x0] =	vst.idx.msk $0xffff, v17;
	v17 =	vor.u32 s21, v5  }
0x1b1: {  	v23 =	vshll.u32 v24, $0x10;
	v21 =	vor.u32 s6, v4;
	[tilespmem:v19+s29+$0x0] =	vst.idx.msk $0xffff, v20  }
0x1b2: {  	[tilespmem:v16+s29+$0x0] =	vst.idx.msk $0xffff, v23;
	v19 =	vor.u32 s6, v5;
	v20 =	vand.u32 $0xFFFF0000, v24;
	v16 =	vld [tilespmem:s20+$0x20]  }
0x1b3: {  	v23 =	vor.u32 s5, v4;
	[tilespmem:v12+s29+$0x0] =	vst.idx.msk $0xffff, v20;
	v12 =	vshll.u32 v13, $0x10  }
0x1b4: {  	v20 =	vor.u32 s5, v5;
	v24 =	vld [tilespmem:s20+$0xFFFFFFA0];
	v13 =	vand.u32 $0xFFFF0000, v13;
	[tilespmem:v18+s29+$0x0] =	vst.idx.msk $0xffff, v12  }
0x1b5: {  	v12 =	vor.u32 s22, v4;
	v18 =	vshll.u32 v22, $0x10;
	[tilespmem:v17+s29+$0x0] =	vst.idx.msk $0xffff, v13  }
0x1b6: {  	v13 =	vor.u32 s22, v5;
	v17 =	vand.u32 $0xFFFF0000, v22;
	[tilespmem:v21+s29+$0x0] =	vst.idx.msk $0xffff, v18;
	v18 =	vld [tilespmem:s20+$0x70]  }
0x1b7: {  	[tilespmem:v19+s29+$0x0] =	vst.idx.msk $0xffff, v17;
	v17 =	vshll.u32 v16, $0x10;
	v19 =	vor.u32 s21, v6  }
0x1b8: {  	v16 =	vand.u32 $0xFFFF0000, v16;
	v21 =	vld [tilespmem:s20+$0xFFFFFFF0];
	[tilespmem:v23+s29+$0x0] =	vst.idx.msk $0xffff, v17;
	v17 =	vor.u32 s21, v7  }
0x1b9: {  	v22 =	vor.u32 s6, v6;
	v23 =	vshll.u32 v24, $0x10;
	[tilespmem:v20+s29+$0x0] =	vst.idx.msk $0xffff, v16  }
0x1ba: {  	v16 =	vor.u32 s6, v7;
	v20 =	vand.u32 $0xFFFF0000, v24;
	[tilespmem:v12+s29+$0x0] =	vst.idx.msk $0xffff, v23  }
0x1bb: {  	[tilespmem:v13+s29+$0x0] =	vst.idx.msk $0xffff, v20;
	v12 =	vshll.u32 v18, $0x10  }
0x1bc: {  	v13 =	vand.u32 $0xFFFF0000, v18;
	[tilespmem:v19+s29+$0x0] =	vst.idx.msk $0xffff, v12  }
0x1bd: {  	v12 =	vshll.u32 v21, $0x10;
	[tilespmem:v17+s29+$0x0] =	vst.idx.msk $0xffff, v13  }
0x1be: {  	v13 =	vld [tilespmem:s20+$0x30];
	v17 =	vand.u32 $0xFFFF0000, v21;
	[tilespmem:v22+s29+$0x0] =	vst.idx.msk $0xffff, v12  }
0x1bf: {  	v18 =	vor.u32 s5, v6;
	v12 =	vshll.u32 v15, $0x10;
	[tilespmem:v16+s29+$0x0] =	vst.idx.msk $0xffff, v17  }
0x1c0: {  	v15 =	vand.u32 $0xFFFF0000, v15;
	v16 =	vor.u32 s5, v7;
	v17 =	vld [tilespmem:s20+$0xFFFFFFB0];
	[tilespmem:v9+s29+$0x0] =	vst.idx.msk $0xffff, v12  }
0x1c1: {  	v9 =	vshll.u32 v14, $0x10;
	v12 =	vor.u32 s22, v6;
	[tilespmem:v8+s29+$0x0] =	vst.idx.msk $0xffff, v15  }
0x1c2: {  	v8 =	vand.u32 $0xFFFF0000, v14;
	v14 =	vor.u32 s22, v7;
	[tilespmem:v10+s29+$0x0] =	vst.idx.msk $0xffff, v9  }
0x1c3: {  	[tilespmem:v11+s29+$0x0] =	vst.idx.msk $0xffff, v8;
	v8 =	vshll.u32 v13, $0x10  }
0x1c4: {  	v9 =	vand.u32 $0xFFFF0000, v13;
	[tilespmem:v18+s29+$0x0] =	vst.idx.msk $0xffff, v8  }
0x1c5: {  	v8 =	vshll.u32 v17, $0x10;
	[tilespmem:v16+s29+$0x0] =	vst.idx.msk $0xffff, v9  }
0x1c6: {  	v9 =	vand.u32 $0xFFFF0000, v17;
	[tilespmem:v12+s29+$0x0] =	vst.idx.msk $0xffff, v8  }
0x1c7: {  	[tilespmem:v14+s29+$0x0] =	vst.idx.msk $0xffff, v9  }
0x1c8: {  	s8 =	simm.s32 $0x0;
	s9 =	rddreg [dreg:$0x7]  }
0x1c9: {  	[hbm4b:s9+s8] =	stream.linear.scatter [tilespmem:s29], [sflag:$0x7], $0x4000, $0x38;
	[tilespmem:$0x18200] =	vst v63  }
0x1ca: {  	s21 =	simm.s32 $0x4200;
	s20 =	simm.s32 $0x100  }
0x1cb: {  	[tilespmem:s21], [sflag:$0x3] =	stream.indirect.gather [hbm4b:s4+s16], $0x40, s20, s16, $0xb8;
	[tilespmem:$0x18200] =	vst v63  }
0x1cc: {  	_ =	swait.ge [sflag:s30], $0x2000  }
0x1cd: {  	[sflag:s30] =	ssyncset.done $0x0  }
0x1ce: {  	s21 =	simm.s32 $0x6280;
	[sflag:s30] =	ssyncadd.s32 $0xFFFFE000  }
0x1cf: {  	s22 =	simm.s32 $0x180;
	v8 =	vld [tilespmem:s21+$0x40]  }
0x1d0: {  	v9 =	vor.u32 s22, v0  }
0x1d1: {  	s7 =	simm.s32 $0x80;
	v11 =	vor.u32 s22, v1;
	v10 =	vld [tilespmem:s21+$0xFFFFFFC0]  }
0x1d2: {  	v12 =	vor.u32 s7, v0  }
0x1d3: {  	v13 =	vor.u32 s7, v1;
	s20 =	simm.s32 $0x100;
	v14 =	vld [tilespmem:s21+$0x0]  }
0x1d4: {  	v15 =	vor.u32 s20, v0;
	v16 =	vshll.u32 v8, $0x10  }
0x1d5: {  	s5 =	simm.s32 $0x0;
	v17 =	vor.u32 s20, v1;
	v18 =	vld [tilespmem:s21+$0xFFFFFF80];
	v8 =	vand.u32 $0xFFFF0000, v8;
	[tilespmem:v9+s31+$0x0] =	vst.idx.msk $0xffff, v16  }
0x1d6: {  	v9 =	vor.u32 s5, v0;
	v16 =	vshll.u32 v10, $0x10;
	[tilespmem:v11+s31+$0x0] =	vst.idx.msk $0xffff, v8  }
0x1d7: {  	v10 =	vand.u32 $0xFFFF0000, v10;
	v8 =	vor.u32 s5, v1;
	[tilespmem:v12+s31+$0x0] =	vst.idx.msk $0xffff, v16;
	v11 =	vld [tilespmem:s21+$0x50]  }
0x1d8: {  	v12 =	vshll.u32 v14, $0x10;
	[tilespmem:v13+s31+$0x0] =	vst.idx.msk $0xffff, v10;
	v10 =	vor.u32 s22, v2  }
0x1d9: {  	v13 =	vand.u32 $0xFFFF0000, v14;
	[tilespmem:v15+s31+$0x0] =	vst.idx.msk $0xffff, v12;
	v12 =	vor.u32 s22, v3;
	v14 =	vld [tilespmem:s21+$0xFFFFFFD0]  }
0x1da: {  	v16 =	vshll.u32 v18, $0x10;
	v15 =	vor.u32 s7, v2;
	[tilespmem:v17+s31+$0x0] =	vst.idx.msk $0xffff, v13  }
0x1db: {  	v13 =	vor.u32 s7, v3;
	v17 =	vand.u32 $0xFFFF0000, v18;
	[tilespmem:v9+s31+$0x0] =	vst.idx.msk $0xffff, v16;
	v9 =	vld [tilespmem:s21+$0x10]  }
0x1dc: {  	v16 =	vor.u32 s20, v2;
	[tilespmem:v8+s31+$0x0] =	vst.idx.msk $0xffff, v17;
	v8 =	vshll.u32 v11, $0x10  }
0x1dd: {  	v17 =	vor.u32 s20, v3;
	v18 =	vld [tilespmem:s21+$0xFFFFFF90];
	v11 =	vand.u32 $0xFFFF0000, v11;
	[tilespmem:v10+s31+$0x0] =	vst.idx.msk $0xffff, v8  }
0x1de: {  	v8 =	vor.u32 s5, v2;
	v10 =	vshll.u32 v14, $0x10;
	[tilespmem:v12+s31+$0x0] =	vst.idx.msk $0xffff, v11  }
0x1df: {  	v11 =	vor.u32 s5, v3;
	v12 =	vand.u32 $0xFFFF0000, v14;
	[tilespmem:v15+s31+$0x0] =	vst.idx.msk $0xffff, v10;
	v10 =	vld [tilespmem:s21+$0x60]  }
0x1e0: {  	[tilespmem:v13+s31+$0x0] =	vst.idx.msk $0xffff, v12;
	v12 =	vshll.u32 v9, $0x10;
	v13 =	vor.u32 s22, v4  }
0x1e1: {  	v9 =	vand.u32 $0xFFFF0000, v9;
	v14 =	vld [tilespmem:s21+$0xFFFFFFE0];
	[tilespmem:v16+s31+$0x0] =	vst.idx.msk $0xffff, v12;
	v12 =	vor.u32 s22, v5  }
0x1e2: {  	v15 =	vor.u32 s7, v4;
	v16 =	vshll.u32 v18, $0x10;
	[tilespmem:v17+s31+$0x0] =	vst.idx.msk $0xffff, v9  }
0x1e3: {  	v9 =	vor.u32 s7, v5;
	v17 =	vand.u32 $0xFFFF0000, v18;
	[tilespmem:v8+s31+$0x0] =	vst.idx.msk $0xffff, v16;
	v8 =	vld [tilespmem:s21+$0x20]  }
0x1e4: {  	v16 =	vor.u32 s20, v4;
	[tilespmem:v11+s31+$0x0] =	vst.idx.msk $0xffff, v17;
	v11 =	vshll.u32 v10, $0x10  }
0x1e5: {  	v17 =	vor.u32 s20, v5;
	v18 =	vld [tilespmem:s21+$0xFFFFFFA0];
	v10 =	vand.u32 $0xFFFF0000, v10;
	[tilespmem:v13+s31+$0x0] =	vst.idx.msk $0xffff, v11  }
0x1e6: {  	v11 =	vor.u32 s5, v4;
	v13 =	vshll.u32 v14, $0x10;
	[tilespmem:v12+s31+$0x0] =	vst.idx.msk $0xffff, v10  }
0x1e7: {  	v10 =	vor.u32 s5, v5;
	v12 =	vand.u32 $0xFFFF0000, v14;
	[tilespmem:v15+s31+$0x0] =	vst.idx.msk $0xffff, v13;
	v13 =	vld [tilespmem:s21+$0x70]  }
0x1e8: {  	[tilespmem:v9+s31+$0x0] =	vst.idx.msk $0xffff, v12;
	v9 =	vshll.u32 v8, $0x10;
	v12 =	vor.u32 s22, v6  }
0x1e9: {  	v8 =	vand.u32 $0xFFFF0000, v8;
	v14 =	vld [tilespmem:s21+$0xFFFFFFF0];
	[tilespmem:v16+s31+$0x0] =	vst.idx.msk $0xffff, v9;
	v9 =	vor.u32 s22, v7  }
0x1ea: {  	s6 =	simm.s32 $0x6380;
	v15 =	vor.u32 s7, v6;
	v16 =	vshll.u32 v18, $0x10;
	[tilespmem:v17+s31+$0x0] =	vst.idx.msk $0xffff, v8  }
0x1eb: {  	s22 =	simm.s32 $0x380;
	v8 =	vor.u32 s7, v7;
	v17 =	vand.u32 $0xFFFF0000, v18;
	[tilespmem:v11+s31+$0x0] =	vst.idx.msk $0xffff, v16;
	v11 =	vld [tilespmem:s6+$0x40]  }
0x1ec: {  	v16 =	vor.u32 s22, v0;
	[tilespmem:v10+s31+$0x0] =	vst.idx.msk $0xffff, v17;
	v10 =	vshll.u32 v13, $0x10  }
0x1ed: {  	s8 =	simm.s32 $0x280;
	v13 =	vand.u32 $0xFFFF0000, v13;
	[tilespmem:v12+s31+$0x0] =	vst.idx.msk $0xffff, v10;
	v10 =	vld [tilespmem:s6+$0xFFFFFFC0];
	v12 =	vor.u32 s22, v1  }
0x1ee: {  	v17 =	vshll.u32 v14, $0x10;
	[tilespmem:v9+s31+$0x0] =	vst.idx.msk $0xffff, v13;
	v9 =	vor.u32 s8, v0  }
0x1ef: {  	s7 =	simm.s32 $0x300;
	v13 =	vand.u32 $0xFFFF0000, v14;
	[tilespmem:v15+s31+$0x0] =	vst.idx.msk $0xffff, v17;
	v14 =	vor.u32 s8, v1;
	v15 =	vld [tilespmem:s6+$0x0]  }
0x1f0: {  	[tilespmem:v8+s31+$0x0] =	vst.idx.msk $0xffff, v13;
	v8 =	vor.u32 s7, v0;
	v13 =	vshll.u32 v11, $0x10  }
0x1f1: {  	s9 =	simm.s32 $0x200;
	v18 =	vld [tilespmem:s6+$0xFFFFFF80];
	v17 =	vor.u32 s7, v1;
	v11 =	vand.u32 $0xFFFF0000, v11;
	[tilespmem:v16+s31+$0x0] =	vst.idx.msk $0xffff, v13  }
0x1f2: {  	v13 =	vor.u32 s9, v0;
	v16 =	vshll.u32 v10, $0x10;
	[tilespmem:v12+s31+$0x0] =	vst.idx.msk $0xffff, v11  }
0x1f3: {  	v11 =	vor.u32 s9, v1;
	v10 =	vand.u32 $0xFFFF0000, v10;
	[tilespmem:v9+s31+$0x0] =	vst.idx.msk $0xffff, v16;
	v9 =	vld [tilespmem:s6+$0x50]  }
0x1f4: {  	v12 =	vshll.u32 v15, $0x10;
	[tilespmem:v14+s31+$0x0] =	vst.idx.msk $0xffff, v10;
	v10 =	vor.u32 s22, v2  }
0x1f5: {  	v14 =	vand.u32 $0xFFFF0000, v15;
	[tilespmem:v8+s31+$0x0] =	vst.idx.msk $0xffff, v12;
	v8 =	vor.u32 s22, v3;
	v15 =	vld [tilespmem:s6+$0xFFFFFFD0]  }
0x1f6: {  	v16 =	vshll.u32 v18, $0x10;
	v12 =	vor.u32 s8, v2;
	[tilespmem:v17+s31+$0x0] =	vst.idx.msk $0xffff, v14  }
0x1f7: {  	v14 =	vor.u32 s8, v3;
	v17 =	vand.u32 $0xFFFF0000, v18;
	[tilespmem:v13+s31+$0x0] =	vst.idx.msk $0xffff, v16;
	v13 =	vld [tilespmem:s6+$0x10]  }
0x1f8: {  	v16 =	vor.u32 s7, v2;
	[tilespmem:v11+s31+$0x0] =	vst.idx.msk $0xffff, v17;
	v11 =	vshll.u32 v9, $0x10  }
0x1f9: {  	v17 =	vor.u32 s7, v3;
	v18 =	vld [tilespmem:s6+$0xFFFFFF90];
	v9 =	vand.u32 $0xFFFF0000, v9;
	[tilespmem:v10+s31+$0x0] =	vst.idx.msk $0xffff, v11  }
0x1fa: {  	v10 =	vor.u32 s9, v2;
	v11 =	vshll.u32 v15, $0x10;
	[tilespmem:v8+s31+$0x0] =	vst.idx.msk $0xffff, v9  }
0x1fb: {  	v8 =	vor.u32 s9, v3;
	v9 =	vand.u32 $0xFFFF0000, v15;
	v15 =	vld [tilespmem:s21+$0x30];
	[tilespmem:v12+s31+$0x0] =	vst.idx.msk $0xffff, v11  }
0x1fc: {  	v21 =	vor.u32 s20, v6;
	v11 =	vld [tilespmem:s6+$0x60];
	[tilespmem:v14+s31+$0x0] =	vst.idx.msk $0xffff, v9;
	v9 =	vshll.u32 v13, $0x10  }
0x1fd: {  	v12 =	vor.u32 s22, v4;
	v13 =	vand.u32 $0xFFFF0000, v13;
	[tilespmem:v16+s31+$0x0] =	vst.idx.msk $0xffff, v9  }
0x1fe: {  	v14 =	vld [tilespmem:s6+$0xFFFFFFE0];
	v9 =	vor.u32 s22, v5;
	v19 =	vshll.u32 v18, $0x10;
	[tilespmem:v17+s31+$0x0] =	vst.idx.msk $0xffff, v13  }
0x1ff: {  	v16 =	vor.u32 s8, v4;
	v13 =	vand.u32 $0xFFFF0000, v18;
	[tilespmem:v10+s31+$0x0] =	vst.idx.msk $0xffff, v19  }
0x200: {  	v17 =	vor.u32 s8, v5;
	v10 =	vld [tilespmem:s6+$0x20];
	[tilespmem:v8+s31+$0x0] =	vst.idx.msk $0xffff, v13;
	v23 =	vshll.u32 v15, $0x10  }
0x201: {  	v25 =	vor.u32 s8, v6;
	v19 =	vor.u32 s7, v4;
	v8 =	vshll.u32 v11, $0x10;
	[tilespmem:v21+s31+$0x0] =	vst.idx.msk $0xffff, v23  }
0x202: {  	v26 =	vor.u32 s8, v7;
	v20 =	vor.u32 s7, v5;
	v22 =	vld [tilespmem:s6+$0xFFFFFFA0];
	v11 =	vand.u32 $0xFFFF0000, v11;
	[tilespmem:v12+s31+$0x0] =	vst.idx.msk $0xffff, v8  }
0x203: {  	v34 =	vor.u32 s20, v7;
	v18 =	vld [tilespmem:s21+$0xFFFFFFB0];
	v8 =	vor.u32 s9, v4;
	v13 =	vshll.u32 v14, $0x10;
	[tilespmem:v9+s31+$0x0] =	vst.idx.msk $0xffff, v11  }
0x204: {  	s21 =	simm.s32 $0x580;
	v35 =	vand.u32 $0xFFFF0000, v15;
	v9 =	vor.u32 s9, v5;
	v11 =	vand.u32 $0xFFFF0000, v14;
	[tilespmem:v16+s31+$0x0] =	vst.idx.msk $0xffff, v13  }
0x205: {  	v32 =	vor.u32 s21, v0;
	v33 =	vor.u32 s21, v1;
	v14 =	vld [tilespmem:s6+$0x70];
	[tilespmem:v17+s31+$0x0] =	vst.idx.msk $0xffff, v11;
	v11 =	vshll.u32 v10, $0x10  }
0x206: {  	v12 =	vor.u32 s5, v6;
	v16 =	vor.u32 s22, v6;
	v10 =	vand.u32 $0xFFFF0000, v10;
	[tilespmem:v19+s31+$0x0] =	vst.idx.msk $0xffff, v11  }
0x207: {  	s20 =	simm.s32 $0x6480;
	v13 =	vor.u32 s5, v7;
	s5 =	simm.s32 $0x500;
	v24 =	vld [tilespmem:s6+$0xFFFFFFF0];
	v19 =	vor.u32 s22, v7;
	v11 =	vshll.u32 v22, $0x10;
	[tilespmem:v20+s31+$0x0] =	vst.idx.msk $0xffff, v10  }
0x208: {  	v28 =	vld [tilespmem:s20+$0x40];
	v17 =	vshll.u32 v18, $0x10;
	v21 =	vor.u32 s5, v2;
	v15 =	vand.u32 $0xFFFF0000, v22;
	[tilespmem:v8+s31+$0x0] =	vst.idx.msk $0xffff, v11  }
0x209: {  	v18 =	vand.u32 $0xFFFF0000, v18;
	v10 =	vor.u32 s9, v6;
	v8 =	vor.u32 s7, v7;
	[tilespmem:v9+s31+$0x0] =	vst.idx.msk $0xffff, v15;
	v15 =	vld [tilespmem:s6+$0x30]  }
0x20a: {  	[tilespmem:v34+s31+$0x0] =	vst.idx.msk $0xffff, v35;
	s22 =	simm.s32 $0x400;
	v9 =	vor.u32 s7, v6;
	v11 =	vshll.u32 v14, $0x10;
	v20 =	vand.u32 $0xFFFF0000, v14;
	v14 =	vld [tilespmem:s6+$0xFFFFFFB0];
	s6 =	simm.s32 $0x480  }
0x20b: {  	[tilespmem:v16+s31+$0x0] =	vst.idx.msk $0xffff, v11;
	v11 =	vor.u32 s9, v7;
	v16 =	vor.u32 s22, v2;
	v27 =	vor.u32 s6, v0  }
0x20c: {  	v29 =	vld [tilespmem:s20+$0xFFFFFFC0];
	v23 =	vor.u32 s6, v2;
	v22 =	vshll.u32 v24, $0x10;
	v24 =	vand.u32 $0xFFFF0000, v24;
	[tilespmem:v19+s31+$0x0] =	vst.idx.msk $0xffff, v20  }
0x20d: {  	v30 =	vld [tilespmem:s20+$0x0];
	v20 =	vor.u32 s22, v0;
	v19 =	vor.u32 s22, v1;
	[tilespmem:v25+s31+$0x0] =	vst.idx.msk $0xffff, v22;
	v25 =	vor.u32 s6, v1  }
0x20e: {  	v31 =	vld [tilespmem:s20+$0xFFFFFF80];
	s7 =	simm.s32 $0xC;
	v22 =	vor.u32 s6, v3;
	[tilespmem:v26+s31+$0x0] =	vst.idx.msk $0xffff, v24;
	v26 =	vor.u32 s5, v0;
	v24 =	vor.u32 s5, v1  }
.LBB2_8:
0x20f: {  	p0 =	slt.u32 s7, $0x7C;
	v34 =	vor.u32 s22, v3;
	v35 =	vor.u32 s6, v4;
	v36 =	vor.u32 s5, v3;
	[tilespmem:v12+s31+$0x0] =	vst.idx.msk $0xffff, v17;
	v12 =	vmovc v10  }
0x210: {  	v37 =	vor.u32 s6, v5;
	v38 =	vor.u32 s5, v4;
	v10 =	vshll.u32 v28, $0x10;
	[tilespmem:v13+s31+$0x0] =	vst.idx.msk $0xffff, v18;
	v13 =	vmovc v11  }
0x211: {  	v18 =	vand.u32 $0xFFFF0000, v28;
	v11 =	vshll.u32 v29, $0x10;
	v17 =	vand.u32 $0xFFFF0000, v29;
	[tilespmem:v32+s31+$0x0] =	vst.idx.msk $0xffff, v10  }
0x212: {  	v29 =	vor.u32 s5, v5;
	v10 =	vshll.u32 v30, $0x10;
	v28 =	vand.u32 $0xFFFF0000, v30;
	[tilespmem:v33+s31+$0x0] =	vst.idx.msk $0xffff, v18  }
0x213: {  	v32 =	vor.u32 s22, v4;
	v30 =	vshll.u32 v31, $0x10;
	v31 =	vand.u32 $0xFFFF0000, v31;
	[tilespmem:v27+s31+$0x0] =	vst.idx.msk $0xffff, v11;
	v27 =	vld [tilespmem:s20+$0x50]  }
0x214: {  	v39 =	vshll.u32 v15, $0x10;
	v33 =	vor.u32 s22, v5;
	[tilespmem:v25+s31+$0x0] =	vst.idx.msk $0xffff, v17;
	v25 =	vor.u32 s21, v2  }
0x215: {  	v41 =	vand.u32 $0xFFFF0000, v15;
	v17 =	vshll.u32 v14, $0x10;
	v40 =	vld [tilespmem:s20+$0xFFFFFFD0];
	[tilespmem:v26+s31+$0x0] =	vst.idx.msk $0xffff, v10;
	v26 =	vor.u32 s21, v3  }
0x216: {  	v42 =	vor.u32 s6, v6;
	v43 =	vor.u32 s6, v7;
	v18 =	vand.u32 $0xFFFF0000, v14;
	[tilespmem:v24+s31+$0x0] =	vst.idx.msk $0xffff, v28  }
0x217: {  	v44 =	vor.u32 s5, v6;
	v45 =	vor.u32 s5, v7;
	v10 =	vor.u32 s22, v6;
	[tilespmem:v20+s31+$0x0] =	vst.idx.msk $0xffff, v30;
	v14 =	vld [tilespmem:s20+$0x10]  }
0x218: {  	v11 =	vor.u32 s22, v7;
	[tilespmem:v19+s31+$0x0] =	vst.idx.msk $0xffff, v31;
	v15 =	vshll.u32 v27, $0x10  }
0x219: {  	v20 =	vand.u32 $0xFFFF0000, v27;
	v19 =	vld [tilespmem:s20+$0xFFFFFF90];
	[tilespmem:v25+s31+$0x0] =	vst.idx.msk $0xffff, v15  }
0x21a: {  	v15 =	vshll.u32 v40, $0x10;
	v24 =	vand.u32 $0xFFFF0000, v40;
	[tilespmem:v26+s31+$0x0] =	vst.idx.msk $0xffff, v20  }
0x21b: {  	[tilespmem:v23+s31+$0x0] =	vst.idx.msk $0xffff, v15;
	v15 =	vld [tilespmem:s20+$0x60]  }
0x21c: {  	[tilespmem:v22+s31+$0x0] =	vst.idx.msk $0xffff, v24;
	v20 =	vshll.u32 v14, $0x10;
	v14 =	vand.u32 $0xFFFF0000, v14;
	v22 =	vor.u32 s21, v4  }
0x21d: {  	v23 =	vld [tilespmem:s20+$0xFFFFFFE0];
	[tilespmem:v21+s31+$0x0] =	vst.idx.msk $0xffff, v20;
	v20 =	vor.u32 s21, v5  }
0x21e: {  	v21 =	vshll.u32 v19, $0x10;
	v19 =	vand.u32 $0xFFFF0000, v19;
	[tilespmem:v36+s31+$0x0] =	vst.idx.msk $0xffff, v14  }
0x21f: {  	[tilespmem:v16+s31+$0x0] =	vst.idx.msk $0xffff, v21;
	v14 =	vld [tilespmem:s20+$0x20]  }
0x220: {  	[tilespmem:v34+s31+$0x0] =	vst.idx.msk $0xffff, v19;
	v16 =	vshll.u32 v15, $0x10  }
0x221: {  	v15 =	vand.u32 $0xFFFF0000, v15;
	v19 =	vld [tilespmem:s20+$0xFFFFFFA0];
	[tilespmem:v22+s31+$0x0] =	vst.idx.msk $0xffff, v16  }
0x222: {  	v16 =	vshll.u32 v23, $0x10;
	v21 =	vand.u32 $0xFFFF0000, v23;
	[tilespmem:v20+s31+$0x0] =	vst.idx.msk $0xffff, v15  }
0x223: {  	[tilespmem:v35+s31+$0x0] =	vst.idx.msk $0xffff, v16;
	v16 =	vld [tilespmem:s20+$0x70]  }
0x224: {  	v20 =	vor.u32 s21, v6;
	[tilespmem:v37+s31+$0x0] =	vst.idx.msk $0xffff, v21;
	v15 =	vshll.u32 v14, $0x10;
	v14 =	vand.u32 $0xFFFF0000, v14  }
0x225: {  	v22 =	vor.u32 s21, v7;
	v21 =	vld [tilespmem:s20+$0xFFFFFFF0];
	[tilespmem:v38+s31+$0x0] =	vst.idx.msk $0xffff, v15  }
0x226: {  	v15 =	vshll.u32 v19, $0x10;
	v19 =	vand.u32 $0xFFFF0000, v19;
	[tilespmem:v29+s31+$0x0] =	vst.idx.msk $0xffff, v14  }
0x227: {  	[tilespmem:v32+s31+$0x0] =	vst.idx.msk $0xffff, v15;
	v15 =	vld [tilespmem:s20+$0x30]  }
0x228: {  	[tilespmem:v33+s31+$0x0] =	vst.idx.msk $0xffff, v19;
	v19 =	vshll.u32 v16, $0x10  }
0x229: {  	v16 =	vand.u32 $0xFFFF0000, v16;
	v14 =	vld [tilespmem:s20+$0xFFFFFFB0];
	[tilespmem:v20+s31+$0x0] =	vst.idx.msk $0xffff, v19  }
.Ltmp3:
0x22a: {  	s22 =	sshll.u32 s7, $0x7;
	s20 =	sadd.s32 $0x100, s20;
	v23 =	vshll.u32 v21, $0x10;
	v21 =	vand.u32 $0xFFFF0000, v21;
	[tilespmem:v22+s31+$0x0] =	vst.idx.msk $0xffff, v16;
	(pc) =	sbr.rel @p0 .LBB2_8-.Ltmp3, $4  }
0x22b: {  	s6 =	sadd.s32 $0x80, s22;
	s5 =	sadd.s32 $0x100, s22;
	s21 =	sadd.s32 $0x180, s22;
	v20 =	vor.u32 s22, v0;
	v19 =	vor.u32 s22, v1;
	v16 =	vor.u32 s22, v2;
	v28 =	vld [tilespmem:s20+$0x40];
	[tilespmem:v42+s31+$0x0] =	vst.idx.msk $0xffff, v23  }
0x22c: {  	v27 =	vor.u32 s6, v0;
	v25 =	vor.u32 s6, v1;
	v32 =	vor.u32 s21, v0;
	v29 =	vld [tilespmem:s20+$0xFFFFFFC0];
	[tilespmem:v43+s31+$0x0] =	vst.idx.msk $0xffff, v21  }
0x22d: {  	v26 =	vor.u32 s5, v0;
	v24 =	vor.u32 s5, v1;
	v33 =	vor.u32 s21, v1;
	v30 =	vld [tilespmem:s20+$0x0];
	[tilespmem:v9+s31+$0x0] =	vst.idx.msk $0xffff, v39;
	v9 =	vmovc v44  }
0x22e: {  	s7 =	sadd.s32 $0x4, s7;
	v22 =	vor.u32 s6, v3;
	v23 =	vor.u32 s6, v2;
	v21 =	vor.u32 s5, v2;
	v31 =	vld [tilespmem:s20+$0xFFFFFF80];
	[tilespmem:v8+s31+$0x0] =	vst.idx.msk $0xffff, v41;
	v8 =	vmovc v45  }
0x22f: {  	_ =	sdelay $0x3  }
0x230: {  	[tilespmem:v12+s31+$0x0] =	vst.idx.msk $0xffff, v17  }
0x231: {  	v12 =	vshll.u32 v28, $0x10;
	[tilespmem:v13+s31+$0x0] =	vst.idx.msk $0xffff, v18  }
0x232: {  	v13 =	vand.u32 $0xFFFF0000, v28;
	[tilespmem:v32+s31+$0x0] =	vst.idx.msk $0xffff, v12  }
0x233: {  	v12 =	vshll.u32 v29, $0x10;
	[tilespmem:v33+s31+$0x0] =	vst.idx.msk $0xffff, v13  }
0x234: {  	v13 =	vand.u32 $0xFFFF0000, v29;
	[tilespmem:v27+s31+$0x0] =	vst.idx.msk $0xffff, v12;
	v12 =	vld [tilespmem:s20+$0x50]  }
0x235: {  	v17 =	vshll.u32 v30, $0x10;
	[tilespmem:v25+s31+$0x0] =	vst.idx.msk $0xffff, v13;
	v13 =	vor.u32 s21, v2  }
0x236: {  	v18 =	vand.u32 $0xFFFF0000, v30;
	[tilespmem:v26+s31+$0x0] =	vst.idx.msk $0xffff, v17;
	v17 =	vor.u32 s21, v3;
	v25 =	vld [tilespmem:s20+$0xFFFFFFD0]  }
0x237: {  	v26 =	vshll.u32 v31, $0x10;
	[tilespmem:v24+s31+$0x0] =	vst.idx.msk $0xffff, v18  }
0x238: {  	v18 =	vand.u32 $0xFFFF0000, v31;
	[tilespmem:v20+s31+$0x0] =	vst.idx.msk $0xffff, v26;
	v20 =	vld [tilespmem:s20+$0x10]  }
0x239: {  	[tilespmem:v19+s31+$0x0] =	vst.idx.msk $0xffff, v18;
	v18 =	vshll.u32 v12, $0x10  }
0x23a: {  	v19 =	vor.u32 s5, v3;
	v24 =	vld [tilespmem:s20+$0xFFFFFF90];
	v12 =	vand.u32 $0xFFFF0000, v12;
	[tilespmem:v13+s31+$0x0] =	vst.idx.msk $0xffff, v18  }
0x23b: {  	v13 =	vshll.u32 v25, $0x10;
	[tilespmem:v17+s31+$0x0] =	vst.idx.msk $0xffff, v12  }
0x23c: {  	v12 =	vor.u32 s22, v3;
	v17 =	vand.u32 $0xFFFF0000, v25;
	[tilespmem:v23+s31+$0x0] =	vst.idx.msk $0xffff, v13;
	v13 =	vld [tilespmem:s20+$0x60]  }
0x23d: {  	v18 =	vor.u32 s21, v4;
	[tilespmem:v22+s31+$0x0] =	vst.idx.msk $0xffff, v17;
	v17 =	vshll.u32 v20, $0x10  }
0x23e: {  	v20 =	vand.u32 $0xFFFF0000, v20;
	v22 =	vld [tilespmem:s20+$0xFFFFFFE0];
	[tilespmem:v21+s31+$0x0] =	vst.idx.msk $0xffff, v17;
	v17 =	vor.u32 s21, v5  }
0x23f: {  	v23 =	vshll.u32 v24, $0x10;
	v21 =	vor.u32 s6, v4;
	[tilespmem:v19+s31+$0x0] =	vst.idx.msk $0xffff, v20  }
0x240: {  	[tilespmem:v16+s31+$0x0] =	vst.idx.msk $0xffff, v23;
	v19 =	vor.u32 s6, v5;
	v20 =	vand.u32 $0xFFFF0000, v24;
	v16 =	vld [tilespmem:s20+$0x20]  }
0x241: {  	v23 =	vor.u32 s5, v4;
	[tilespmem:v12+s31+$0x0] =	vst.idx.msk $0xffff, v20;
	v12 =	vshll.u32 v13, $0x10  }
0x242: {  	v20 =	vor.u32 s5, v5;
	v24 =	vld [tilespmem:s20+$0xFFFFFFA0];
	v13 =	vand.u32 $0xFFFF0000, v13;
	[tilespmem:v18+s31+$0x0] =	vst.idx.msk $0xffff, v12  }
0x243: {  	v12 =	vor.u32 s22, v4;
	v18 =	vshll.u32 v22, $0x10;
	[tilespmem:v17+s31+$0x0] =	vst.idx.msk $0xffff, v13  }
0x244: {  	v13 =	vor.u32 s22, v5;
	v17 =	vand.u32 $0xFFFF0000, v22;
	[tilespmem:v21+s31+$0x0] =	vst.idx.msk $0xffff, v18;
	v18 =	vld [tilespmem:s20+$0x70]  }
0x245: {  	[tilespmem:v19+s31+$0x0] =	vst.idx.msk $0xffff, v17;
	v17 =	vshll.u32 v16, $0x10;
	v19 =	vor.u32 s21, v6  }
0x246: {  	v16 =	vand.u32 $0xFFFF0000, v16;
	v21 =	vld [tilespmem:s20+$0xFFFFFFF0];
	[tilespmem:v23+s31+$0x0] =	vst.idx.msk $0xffff, v17;
	v17 =	vor.u32 s21, v7  }
0x247: {  	v22 =	vor.u32 s6, v6;
	v23 =	vshll.u32 v24, $0x10;
	[tilespmem:v20+s31+$0x0] =	vst.idx.msk $0xffff, v16  }
0x248: {  	v16 =	vor.u32 s6, v7;
	v20 =	vand.u32 $0xFFFF0000, v24;
	[tilespmem:v12+s31+$0x0] =	vst.idx.msk $0xffff, v23  }
0x249: {  	[tilespmem:v13+s31+$0x0] =	vst.idx.msk $0xffff, v20;
	v12 =	vshll.u32 v18, $0x10  }
0x24a: {  	v13 =	vand.u32 $0xFFFF0000, v18;
	[tilespmem:v19+s31+$0x0] =	vst.idx.msk $0xffff, v12  }
0x24b: {  	v12 =	vshll.u32 v21, $0x10;
	[tilespmem:v17+s31+$0x0] =	vst.idx.msk $0xffff, v13  }
0x24c: {  	v13 =	vld [tilespmem:s20+$0x30];
	v17 =	vand.u32 $0xFFFF0000, v21;
	[tilespmem:v22+s31+$0x0] =	vst.idx.msk $0xffff, v12  }
0x24d: {  	v18 =	vor.u32 s5, v6;
	v12 =	vshll.u32 v15, $0x10;
	[tilespmem:v16+s31+$0x0] =	vst.idx.msk $0xffff, v17  }
0x24e: {  	v15 =	vand.u32 $0xFFFF0000, v15;
	v16 =	vor.u32 s5, v7;
	v17 =	vld [tilespmem:s20+$0xFFFFFFB0];
	[tilespmem:v9+s31+$0x0] =	vst.idx.msk $0xffff, v12  }
0x24f: {  	v9 =	vshll.u32 v14, $0x10;
	v12 =	vor.u32 s22, v6;
	[tilespmem:v8+s31+$0x0] =	vst.idx.msk $0xffff, v15  }
0x250: {  	v8 =	vand.u32 $0xFFFF0000, v14;
	v14 =	vor.u32 s22, v7;
	[tilespmem:v10+s31+$0x0] =	vst.idx.msk $0xffff, v9  }
0x251: {  	[tilespmem:v11+s31+$0x0] =	vst.idx.msk $0xffff, v8;
	v8 =	vshll.u32 v13, $0x10  }
0x252: {  	v9 =	vand.u32 $0xFFFF0000, v13;
	[tilespmem:v18+s31+$0x0] =	vst.idx.msk $0xffff, v8  }
0x253: {  	v8 =	vshll.u32 v17, $0x10;
	[tilespmem:v16+s31+$0x0] =	vst.idx.msk $0xffff, v9  }
0x254: {  	v9 =	vand.u32 $0xFFFF0000, v17;
	[tilespmem:v12+s31+$0x0] =	vst.idx.msk $0xffff, v8  }
0x255: {  	[tilespmem:v14+s31+$0x0] =	vst.idx.msk $0xffff, v9  }
0x256: {  	s8 =	simm.s32 $0x0;
	s9 =	rddreg [dreg:$0x8]  }
0x257: {  	[hbm4b:s9+s8] =	stream.linear.scatter [tilespmem:s31], [sflag:$0x8], $0x4000, $0x38;
	[tilespmem:$0x18200] =	vst v63  }
0x258: {  	s21 =	simm.s32 $0x6200;
	s20 =	simm.s32 $0x180  }
0x259: {  	[tilespmem:s21], [sflag:$0x4] =	stream.indirect.gather [hbm4b:s4+s16], $0x40, s20, s16, $0xb8;
	[tilespmem:$0x18200] =	vst v63  }
0x25a: {  	_ =	swait.ge [sflag:s23], $0x2000  }
0x25b: {  	[sflag:s23] =	ssyncset.done $0x0  }
0x25c: {  	[sflag:s23] =	ssyncadd.s32 $0xFFFFE000  }
0x25d: {  	_ =	swait.ge [sflag:s0], $0x4000  }
0x25e: {  	[sflag:s0] =	ssyncset.done $0x0  }
0x25f: {  	s21 =	simm.s32 $0x280;
	[sflag:s0] =	ssyncadd.s32 $0xFFFFC000  }
0x260: {  	s22 =	simm.s32 $0x180;
	v8 =	vld [tilespmem:s21+$0x40]  }
0x261: {  	v9 =	vor.u32 s22, v0  }
0x262: {  	s7 =	simm.s32 $0x80;
	v11 =	vor.u32 s22, v1;
	v10 =	vld [tilespmem:s21+$0xFFFFFFC0]  }
0x263: {  	v12 =	vor.u32 s7, v0  }
0x264: {  	v13 =	vor.u32 s7, v1;
	s20 =	simm.s32 $0x100;
	v14 =	vld [tilespmem:s21+$0x0]  }
0x265: {  	v15 =	vor.u32 s20, v0;
	v16 =	vshll.u32 v8, $0x10  }
0x266: {  	s5 =	simm.s32 $0x0;
	v17 =	vor.u32 s20, v1;
	v18 =	vld [tilespmem:s21+$0xFFFFFF80];
	v8 =	vand.u32 $0xFFFF0000, v8;
	[tilespmem:v9+s24+$0x0] =	vst.idx.msk $0xffff, v16  }
0x267: {  	v9 =	vor.u32 s5, v0;
	v16 =	vshll.u32 v10, $0x10;
	[tilespmem:v11+s24+$0x0] =	vst.idx.msk $0xffff, v8  }
0x268: {  	v10 =	vand.u32 $0xFFFF0000, v10;
	v8 =	vor.u32 s5, v1;
	[tilespmem:v12+s24+$0x0] =	vst.idx.msk $0xffff, v16;
	v11 =	vld [tilespmem:s21+$0x50]  }
0x269: {  	v12 =	vshll.u32 v14, $0x10;
	[tilespmem:v13+s24+$0x0] =	vst.idx.msk $0xffff, v10;
	v10 =	vor.u32 s22, v2  }
0x26a: {  	v13 =	vand.u32 $0xFFFF0000, v14;
	[tilespmem:v15+s24+$0x0] =	vst.idx.msk $0xffff, v12;
	v12 =	vor.u32 s22, v3;
	v14 =	vld [tilespmem:s21+$0xFFFFFFD0]  }
0x26b: {  	v16 =	vshll.u32 v18, $0x10;
	v15 =	vor.u32 s7, v2;
	[tilespmem:v17+s24+$0x0] =	vst.idx.msk $0xffff, v13  }
0x26c: {  	v13 =	vor.u32 s7, v3;
	v17 =	vand.u32 $0xFFFF0000, v18;
	[tilespmem:v9+s24+$0x0] =	vst.idx.msk $0xffff, v16;
	v9 =	vld [tilespmem:s21+$0x10]  }
0x26d: {  	v16 =	vor.u32 s20, v2;
	[tilespmem:v8+s24+$0x0] =	vst.idx.msk $0xffff, v17;
	v8 =	vshll.u32 v11, $0x10  }
0x26e: {  	v17 =	vor.u32 s20, v3;
	v18 =	vld [tilespmem:s21+$0xFFFFFF90];
	v11 =	vand.u32 $0xFFFF0000, v11;
	[tilespmem:v10+s24+$0x0] =	vst.idx.msk $0xffff, v8  }
0x26f: {  	v8 =	vor.u32 s5, v2;
	v10 =	vshll.u32 v14, $0x10;
	[tilespmem:v12+s24+$0x0] =	vst.idx.msk $0xffff, v11  }
0x270: {  	v11 =	vor.u32 s5, v3;
	v12 =	vand.u32 $0xFFFF0000, v14;
	[tilespmem:v15+s24+$0x0] =	vst.idx.msk $0xffff, v10;
	v10 =	vld [tilespmem:s21+$0x60]  }
0x271: {  	[tilespmem:v13+s24+$0x0] =	vst.idx.msk $0xffff, v12;
	v12 =	vshll.u32 v9, $0x10;
	v13 =	vor.u32 s22, v4  }
0x272: {  	v9 =	vand.u32 $0xFFFF0000, v9;
	v14 =	vld [tilespmem:s21+$0xFFFFFFE0];
	[tilespmem:v16+s24+$0x0] =	vst.idx.msk $0xffff, v12;
	v12 =	vor.u32 s22, v5  }
0x273: {  	v15 =	vor.u32 s7, v4;
	v16 =	vshll.u32 v18, $0x10;
	[tilespmem:v17+s24+$0x0] =	vst.idx.msk $0xffff, v9  }
0x274: {  	v9 =	vor.u32 s7, v5;
	v17 =	vand.u32 $0xFFFF0000, v18;
	[tilespmem:v8+s24+$0x0] =	vst.idx.msk $0xffff, v16;
	v8 =	vld [tilespmem:s21+$0x20]  }
0x275: {  	v16 =	vor.u32 s20, v4;
	[tilespmem:v11+s24+$0x0] =	vst.idx.msk $0xffff, v17;
	v11 =	vshll.u32 v10, $0x10  }
0x276: {  	v17 =	vor.u32 s20, v5;
	v18 =	vld [tilespmem:s21+$0xFFFFFFA0];
	v10 =	vand.u32 $0xFFFF0000, v10;
	[tilespmem:v13+s24+$0x0] =	vst.idx.msk $0xffff, v11  }
0x277: {  	v11 =	vor.u32 s5, v4;
	v13 =	vshll.u32 v14, $0x10;
	[tilespmem:v12+s24+$0x0] =	vst.idx.msk $0xffff, v10  }
0x278: {  	v10 =	vor.u32 s5, v5;
	v12 =	vand.u32 $0xFFFF0000, v14;
	[tilespmem:v15+s24+$0x0] =	vst.idx.msk $0xffff, v13;
	v13 =	vld [tilespmem:s21+$0x70]  }
0x279: {  	[tilespmem:v9+s24+$0x0] =	vst.idx.msk $0xffff, v12;
	v9 =	vshll.u32 v8, $0x10;
	v12 =	vor.u32 s22, v6  }
0x27a: {  	v8 =	vand.u32 $0xFFFF0000, v8;
	v14 =	vld [tilespmem:s21+$0xFFFFFFF0];
	[tilespmem:v16+s24+$0x0] =	vst.idx.msk $0xffff, v9;
	v9 =	vor.u32 s22, v7  }
0x27b: {  	s6 =	simm.s32 $0x380;
	v15 =	vor.u32 s7, v6;
	v16 =	vshll.u32 v18, $0x10;
	[tilespmem:v17+s24+$0x0] =	vst.idx.msk $0xffff, v8  }
0x27c: {  	s22 =	simm.s32 $0x380;
	v8 =	vor.u32 s7, v7;
	v17 =	vand.u32 $0xFFFF0000, v18;
	[tilespmem:v11+s24+$0x0] =	vst.idx.msk $0xffff, v16;
	v11 =	vld [tilespmem:s6+$0x40]  }
0x27d: {  	v16 =	vor.u32 s22, v0;
	[tilespmem:v10+s24+$0x0] =	vst.idx.msk $0xffff, v17;
	v10 =	vshll.u32 v13, $0x10  }
0x27e: {  	s8 =	simm.s32 $0x280;
	v13 =	vand.u32 $0xFFFF0000, v13;
	[tilespmem:v12+s24+$0x0] =	vst.idx.msk $0xffff, v10;
	v10 =	vld [tilespmem:s6+$0xFFFFFFC0];
	v12 =	vor.u32 s22, v1  }
0x27f: {  	v17 =	vshll.u32 v14, $0x10;
	[tilespmem:v9+s24+$0x0] =	vst.idx.msk $0xffff, v13;
	v9 =	vor.u32 s8, v0  }
0x280: {  	s7 =	simm.s32 $0x300;
	v13 =	vand.u32 $0xFFFF0000, v14;
	[tilespmem:v15+s24+$0x0] =	vst.idx.msk $0xffff, v17;
	v14 =	vor.u32 s8, v1;
	v15 =	vld [tilespmem:s6+$0x0]  }
0x281: {  	[tilespmem:v8+s24+$0x0] =	vst.idx.msk $0xffff, v13;
	v8 =	vor.u32 s7, v0;
	v13 =	vshll.u32 v11, $0x10  }
0x282: {  	s9 =	simm.s32 $0x200;
	v18 =	vld [tilespmem:s6+$0xFFFFFF80];
	v17 =	vor.u32 s7, v1;
	v11 =	vand.u32 $0xFFFF0000, v11;
	[tilespmem:v16+s24+$0x0] =	vst.idx.msk $0xffff, v13  }
0x283: {  	v13 =	vor.u32 s9, v0;
	v16 =	vshll.u32 v10, $0x10;
	[tilespmem:v12+s24+$0x0] =	vst.idx.msk $0xffff, v11  }
0x284: {  	v11 =	vor.u32 s9, v1;
	v10 =	vand.u32 $0xFFFF0000, v10;
	[tilespmem:v9+s24+$0x0] =	vst.idx.msk $0xffff, v16;
	v9 =	vld [tilespmem:s6+$0x50]  }
0x285: {  	v12 =	vshll.u32 v15, $0x10;
	[tilespmem:v14+s24+$0x0] =	vst.idx.msk $0xffff, v10;
	v10 =	vor.u32 s22, v2  }
0x286: {  	v14 =	vand.u32 $0xFFFF0000, v15;
	[tilespmem:v8+s24+$0x0] =	vst.idx.msk $0xffff, v12;
	v8 =	vor.u32 s22, v3;
	v15 =	vld [tilespmem:s6+$0xFFFFFFD0]  }
0x287: {  	v16 =	vshll.u32 v18, $0x10;
	v12 =	vor.u32 s8, v2;
	[tilespmem:v17+s24+$0x0] =	vst.idx.msk $0xffff, v14  }
0x288: {  	v14 =	vor.u32 s8, v3;
	v17 =	vand.u32 $0xFFFF0000, v18;
	[tilespmem:v13+s24+$0x0] =	vst.idx.msk $0xffff, v16;
	v13 =	vld [tilespmem:s6+$0x10]  }
0x289: {  	v16 =	vor.u32 s7, v2;
	[tilespmem:v11+s24+$0x0] =	vst.idx.msk $0xffff, v17;
	v11 =	vshll.u32 v9, $0x10  }
0x28a: {  	v17 =	vor.u32 s7, v3;
	v18 =	vld [tilespmem:s6+$0xFFFFFF90];
	v9 =	vand.u32 $0xFFFF0000, v9;
	[tilespmem:v10+s24+$0x0] =	vst.idx.msk $0xffff, v11  }
0x28b: {  	v10 =	vor.u32 s9, v2;
	v11 =	vshll.u32 v15, $0x10;
	[tilespmem:v8+s24+$0x0] =	vst.idx.msk $0xffff, v9  }
0x28c: {  	v8 =	vor.u32 s9, v3;
	v9 =	vand.u32 $0xFFFF0000, v15;
	v15 =	vld [tilespmem:s21+$0x30];
	[tilespmem:v12+s24+$0x0] =	vst.idx.msk $0xffff, v11  }
0x28d: {  	v21 =	vor.u32 s20, v6;
	v11 =	vld [tilespmem:s6+$0x60];
	[tilespmem:v14+s24+$0x0] =	vst.idx.msk $0xffff, v9;
	v9 =	vshll.u32 v13, $0x10  }
0x28e: {  	v12 =	vor.u32 s22, v4;
	v13 =	vand.u32 $0xFFFF0000, v13;
	[tilespmem:v16+s24+$0x0] =	vst.idx.msk $0xffff, v9  }
0x28f: {  	v14 =	vld [tilespmem:s6+$0xFFFFFFE0];
	v9 =	vor.u32 s22, v5;
	v19 =	vshll.u32 v18, $0x10;
	[tilespmem:v17+s24+$0x0] =	vst.idx.msk $0xffff, v13  }
0x290: {  	v16 =	vor.u32 s8, v4;
	v13 =	vand.u32 $0xFFFF0000, v18;
	[tilespmem:v10+s24+$0x0] =	vst.idx.msk $0xffff, v19  }
0x291: {  	v17 =	vor.u32 s8, v5;
	v10 =	vld [tilespmem:s6+$0x20];
	[tilespmem:v8+s24+$0x0] =	vst.idx.msk $0xffff, v13;
	v23 =	vshll.u32 v15, $0x10  }
0x292: {  	v25 =	vor.u32 s8, v6;
	v19 =	vor.u32 s7, v4;
	v8 =	vshll.u32 v11, $0x10;
	[tilespmem:v21+s24+$0x0] =	vst.idx.msk $0xffff, v23  }
0x293: {  	v26 =	vor.u32 s8, v7;
	v20 =	vor.u32 s7, v5;
	v22 =	vld [tilespmem:s6+$0xFFFFFFA0];
	v11 =	vand.u32 $0xFFFF0000, v11;
	[tilespmem:v12+s24+$0x0] =	vst.idx.msk $0xffff, v8  }
0x294: {  	v34 =	vor.u32 s20, v7;
	v18 =	vld [tilespmem:s21+$0xFFFFFFB0];
	v8 =	vor.u32 s9, v4;
	v13 =	vshll.u32 v14, $0x10;
	[tilespmem:v9+s24+$0x0] =	vst.idx.msk $0xffff, v11  }
0x295: {  	s21 =	simm.s32 $0x580;
	v35 =	vand.u32 $0xFFFF0000, v15;
	v9 =	vor.u32 s9, v5;
	v11 =	vand.u32 $0xFFFF0000, v14;
	[tilespmem:v16+s24+$0x0] =	vst.idx.msk $0xffff, v13  }
0x296: {  	v32 =	vor.u32 s21, v0;
	v33 =	vor.u32 s21, v1;
	v14 =	vld [tilespmem:s6+$0x70];
	[tilespmem:v17+s24+$0x0] =	vst.idx.msk $0xffff, v11;
	v11 =	vshll.u32 v10, $0x10  }
0x297: {  	v12 =	vor.u32 s5, v6;
	v16 =	vor.u32 s22, v6;
	v10 =	vand.u32 $0xFFFF0000, v10;
	[tilespmem:v19+s24+$0x0] =	vst.idx.msk $0xffff, v11  }
0x298: {  	s20 =	simm.s32 $0x480;
	v13 =	vor.u32 s5, v7;
	s5 =	simm.s32 $0x500;
	v24 =	vld [tilespmem:s6+$0xFFFFFFF0];
	v19 =	vor.u32 s22, v7;
	v11 =	vshll.u32 v22, $0x10;
	[tilespmem:v20+s24+$0x0] =	vst.idx.msk $0xffff, v10  }
0x299: {  	v28 =	vld [tilespmem:s20+$0x40];
	v17 =	vshll.u32 v18, $0x10;
	v21 =	vor.u32 s5, v2;
	v15 =	vand.u32 $0xFFFF0000, v22;
	[tilespmem:v8+s24+$0x0] =	vst.idx.msk $0xffff, v11  }
0x29a: {  	v18 =	vand.u32 $0xFFFF0000, v18;
	v10 =	vor.u32 s9, v6;
	v8 =	vor.u32 s7, v7;
	[tilespmem:v9+s24+$0x0] =	vst.idx.msk $0xffff, v15;
	v15 =	vld [tilespmem:s6+$0x30]  }
0x29b: {  	[tilespmem:v34+s24+$0x0] =	vst.idx.msk $0xffff, v35;
	s22 =	simm.s32 $0x400;
	v9 =	vor.u32 s7, v6;
	v11 =	vshll.u32 v14, $0x10;
	v20 =	vand.u32 $0xFFFF0000, v14;
	v14 =	vld [tilespmem:s6+$0xFFFFFFB0];
	s6 =	simm.s32 $0x480  }
0x29c: {  	[tilespmem:v16+s24+$0x0] =	vst.idx.msk $0xffff, v11;
	v11 =	vor.u32 s9, v7;
	v16 =	vor.u32 s22, v2;
	v27 =	vor.u32 s6, v0  }
0x29d: {  	v29 =	vld [tilespmem:s20+$0xFFFFFFC0];
	v23 =	vor.u32 s6, v2;
	v22 =	vshll.u32 v24, $0x10;
	v24 =	vand.u32 $0xFFFF0000, v24;
	[tilespmem:v19+s24+$0x0] =	vst.idx.msk $0xffff, v20  }
0x29e: {  	v30 =	vld [tilespmem:s20+$0x0];
	v20 =	vor.u32 s22, v0;
	v19 =	vor.u32 s22, v1;
	[tilespmem:v25+s24+$0x0] =	vst.idx.msk $0xffff, v22;
	v25 =	vor.u32 s6, v1  }
0x29f: {  	v31 =	vld [tilespmem:s20+$0xFFFFFF80];
	s7 =	simm.s32 $0xC;
	v22 =	vor.u32 s6, v3;
	[tilespmem:v26+s24+$0x0] =	vst.idx.msk $0xffff, v24;
	v26 =	vor.u32 s5, v0;
	v24 =	vor.u32 s5, v1  }
.LBB2_10:
0x2a0: {  	p0 =	slt.u32 s7, $0x7C;
	v34 =	vor.u32 s22, v3;
	v35 =	vor.u32 s6, v4;
	v36 =	vor.u32 s5, v3;
	[tilespmem:v12+s24+$0x0] =	vst.idx.msk $0xffff, v17;
	v12 =	vmovc v10  }
0x2a1: {  	v37 =	vor.u32 s6, v5;
	v38 =	vor.u32 s5, v4;
	v10 =	vshll.u32 v28, $0x10;
	[tilespmem:v13+s24+$0x0] =	vst.idx.msk $0xffff, v18;
	v13 =	vmovc v11  }
0x2a2: {  	v18 =	vand.u32 $0xFFFF0000, v28;
	v11 =	vshll.u32 v29, $0x10;
	v17 =	vand.u32 $0xFFFF0000, v29;
	[tilespmem:v32+s24+$0x0] =	vst.idx.msk $0xffff, v10  }
0x2a3: {  	v29 =	vor.u32 s5, v5;
	v10 =	vshll.u32 v30, $0x10;
	v28 =	vand.u32 $0xFFFF0000, v30;
	[tilespmem:v33+s24+$0x0] =	vst.idx.msk $0xffff, v18  }
0x2a4: {  	v32 =	vor.u32 s22, v4;
	v30 =	vshll.u32 v31, $0x10;
	v31 =	vand.u32 $0xFFFF0000, v31;
	[tilespmem:v27+s24+$0x0] =	vst.idx.msk $0xffff, v11;
	v27 =	vld [tilespmem:s20+$0x50]  }
0x2a5: {  	v39 =	vshll.u32 v15, $0x10;
	v33 =	vor.u32 s22, v5;
	[tilespmem:v25+s24+$0x0] =	vst.idx.msk $0xffff, v17;
	v25 =	vor.u32 s21, v2  }
0x2a6: {  	v41 =	vand.u32 $0xFFFF0000, v15;
	v17 =	vshll.u32 v14, $0x10;
	v40 =	vld [tilespmem:s20+$0xFFFFFFD0];
	[tilespmem:v26+s24+$0x0] =	vst.idx.msk $0xffff, v10;
	v26 =	vor.u32 s21, v3  }
0x2a7: {  	v42 =	vor.u32 s6, v6;
	v43 =	vor.u32 s6, v7;
	v18 =	vand.u32 $0xFFFF0000, v14;
	[tilespmem:v24+s24+$0x0] =	vst.idx.msk $0xffff, v28  }
0x2a8: {  	v44 =	vor.u32 s5, v6;
	v45 =	vor.u32 s5, v7;
	v10 =	vor.u32 s22, v6;
	[tilespmem:v20+s24+$0x0] =	vst.idx.msk $0xffff, v30;
	v14 =	vld [tilespmem:s20+$0x10]  }
0x2a9: {  	v11 =	vor.u32 s22, v7;
	[tilespmem:v19+s24+$0x0] =	vst.idx.msk $0xffff, v31;
	v15 =	vshll.u32 v27, $0x10  }
0x2aa: {  	v20 =	vand.u32 $0xFFFF0000, v27;
	v19 =	vld [tilespmem:s20+$0xFFFFFF90];
	[tilespmem:v25+s24+$0x0] =	vst.idx.msk $0xffff, v15  }
0x2ab: {  	v15 =	vshll.u32 v40, $0x10;
	v24 =	vand.u32 $0xFFFF0000, v40;
	[tilespmem:v26+s24+$0x0] =	vst.idx.msk $0xffff, v20  }
0x2ac: {  	[tilespmem:v23+s24+$0x0] =	vst.idx.msk $0xffff, v15;
	v15 =	vld [tilespmem:s20+$0x60]  }
0x2ad: {  	[tilespmem:v22+s24+$0x0] =	vst.idx.msk $0xffff, v24;
	v20 =	vshll.u32 v14, $0x10;
	v14 =	vand.u32 $0xFFFF0000, v14;
	v22 =	vor.u32 s21, v4  }
0x2ae: {  	v23 =	vld [tilespmem:s20+$0xFFFFFFE0];
	[tilespmem:v21+s24+$0x0] =	vst.idx.msk $0xffff, v20;
	v20 =	vor.u32 s21, v5  }
0x2af: {  	v21 =	vshll.u32 v19, $0x10;
	v19 =	vand.u32 $0xFFFF0000, v19;
	[tilespmem:v36+s24+$0x0] =	vst.idx.msk $0xffff, v14  }
0x2b0: {  	[tilespmem:v16+s24+$0x0] =	vst.idx.msk $0xffff, v21;
	v14 =	vld [tilespmem:s20+$0x20]  }
0x2b1: {  	[tilespmem:v34+s24+$0x0] =	vst.idx.msk $0xffff, v19;
	v16 =	vshll.u32 v15, $0x10  }
0x2b2: {  	v15 =	vand.u32 $0xFFFF0000, v15;
	v19 =	vld [tilespmem:s20+$0xFFFFFFA0];
	[tilespmem:v22+s24+$0x0] =	vst.idx.msk $0xffff, v16  }
0x2b3: {  	v16 =	vshll.u32 v23, $0x10;
	v21 =	vand.u32 $0xFFFF0000, v23;
	[tilespmem:v20+s24+$0x0] =	vst.idx.msk $0xffff, v15  }
0x2b4: {  	[tilespmem:v35+s24+$0x0] =	vst.idx.msk $0xffff, v16;
	v16 =	vld [tilespmem:s20+$0x70]  }
0x2b5: {  	v20 =	vor.u32 s21, v6;
	[tilespmem:v37+s24+$0x0] =	vst.idx.msk $0xffff, v21;
	v15 =	vshll.u32 v14, $0x10;
	v14 =	vand.u32 $0xFFFF0000, v14  }
0x2b6: {  	v22 =	vor.u32 s21, v7;
	v21 =	vld [tilespmem:s20+$0xFFFFFFF0];
	[tilespmem:v38+s24+$0x0] =	vst.idx.msk $0xffff, v15  }
0x2b7: {  	v15 =	vshll.u32 v19, $0x10;
	v19 =	vand.u32 $0xFFFF0000, v19;
	[tilespmem:v29+s24+$0x0] =	vst.idx.msk $0xffff, v14  }
0x2b8: {  	[tilespmem:v32+s24+$0x0] =	vst.idx.msk $0xffff, v15;
	v15 =	vld [tilespmem:s20+$0x30]  }
0x2b9: {  	[tilespmem:v33+s24+$0x0] =	vst.idx.msk $0xffff, v19;
	v19 =	vshll.u32 v16, $0x10  }
0x2ba: {  	v16 =	vand.u32 $0xFFFF0000, v16;
	v14 =	vld [tilespmem:s20+$0xFFFFFFB0];
	[tilespmem:v20+s24+$0x0] =	vst.idx.msk $0xffff, v19  }
.Ltmp4:
0x2bb: {  	s22 =	sshll.u32 s7, $0x7;
	s20 =	sadd.s32 $0x100, s20;
	v23 =	vshll.u32 v21, $0x10;
	v21 =	vand.u32 $0xFFFF0000, v21;
	[tilespmem:v22+s24+$0x0] =	vst.idx.msk $0xffff, v16;
	(pc) =	sbr.rel @p0 .LBB2_10-.Ltmp4, $4  }
0x2bc: {  	s6 =	sadd.s32 $0x80, s22;
	s5 =	sadd.s32 $0x100, s22;
	s21 =	sadd.s32 $0x180, s22;
	v20 =	vor.u32 s22, v0;
	v19 =	vor.u32 s22, v1;
	v16 =	vor.u32 s22, v2;
	v28 =	vld [tilespmem:s20+$0x40];
	[tilespmem:v42+s24+$0x0] =	vst.idx.msk $0xffff, v23  }
0x2bd: {  	v27 =	vor.u32 s6, v0;
	v25 =	vor.u32 s6, v1;
	v32 =	vor.u32 s21, v0;
	v29 =	vld [tilespmem:s20+$0xFFFFFFC0];
	[tilespmem:v43+s24+$0x0] =	vst.idx.msk $0xffff, v21  }
0x2be: {  	v26 =	vor.u32 s5, v0;
	v24 =	vor.u32 s5, v1;
	v33 =	vor.u32 s21, v1;
	v30 =	vld [tilespmem:s20+$0x0];
	[tilespmem:v9+s24+$0x0] =	vst.idx.msk $0xffff, v39;
	v9 =	vmovc v44  }
0x2bf: {  	s7 =	sadd.s32 $0x4, s7;
	v22 =	vor.u32 s6, v3;
	v23 =	vor.u32 s6, v2;
	v21 =	vor.u32 s5, v2;
	v31 =	vld [tilespmem:s20+$0xFFFFFF80];
	[tilespmem:v8+s24+$0x0] =	vst.idx.msk $0xffff, v41;
	v8 =	vmovc v45  }
0x2c0: {  	_ =	sdelay $0x3  }
0x2c1: {  	[tilespmem:v12+s24+$0x0] =	vst.idx.msk $0xffff, v17  }
0x2c2: {  	v12 =	vshll.u32 v28, $0x10;
	[tilespmem:v13+s24+$0x0] =	vst.idx.msk $0xffff, v18  }
0x2c3: {  	v13 =	vand.u32 $0xFFFF0000, v28;
	[tilespmem:v32+s24+$0x0] =	vst.idx.msk $0xffff, v12  }
0x2c4: {  	v12 =	vshll.u32 v29, $0x10;
	[tilespmem:v33+s24+$0x0] =	vst.idx.msk $0xffff, v13  }
0x2c5: {  	v13 =	vand.u32 $0xFFFF0000, v29;
	[tilespmem:v27+s24+$0x0] =	vst.idx.msk $0xffff, v12;
	v12 =	vld [tilespmem:s20+$0x50]  }
0x2c6: {  	v17 =	vshll.u32 v30, $0x10;
	[tilespmem:v25+s24+$0x0] =	vst.idx.msk $0xffff, v13;
	v13 =	vor.u32 s21, v2  }
0x2c7: {  	v18 =	vand.u32 $0xFFFF0000, v30;
	[tilespmem:v26+s24+$0x0] =	vst.idx.msk $0xffff, v17;
	v17 =	vor.u32 s21, v3;
	v25 =	vld [tilespmem:s20+$0xFFFFFFD0]  }
0x2c8: {  	v26 =	vshll.u32 v31, $0x10;
	[tilespmem:v24+s24+$0x0] =	vst.idx.msk $0xffff, v18  }
0x2c9: {  	v18 =	vand.u32 $0xFFFF0000, v31;
	[tilespmem:v20+s24+$0x0] =	vst.idx.msk $0xffff, v26;
	v20 =	vld [tilespmem:s20+$0x10]  }
0x2ca: {  	[tilespmem:v19+s24+$0x0] =	vst.idx.msk $0xffff, v18;
	v18 =	vshll.u32 v12, $0x10  }
0x2cb: {  	v19 =	vor.u32 s5, v3;
	v24 =	vld [tilespmem:s20+$0xFFFFFF90];
	v12 =	vand.u32 $0xFFFF0000, v12;
	[tilespmem:v13+s24+$0x0] =	vst.idx.msk $0xffff, v18  }
0x2cc: {  	v13 =	vshll.u32 v25, $0x10;
	[tilespmem:v17+s24+$0x0] =	vst.idx.msk $0xffff, v12  }
0x2cd: {  	v12 =	vor.u32 s22, v3;
	v17 =	vand.u32 $0xFFFF0000, v25;
	[tilespmem:v23+s24+$0x0] =	vst.idx.msk $0xffff, v13;
	v13 =	vld [tilespmem:s20+$0x60]  }
0x2ce: {  	v18 =	vor.u32 s21, v4;
	[tilespmem:v22+s24+$0x0] =	vst.idx.msk $0xffff, v17;
	v17 =	vshll.u32 v20, $0x10  }
0x2cf: {  	v20 =	vand.u32 $0xFFFF0000, v20;
	v22 =	vld [tilespmem:s20+$0xFFFFFFE0];
	[tilespmem:v21+s24+$0x0] =	vst.idx.msk $0xffff, v17;
	v17 =	vor.u32 s21, v5  }
0x2d0: {  	v23 =	vshll.u32 v24, $0x10;
	v21 =	vor.u32 s6, v4;
	[tilespmem:v19+s24+$0x0] =	vst.idx.msk $0xffff, v20  }
0x2d1: {  	[tilespmem:v16+s24+$0x0] =	vst.idx.msk $0xffff, v23;
	v19 =	vor.u32 s6, v5;
	v20 =	vand.u32 $0xFFFF0000, v24;
	v16 =	vld [tilespmem:s20+$0x20]  }
0x2d2: {  	v23 =	vor.u32 s5, v4;
	[tilespmem:v12+s24+$0x0] =	vst.idx.msk $0xffff, v20;
	v12 =	vshll.u32 v13, $0x10  }
0x2d3: {  	v20 =	vor.u32 s5, v5;
	v24 =	vld [tilespmem:s20+$0xFFFFFFA0];
	v13 =	vand.u32 $0xFFFF0000, v13;
	[tilespmem:v18+s24+$0x0] =	vst.idx.msk $0xffff, v12  }
0x2d4: {  	v12 =	vor.u32 s22, v4;
	v18 =	vshll.u32 v22, $0x10;
	[tilespmem:v17+s24+$0x0] =	vst.idx.msk $0xffff, v13  }
0x2d5: {  	v13 =	vor.u32 s22, v5;
	v17 =	vand.u32 $0xFFFF0000, v22;
	[tilespmem:v21+s24+$0x0] =	vst.idx.msk $0xffff, v18;
	v18 =	vld [tilespmem:s20+$0x70]  }
0x2d6: {  	[tilespmem:v19+s24+$0x0] =	vst.idx.msk $0xffff, v17;
	v17 =	vshll.u32 v16, $0x10;
	v19 =	vor.u32 s21, v6  }
0x2d7: {  	v16 =	vand.u32 $0xFFFF0000, v16;
	v21 =	vld [tilespmem:s20+$0xFFFFFFF0];
	[tilespmem:v23+s24+$0x0] =	vst.idx.msk $0xffff, v17;
	v17 =	vor.u32 s21, v7  }
0x2d8: {  	v22 =	vor.u32 s6, v6;
	v23 =	vshll.u32 v24, $0x10;
	[tilespmem:v20+s24+$0x0] =	vst.idx.msk $0xffff, v16  }
0x2d9: {  	v16 =	vor.u32 s6, v7;
	v20 =	vand.u32 $0xFFFF0000, v24;
	[tilespmem:v12+s24+$0x0] =	vst.idx.msk $0xffff, v23  }
0x2da: {  	[tilespmem:v13+s24+$0x0] =	vst.idx.msk $0xffff, v20;
	v12 =	vshll.u32 v18, $0x10  }
0x2db: {  	v13 =	vand.u32 $0xFFFF0000, v18;
	[tilespmem:v19+s24+$0x0] =	vst.idx.msk $0xffff, v12  }
0x2dc: {  	v12 =	vshll.u32 v21, $0x10;
	[tilespmem:v17+s24+$0x0] =	vst.idx.msk $0xffff, v13  }
0x2dd: {  	v13 =	vld [tilespmem:s20+$0x30];
	v17 =	vand.u32 $0xFFFF0000, v21;
	[tilespmem:v22+s24+$0x0] =	vst.idx.msk $0xffff, v12  }
0x2de: {  	v18 =	vor.u32 s5, v6;
	v12 =	vshll.u32 v15, $0x10;
	[tilespmem:v16+s24+$0x0] =	vst.idx.msk $0xffff, v17  }
0x2df: {  	v15 =	vand.u32 $0xFFFF0000, v15;
	v16 =	vor.u32 s5, v7;
	v17 =	vld [tilespmem:s20+$0xFFFFFFB0];
	[tilespmem:v9+s24+$0x0] =	vst.idx.msk $0xffff, v12  }
0x2e0: {  	v9 =	vshll.u32 v14, $0x10;
	v12 =	vor.u32 s22, v6;
	[tilespmem:v8+s24+$0x0] =	vst.idx.msk $0xffff, v15  }
0x2e1: {  	v8 =	vand.u32 $0xFFFF0000, v14;
	v14 =	vor.u32 s22, v7;
	[tilespmem:v10+s24+$0x0] =	vst.idx.msk $0xffff, v9  }
0x2e2: {  	[tilespmem:v11+s24+$0x0] =	vst.idx.msk $0xffff, v8;
	v8 =	vshll.u32 v13, $0x10  }
0x2e3: {  	v9 =	vand.u32 $0xFFFF0000, v13;
	[tilespmem:v18+s24+$0x0] =	vst.idx.msk $0xffff, v8  }
0x2e4: {  	v8 =	vshll.u32 v17, $0x10;
	[tilespmem:v16+s24+$0x0] =	vst.idx.msk $0xffff, v9  }
0x2e5: {  	v9 =	vand.u32 $0xFFFF0000, v17;
	[tilespmem:v12+s24+$0x0] =	vst.idx.msk $0xffff, v8  }
0x2e6: {  	s21 =	simm.s32 $0x0;
	[tilespmem:v14+s24+$0x0] =	vst.idx.msk $0xffff, v9  }
0x2e7: {  	[hbm4b:s10+s21] =	stream.linear.scatter [tilespmem:s24], [sflag:$0x5], $0x4000, $0x38;
	[tilespmem:$0x18200] =	vst v63  }
0x2e8: {  	_ =	swait.ge [sflag:s25], $0x2000  }
0x2e9: {  	[sflag:s25] =	ssyncset.done $0x0  }
0x2ea: {  	[sflag:s25] =	ssyncadd.s32 $0xFFFFE000  }
0x2eb: {  	_ =	swait.ge [sflag:s1], $0x4000  }
0x2ec: {  	[sflag:s1] =	ssyncset.done $0x0  }
0x2ed: {  	s21 =	simm.s32 $0x2280;
	[sflag:s1] =	ssyncadd.s32 $0xFFFFC000  }
0x2ee: {  	s22 =	simm.s32 $0x180;
	v8 =	vld [tilespmem:s21+$0x40]  }
0x2ef: {  	v9 =	vor.u32 s22, v0  }
0x2f0: {  	s7 =	simm.s32 $0x80;
	v11 =	vor.u32 s22, v1;
	v10 =	vld [tilespmem:s21+$0xFFFFFFC0]  }
0x2f1: {  	v12 =	vor.u32 s7, v0  }
0x2f2: {  	s20 =	simm.s32 $0x100;
	v13 =	vor.u32 s7, v1;
	v14 =	vld [tilespmem:s21+$0x0]  }
0x2f3: {  	v15 =	vor.u32 s20, v0;
	v16 =	vshll.u32 v8, $0x10  }
0x2f4: {  	s5 =	simm.s32 $0x0;
	v17 =	vor.u32 s20, v1;
	v18 =	vld [tilespmem:s21+$0xFFFFFF80];
	v8 =	vand.u32 $0xFFFF0000, v8;
	[tilespmem:v9+s26+$0x0] =	vst.idx.msk $0xffff, v16  }
0x2f5: {  	v9 =	vor.u32 s5, v0;
	v16 =	vshll.u32 v10, $0x10;
	[tilespmem:v11+s26+$0x0] =	vst.idx.msk $0xffff, v8  }
0x2f6: {  	v10 =	vand.u32 $0xFFFF0000, v10;
	v8 =	vor.u32 s5, v1;
	[tilespmem:v12+s26+$0x0] =	vst.idx.msk $0xffff, v16;
	v11 =	vld [tilespmem:s21+$0x50]  }
0x2f7: {  	v12 =	vshll.u32 v14, $0x10;
	[tilespmem:v13+s26+$0x0] =	vst.idx.msk $0xffff, v10;
	v10 =	vor.u32 s22, v2  }
0x2f8: {  	v13 =	vand.u32 $0xFFFF0000, v14;
	[tilespmem:v15+s26+$0x0] =	vst.idx.msk $0xffff, v12;
	v12 =	vor.u32 s22, v3;
	v14 =	vld [tilespmem:s21+$0xFFFFFFD0]  }
0x2f9: {  	v16 =	vshll.u32 v18, $0x10;
	v15 =	vor.u32 s7, v2;
	[tilespmem:v17+s26+$0x0] =	vst.idx.msk $0xffff, v13  }
0x2fa: {  	v13 =	vor.u32 s7, v3;
	v17 =	vand.u32 $0xFFFF0000, v18;
	[tilespmem:v9+s26+$0x0] =	vst.idx.msk $0xffff, v16;
	v9 =	vld [tilespmem:s21+$0x10]  }
0x2fb: {  	v16 =	vor.u32 s20, v2;
	[tilespmem:v8+s26+$0x0] =	vst.idx.msk $0xffff, v17;
	v8 =	vshll.u32 v11, $0x10  }
0x2fc: {  	v17 =	vor.u32 s20, v3;
	v18 =	vld [tilespmem:s21+$0xFFFFFF90];
	v11 =	vand.u32 $0xFFFF0000, v11;
	[tilespmem:v10+s26+$0x0] =	vst.idx.msk $0xffff, v8  }
0x2fd: {  	v8 =	vor.u32 s5, v2;
	v10 =	vshll.u32 v14, $0x10;
	[tilespmem:v12+s26+$0x0] =	vst.idx.msk $0xffff, v11  }
0x2fe: {  	v11 =	vor.u32 s5, v3;
	v12 =	vand.u32 $0xFFFF0000, v14;
	[tilespmem:v15+s26+$0x0] =	vst.idx.msk $0xffff, v10;
	v10 =	vld [tilespmem:s21+$0x60]  }
0x2ff: {  	[tilespmem:v13+s26+$0x0] =	vst.idx.msk $0xffff, v12;
	v12 =	vshll.u32 v9, $0x10;
	v13 =	vor.u32 s22, v4  }
0x300: {  	v9 =	vand.u32 $0xFFFF0000, v9;
	v14 =	vld [tilespmem:s21+$0xFFFFFFE0];
	[tilespmem:v16+s26+$0x0] =	vst.idx.msk $0xffff, v12;
	v12 =	vor.u32 s22, v5  }
0x301: {  	v15 =	vor.u32 s7, v4;
	v16 =	vshll.u32 v18, $0x10;
	[tilespmem:v17+s26+$0x0] =	vst.idx.msk $0xffff, v9  }
0x302: {  	v9 =	vor.u32 s7, v5;
	v17 =	vand.u32 $0xFFFF0000, v18;
	[tilespmem:v8+s26+$0x0] =	vst.idx.msk $0xffff, v16;
	v8 =	vld [tilespmem:s21+$0x20]  }
0x303: {  	v16 =	vor.u32 s20, v4;
	[tilespmem:v11+s26+$0x0] =	vst.idx.msk $0xffff, v17;
	v11 =	vshll.u32 v10, $0x10  }
0x304: {  	v17 =	vor.u32 s20, v5;
	v18 =	vld [tilespmem:s21+$0xFFFFFFA0];
	v10 =	vand.u32 $0xFFFF0000, v10;
	[tilespmem:v13+s26+$0x0] =	vst.idx.msk $0xffff, v11  }
0x305: {  	v11 =	vor.u32 s5, v4;
	v13 =	vshll.u32 v14, $0x10;
	[tilespmem:v12+s26+$0x0] =	vst.idx.msk $0xffff, v10  }
0x306: {  	v10 =	vor.u32 s5, v5;
	v12 =	vand.u32 $0xFFFF0000, v14;
	[tilespmem:v15+s26+$0x0] =	vst.idx.msk $0xffff, v13;
	v13 =	vld [tilespmem:s21+$0x70]  }
0x307: {  	[tilespmem:v9+s26+$0x0] =	vst.idx.msk $0xffff, v12;
	v9 =	vshll.u32 v8, $0x10;
	v12 =	vor.u32 s22, v6  }
0x308: {  	v8 =	vand.u32 $0xFFFF0000, v8;
	v14 =	vld [tilespmem:s21+$0xFFFFFFF0];
	[tilespmem:v16+s26+$0x0] =	vst.idx.msk $0xffff, v9;
	v9 =	vor.u32 s22, v7  }
0x309: {  	s6 =	simm.s32 $0x2380;
	v15 =	vor.u32 s7, v6;
	v16 =	vshll.u32 v18, $0x10;
	[tilespmem:v17+s26+$0x0] =	vst.idx.msk $0xffff, v8  }
0x30a: {  	s22 =	simm.s32 $0x380;
	v8 =	vor.u32 s7, v7;
	v17 =	vand.u32 $0xFFFF0000, v18;
	[tilespmem:v11+s26+$0x0] =	vst.idx.msk $0xffff, v16;
	v11 =	vld [tilespmem:s6+$0x40]  }
0x30b: {  	v16 =	vor.u32 s22, v0;
	[tilespmem:v10+s26+$0x0] =	vst.idx.msk $0xffff, v17;
	v10 =	vshll.u32 v13, $0x10  }
0x30c: {  	s8 =	simm.s32 $0x280;
	v13 =	vand.u32 $0xFFFF0000, v13;
	[tilespmem:v12+s26+$0x0] =	vst.idx.msk $0xffff, v10;
	v10 =	vld [tilespmem:s6+$0xFFFFFFC0];
	v12 =	vor.u32 s22, v1  }
0x30d: {  	v17 =	vshll.u32 v14, $0x10;
	[tilespmem:v9+s26+$0x0] =	vst.idx.msk $0xffff, v13;
	v9 =	vor.u32 s8, v0  }
0x30e: {  	s7 =	simm.s32 $0x300;
	v13 =	vand.u32 $0xFFFF0000, v14;
	[tilespmem:v15+s26+$0x0] =	vst.idx.msk $0xffff, v17;
	v14 =	vor.u32 s8, v1;
	v15 =	vld [tilespmem:s6+$0x0]  }
0x30f: {  	[tilespmem:v8+s26+$0x0] =	vst.idx.msk $0xffff, v13;
	v8 =	vor.u32 s7, v0;
	v13 =	vshll.u32 v11, $0x10  }
0x310: {  	s9 =	simm.s32 $0x200;
	v18 =	vld [tilespmem:s6+$0xFFFFFF80];
	v17 =	vor.u32 s7, v1;
	v11 =	vand.u32 $0xFFFF0000, v11;
	[tilespmem:v16+s26+$0x0] =	vst.idx.msk $0xffff, v13  }
0x311: {  	v13 =	vor.u32 s9, v0;
	v16 =	vshll.u32 v10, $0x10;
	[tilespmem:v12+s26+$0x0] =	vst.idx.msk $0xffff, v11  }
0x312: {  	v11 =	vor.u32 s9, v1;
	v10 =	vand.u32 $0xFFFF0000, v10;
	[tilespmem:v9+s26+$0x0] =	vst.idx.msk $0xffff, v16;
	v9 =	vld [tilespmem:s6+$0x50]  }
0x313: {  	v12 =	vshll.u32 v15, $0x10;
	[tilespmem:v14+s26+$0x0] =	vst.idx.msk $0xffff, v10;
	v10 =	vor.u32 s22, v2  }
0x314: {  	v14 =	vand.u32 $0xFFFF0000, v15;
	[tilespmem:v8+s26+$0x0] =	vst.idx.msk $0xffff, v12;
	v8 =	vor.u32 s22, v3;
	v15 =	vld [tilespmem:s6+$0xFFFFFFD0]  }
0x315: {  	v16 =	vshll.u32 v18, $0x10;
	v12 =	vor.u32 s8, v2;
	[tilespmem:v17+s26+$0x0] =	vst.idx.msk $0xffff, v14  }
0x316: {  	v14 =	vor.u32 s8, v3;
	v17 =	vand.u32 $0xFFFF0000, v18;
	[tilespmem:v13+s26+$0x0] =	vst.idx.msk $0xffff, v16;
	v13 =	vld [tilespmem:s6+$0x10]  }
0x317: {  	v16 =	vor.u32 s7, v2;
	[tilespmem:v11+s26+$0x0] =	vst.idx.msk $0xffff, v17;
	v11 =	vshll.u32 v9, $0x10  }
0x318: {  	v17 =	vor.u32 s7, v3;
	v18 =	vld [tilespmem:s6+$0xFFFFFF90];
	v9 =	vand.u32 $0xFFFF0000, v9;
	[tilespmem:v10+s26+$0x0] =	vst.idx.msk $0xffff, v11  }
0x319: {  	v10 =	vor.u32 s9, v2;
	v11 =	vshll.u32 v15, $0x10;
	[tilespmem:v8+s26+$0x0] =	vst.idx.msk $0xffff, v9  }
0x31a: {  	v8 =	vor.u32 s9, v3;
	v9 =	vand.u32 $0xFFFF0000, v15;
	v15 =	vld [tilespmem:s21+$0x30];
	[tilespmem:v12+s26+$0x0] =	vst.idx.msk $0xffff, v11  }
0x31b: {  	v21 =	vor.u32 s20, v6;
	v11 =	vld [tilespmem:s6+$0x60];
	[tilespmem:v14+s26+$0x0] =	vst.idx.msk $0xffff, v9;
	v9 =	vshll.u32 v13, $0x10  }
0x31c: {  	v12 =	vor.u32 s22, v4;
	v13 =	vand.u32 $0xFFFF0000, v13;
	[tilespmem:v16+s26+$0x0] =	vst.idx.msk $0xffff, v9  }
0x31d: {  	v14 =	vld [tilespmem:s6+$0xFFFFFFE0];
	v9 =	vor.u32 s22, v5;
	v19 =	vshll.u32 v18, $0x10;
	[tilespmem:v17+s26+$0x0] =	vst.idx.msk $0xffff, v13  }
0x31e: {  	v16 =	vor.u32 s8, v4;
	v13 =	vand.u32 $0xFFFF0000, v18;
	[tilespmem:v10+s26+$0x0] =	vst.idx.msk $0xffff, v19  }
0x31f: {  	v17 =	vor.u32 s8, v5;
	v10 =	vld [tilespmem:s6+$0x20];
	[tilespmem:v8+s26+$0x0] =	vst.idx.msk $0xffff, v13;
	v23 =	vshll.u32 v15, $0x10  }
0x320: {  	v26 =	vor.u32 s8, v7;
	v19 =	vor.u32 s7, v4;
	v8 =	vshll.u32 v11, $0x10;
	[tilespmem:v21+s26+$0x0] =	vst.idx.msk $0xffff, v23  }
0x321: {  	v25 =	vor.u32 s8, v6;
	v20 =	vor.u32 s7, v5;
	v22 =	vld [tilespmem:s6+$0xFFFFFFA0];
	v11 =	vand.u32 $0xFFFF0000, v11;
	[tilespmem:v12+s26+$0x0] =	vst.idx.msk $0xffff, v8  }
0x322: {  	v34 =	vor.u32 s20, v7;
	v18 =	vld [tilespmem:s21+$0xFFFFFFB0];
	v8 =	vor.u32 s9, v4;
	v13 =	vshll.u32 v14, $0x10;
	[tilespmem:v9+s26+$0x0] =	vst.idx.msk $0xffff, v11  }
0x323: {  	s21 =	simm.s32 $0x580;
	v35 =	vand.u32 $0xFFFF0000, v15;
	v9 =	vor.u32 s9, v5;
	v11 =	vand.u32 $0xFFFF0000, v14;
	[tilespmem:v16+s26+$0x0] =	vst.idx.msk $0xffff, v13  }
0x324: {  	v32 =	vor.u32 s21, v0;
	v33 =	vor.u32 s21, v1;
	v14 =	vld [tilespmem:s6+$0x70];
	[tilespmem:v17+s26+$0x0] =	vst.idx.msk $0xffff, v11;
	v11 =	vshll.u32 v10, $0x10  }
0x325: {  	v12 =	vor.u32 s5, v6;
	v16 =	vor.u32 s22, v6;
	v10 =	vand.u32 $0xFFFF0000, v10;
	[tilespmem:v19+s26+$0x0] =	vst.idx.msk $0xffff, v11  }
0x326: {  	s20 =	simm.s32 $0x2480;
	v13 =	vor.u32 s5, v7;
	s5 =	simm.s32 $0x500;
	v24 =	vld [tilespmem:s6+$0xFFFFFFF0];
	v19 =	vor.u32 s22, v7;
	v11 =	vshll.u32 v22, $0x10;
	[tilespmem:v20+s26+$0x0] =	vst.idx.msk $0xffff, v10  }
0x327: {  	v28 =	vld [tilespmem:s20+$0x40];
	v17 =	vshll.u32 v18, $0x10;
	v21 =	vor.u32 s5, v2;
	v15 =	vand.u32 $0xFFFF0000, v22;
	[tilespmem:v8+s26+$0x0] =	vst.idx.msk $0xffff, v11  }
0x328: {  	v18 =	vand.u32 $0xFFFF0000, v18;
	v10 =	vor.u32 s9, v6;
	v8 =	vor.u32 s7, v7;
	[tilespmem:v9+s26+$0x0] =	vst.idx.msk $0xffff, v15;
	v15 =	vld [tilespmem:s6+$0x30]  }
0x329: {  	[tilespmem:v34+s26+$0x0] =	vst.idx.msk $0xffff, v35;
	s22 =	simm.s32 $0x400;
	v9 =	vor.u32 s7, v6;
	v11 =	vshll.u32 v14, $0x10;
	v20 =	vand.u32 $0xFFFF0000, v14;
	v14 =	vld [tilespmem:s6+$0xFFFFFFB0];
	s6 =	simm.s32 $0x480  }
0x32a: {  	[tilespmem:v16+s26+$0x0] =	vst.idx.msk $0xffff, v11;
	v11 =	vor.u32 s9, v7;
	v16 =	vor.u32 s22, v2;
	v27 =	vor.u32 s6, v0  }
0x32b: {  	v29 =	vld [tilespmem:s20+$0xFFFFFFC0];
	v23 =	vor.u32 s6, v2;
	v22 =	vshll.u32 v24, $0x10;
	v24 =	vand.u32 $0xFFFF0000, v24;
	[tilespmem:v19+s26+$0x0] =	vst.idx.msk $0xffff, v20  }
0x32c: {  	v30 =	vld [tilespmem:s20+$0x0];
	v20 =	vor.u32 s22, v0;
	v19 =	vor.u32 s22, v1;
	[tilespmem:v25+s26+$0x0] =	vst.idx.msk $0xffff, v22;
	v25 =	vor.u32 s6, v1  }
0x32d: {  	v31 =	vld [tilespmem:s20+$0xFFFFFF80];
	s7 =	simm.s32 $0xC;
	v22 =	vor.u32 s6, v3;
	[tilespmem:v26+s26+$0x0] =	vst.idx.msk $0xffff, v24;
	v26 =	vor.u32 s5, v0;
	v24 =	vor.u32 s5, v1  }
.LBB2_12:
0x32e: {  	p0 =	slt.u32 s7, $0x7C;
	v34 =	vor.u32 s22, v3;
	v35 =	vor.u32 s6, v4;
	v36 =	vor.u32 s5, v3;
	[tilespmem:v12+s26+$0x0] =	vst.idx.msk $0xffff, v17;
	v12 =	vmovc v10  }
0x32f: {  	v37 =	vor.u32 s6, v5;
	v38 =	vor.u32 s5, v4;
	v10 =	vshll.u32 v28, $0x10;
	[tilespmem:v13+s26+$0x0] =	vst.idx.msk $0xffff, v18;
	v13 =	vmovc v11  }
0x330: {  	v18 =	vand.u32 $0xFFFF0000, v28;
	v11 =	vshll.u32 v29, $0x10;
	v17 =	vand.u32 $0xFFFF0000, v29;
	[tilespmem:v32+s26+$0x0] =	vst.idx.msk $0xffff, v10  }
0x331: {  	v29 =	vor.u32 s5, v5;
	v10 =	vshll.u32 v30, $0x10;
	v28 =	vand.u32 $0xFFFF0000, v30;
	[tilespmem:v33+s26+$0x0] =	vst.idx.msk $0xffff, v18  }
0x332: {  	v32 =	vor.u32 s22, v4;
	v30 =	vshll.u32 v31, $0x10;
	v31 =	vand.u32 $0xFFFF0000, v31;
	[tilespmem:v27+s26+$0x0] =	vst.idx.msk $0xffff, v11;
	v27 =	vld [tilespmem:s20+$0x50]  }
0x333: {  	v39 =	vshll.u32 v15, $0x10;
	v33 =	vor.u32 s22, v5;
	[tilespmem:v25+s26+$0x0] =	vst.idx.msk $0xffff, v17;
	v25 =	vor.u32 s21, v2  }
0x334: {  	v41 =	vand.u32 $0xFFFF0000, v15;
	v17 =	vshll.u32 v14, $0x10;
	v40 =	vld [tilespmem:s20+$0xFFFFFFD0];
	[tilespmem:v26+s26+$0x0] =	vst.idx.msk $0xffff, v10;
	v26 =	vor.u32 s21, v3  }
0x335: {  	v42 =	vor.u32 s6, v6;
	v43 =	vor.u32 s6, v7;
	v18 =	vand.u32 $0xFFFF0000, v14;
	[tilespmem:v24+s26+$0x0] =	vst.idx.msk $0xffff, v28  }
0x336: {  	v44 =	vor.u32 s5, v6;
	v45 =	vor.u32 s5, v7;
	v10 =	vor.u32 s22, v6;
	[tilespmem:v20+s26+$0x0] =	vst.idx.msk $0xffff, v30;
	v14 =	vld [tilespmem:s20+$0x10]  }
0x337: {  	v11 =	vor.u32 s22, v7;
	[tilespmem:v19+s26+$0x0] =	vst.idx.msk $0xffff, v31;
	v15 =	vshll.u32 v27, $0x10  }
0x338: {  	v20 =	vand.u32 $0xFFFF0000, v27;
	v19 =	vld [tilespmem:s20+$0xFFFFFF90];
	[tilespmem:v25+s26+$0x0] =	vst.idx.msk $0xffff, v15  }
0x339: {  	v15 =	vshll.u32 v40, $0x10;
	v24 =	vand.u32 $0xFFFF0000, v40;
	[tilespmem:v26+s26+$0x0] =	vst.idx.msk $0xffff, v20  }
0x33a: {  	[tilespmem:v23+s26+$0x0] =	vst.idx.msk $0xffff, v15;
	v15 =	vld [tilespmem:s20+$0x60]  }
0x33b: {  	[tilespmem:v22+s26+$0x0] =	vst.idx.msk $0xffff, v24;
	v20 =	vshll.u32 v14, $0x10;
	v14 =	vand.u32 $0xFFFF0000, v14;
	v22 =	vor.u32 s21, v4  }
0x33c: {  	v23 =	vld [tilespmem:s20+$0xFFFFFFE0];
	[tilespmem:v21+s26+$0x0] =	vst.idx.msk $0xffff, v20;
	v20 =	vor.u32 s21, v5  }
0x33d: {  	v21 =	vshll.u32 v19, $0x10;
	v19 =	vand.u32 $0xFFFF0000, v19;
	[tilespmem:v36+s26+$0x0] =	vst.idx.msk $0xffff, v14  }
0x33e: {  	[tilespmem:v16+s26+$0x0] =	vst.idx.msk $0xffff, v21;
	v14 =	vld [tilespmem:s20+$0x20]  }
0x33f: {  	[tilespmem:v34+s26+$0x0] =	vst.idx.msk $0xffff, v19;
	v16 =	vshll.u32 v15, $0x10  }
0x340: {  	v15 =	vand.u32 $0xFFFF0000, v15;
	v19 =	vld [tilespmem:s20+$0xFFFFFFA0];
	[tilespmem:v22+s26+$0x0] =	vst.idx.msk $0xffff, v16  }
0x341: {  	v16 =	vshll.u32 v23, $0x10;
	v21 =	vand.u32 $0xFFFF0000, v23;
	[tilespmem:v20+s26+$0x0] =	vst.idx.msk $0xffff, v15  }
0x342: {  	[tilespmem:v35+s26+$0x0] =	vst.idx.msk $0xffff, v16;
	v16 =	vld [tilespmem:s20+$0x70]  }
0x343: {  	v20 =	vor.u32 s21, v6;
	[tilespmem:v37+s26+$0x0] =	vst.idx.msk $0xffff, v21;
	v15 =	vshll.u32 v14, $0x10;
	v14 =	vand.u32 $0xFFFF0000, v14  }
0x344: {  	v22 =	vor.u32 s21, v7;
	v21 =	vld [tilespmem:s20+$0xFFFFFFF0];
	[tilespmem:v38+s26+$0x0] =	vst.idx.msk $0xffff, v15  }
0x345: {  	v15 =	vshll.u32 v19, $0x10;
	v19 =	vand.u32 $0xFFFF0000, v19;
	[tilespmem:v29+s26+$0x0] =	vst.idx.msk $0xffff, v14  }
0x346: {  	[tilespmem:v32+s26+$0x0] =	vst.idx.msk $0xffff, v15;
	v15 =	vld [tilespmem:s20+$0x30]  }
0x347: {  	[tilespmem:v33+s26+$0x0] =	vst.idx.msk $0xffff, v19;
	v19 =	vshll.u32 v16, $0x10  }
0x348: {  	v16 =	vand.u32 $0xFFFF0000, v16;
	v14 =	vld [tilespmem:s20+$0xFFFFFFB0];
	[tilespmem:v20+s26+$0x0] =	vst.idx.msk $0xffff, v19  }
.Ltmp5:
0x349: {  	s22 =	sshll.u32 s7, $0x7;
	s20 =	sadd.s32 $0x100, s20;
	v23 =	vshll.u32 v21, $0x10;
	v21 =	vand.u32 $0xFFFF0000, v21;
	[tilespmem:v22+s26+$0x0] =	vst.idx.msk $0xffff, v16;
	(pc) =	sbr.rel @p0 .LBB2_12-.Ltmp5, $4  }
0x34a: {  	s6 =	sadd.s32 $0x80, s22;
	s5 =	sadd.s32 $0x100, s22;
	s21 =	sadd.s32 $0x180, s22;
	v20 =	vor.u32 s22, v0;
	v19 =	vor.u32 s22, v1;
	v16 =	vor.u32 s22, v2;
	v28 =	vld [tilespmem:s20+$0x40];
	[tilespmem:v42+s26+$0x0] =	vst.idx.msk $0xffff, v23  }
0x34b: {  	v27 =	vor.u32 s6, v0;
	v25 =	vor.u32 s6, v1;
	v32 =	vor.u32 s21, v0;
	v29 =	vld [tilespmem:s20+$0xFFFFFFC0];
	[tilespmem:v43+s26+$0x0] =	vst.idx.msk $0xffff, v21  }
0x34c: {  	v26 =	vor.u32 s5, v0;
	v24 =	vor.u32 s5, v1;
	v33 =	vor.u32 s21, v1;
	v30 =	vld [tilespmem:s20+$0x0];
	[tilespmem:v9+s26+$0x0] =	vst.idx.msk $0xffff, v39;
	v9 =	vmovc v44  }
0x34d: {  	s7 =	sadd.s32 $0x4, s7;
	v22 =	vor.u32 s6, v3;
	v23 =	vor.u32 s6, v2;
	v21 =	vor.u32 s5, v2;
	v31 =	vld [tilespmem:s20+$0xFFFFFF80];
	[tilespmem:v8+s26+$0x0] =	vst.idx.msk $0xffff, v41;
	v8 =	vmovc v45  }
0x34e: {  	_ =	sdelay $0x3  }
0x34f: {  	[tilespmem:v12+s26+$0x0] =	vst.idx.msk $0xffff, v17  }
0x350: {  	v12 =	vshll.u32 v28, $0x10;
	[tilespmem:v13+s26+$0x0] =	vst.idx.msk $0xffff, v18  }
0x351: {  	v13 =	vand.u32 $0xFFFF0000, v28;
	[tilespmem:v32+s26+$0x0] =	vst.idx.msk $0xffff, v12  }
0x352: {  	v12 =	vshll.u32 v29, $0x10;
	[tilespmem:v33+s26+$0x0] =	vst.idx.msk $0xffff, v13  }
0x353: {  	v13 =	vand.u32 $0xFFFF0000, v29;
	[tilespmem:v27+s26+$0x0] =	vst.idx.msk $0xffff, v12;
	v12 =	vld [tilespmem:s20+$0x50]  }
0x354: {  	v17 =	vshll.u32 v30, $0x10;
	[tilespmem:v25+s26+$0x0] =	vst.idx.msk $0xffff, v13;
	v13 =	vor.u32 s21, v2  }
0x355: {  	v18 =	vand.u32 $0xFFFF0000, v30;
	[tilespmem:v26+s26+$0x0] =	vst.idx.msk $0xffff, v17;
	v17 =	vor.u32 s21, v3;
	v25 =	vld [tilespmem:s20+$0xFFFFFFD0]  }
0x356: {  	v26 =	vshll.u32 v31, $0x10;
	[tilespmem:v24+s26+$0x0] =	vst.idx.msk $0xffff, v18  }
0x357: {  	v18 =	vand.u32 $0xFFFF0000, v31;
	[tilespmem:v20+s26+$0x0] =	vst.idx.msk $0xffff, v26;
	v20 =	vld [tilespmem:s20+$0x10]  }
0x358: {  	[tilespmem:v19+s26+$0x0] =	vst.idx.msk $0xffff, v18;
	v18 =	vshll.u32 v12, $0x10  }
0x359: {  	v19 =	vor.u32 s5, v3;
	v24 =	vld [tilespmem:s20+$0xFFFFFF90];
	v12 =	vand.u32 $0xFFFF0000, v12;
	[tilespmem:v13+s26+$0x0] =	vst.idx.msk $0xffff, v18  }
0x35a: {  	v13 =	vshll.u32 v25, $0x10;
	[tilespmem:v17+s26+$0x0] =	vst.idx.msk $0xffff, v12  }
0x35b: {  	v12 =	vor.u32 s22, v3;
	v17 =	vand.u32 $0xFFFF0000, v25;
	[tilespmem:v23+s26+$0x0] =	vst.idx.msk $0xffff, v13;
	v13 =	vld [tilespmem:s20+$0x60]  }
0x35c: {  	v18 =	vor.u32 s21, v4;
	[tilespmem:v22+s26+$0x0] =	vst.idx.msk $0xffff, v17;
	v17 =	vshll.u32 v20, $0x10  }
0x35d: {  	v20 =	vand.u32 $0xFFFF0000, v20;
	v22 =	vld [tilespmem:s20+$0xFFFFFFE0];
	[tilespmem:v21+s26+$0x0] =	vst.idx.msk $0xffff, v17;
	v17 =	vor.u32 s21, v5  }
0x35e: {  	v23 =	vshll.u32 v24, $0x10;
	v21 =	vor.u32 s6, v4;
	[tilespmem:v19+s26+$0x0] =	vst.idx.msk $0xffff, v20  }
0x35f: {  	[tilespmem:v16+s26+$0x0] =	vst.idx.msk $0xffff, v23;
	v19 =	vor.u32 s6, v5;
	v20 =	vand.u32 $0xFFFF0000, v24;
	v16 =	vld [tilespmem:s20+$0x20]  }
0x360: {  	v23 =	vor.u32 s5, v4;
	[tilespmem:v12+s26+$0x0] =	vst.idx.msk $0xffff, v20;
	v12 =	vshll.u32 v13, $0x10  }
0x361: {  	v20 =	vor.u32 s5, v5;
	v24 =	vld [tilespmem:s20+$0xFFFFFFA0];
	v13 =	vand.u32 $0xFFFF0000, v13;
	[tilespmem:v18+s26+$0x0] =	vst.idx.msk $0xffff, v12  }
0x362: {  	v12 =	vor.u32 s22, v4;
	v18 =	vshll.u32 v22, $0x10;
	[tilespmem:v17+s26+$0x0] =	vst.idx.msk $0xffff, v13  }
0x363: {  	v13 =	vor.u32 s22, v5;
	v17 =	vand.u32 $0xFFFF0000, v22;
	[tilespmem:v21+s26+$0x0] =	vst.idx.msk $0xffff, v18;
	v18 =	vld [tilespmem:s20+$0x70]  }
0x364: {  	[tilespmem:v19+s26+$0x0] =	vst.idx.msk $0xffff, v17;
	v17 =	vshll.u32 v16, $0x10;
	v19 =	vor.u32 s21, v6  }
0x365: {  	v16 =	vand.u32 $0xFFFF0000, v16;
	v21 =	vld [tilespmem:s20+$0xFFFFFFF0];
	[tilespmem:v23+s26+$0x0] =	vst.idx.msk $0xffff, v17;
	v17 =	vor.u32 s21, v7  }
0x366: {  	v22 =	vor.u32 s6, v6;
	v23 =	vshll.u32 v24, $0x10;
	[tilespmem:v20+s26+$0x0] =	vst.idx.msk $0xffff, v16  }
0x367: {  	v16 =	vor.u32 s6, v7;
	v20 =	vand.u32 $0xFFFF0000, v24;
	[tilespmem:v12+s26+$0x0] =	vst.idx.msk $0xffff, v23  }
0x368: {  	[tilespmem:v13+s26+$0x0] =	vst.idx.msk $0xffff, v20;
	v12 =	vshll.u32 v18, $0x10  }
0x369: {  	v13 =	vand.u32 $0xFFFF0000, v18;
	[tilespmem:v19+s26+$0x0] =	vst.idx.msk $0xffff, v12  }
0x36a: {  	v12 =	vshll.u32 v21, $0x10;
	[tilespmem:v17+s26+$0x0] =	vst.idx.msk $0xffff, v13  }
0x36b: {  	v13 =	vld [tilespmem:s20+$0x30];
	v17 =	vand.u32 $0xFFFF0000, v21;
	[tilespmem:v22+s26+$0x0] =	vst.idx.msk $0xffff, v12  }
0x36c: {  	v18 =	vor.u32 s5, v6;
	v12 =	vshll.u32 v15, $0x10;
	[tilespmem:v16+s26+$0x0] =	vst.idx.msk $0xffff, v17  }
0x36d: {  	v15 =	vand.u32 $0xFFFF0000, v15;
	v16 =	vor.u32 s5, v7;
	v17 =	vld [tilespmem:s20+$0xFFFFFFB0];
	[tilespmem:v9+s26+$0x0] =	vst.idx.msk $0xffff, v12  }
0x36e: {  	v9 =	vshll.u32 v14, $0x10;
	v12 =	vor.u32 s22, v6;
	[tilespmem:v8+s26+$0x0] =	vst.idx.msk $0xffff, v15  }
0x36f: {  	v8 =	vand.u32 $0xFFFF0000, v14;
	v14 =	vor.u32 s22, v7;
	[tilespmem:v10+s26+$0x0] =	vst.idx.msk $0xffff, v9  }
0x370: {  	[tilespmem:v11+s26+$0x0] =	vst.idx.msk $0xffff, v8;
	v8 =	vshll.u32 v13, $0x10  }
0x371: {  	v9 =	vand.u32 $0xFFFF0000, v13;
	[tilespmem:v18+s26+$0x0] =	vst.idx.msk $0xffff, v8  }
0x372: {  	v8 =	vshll.u32 v17, $0x10;
	[tilespmem:v16+s26+$0x0] =	vst.idx.msk $0xffff, v9  }
0x373: {  	v9 =	vand.u32 $0xFFFF0000, v17;
	[tilespmem:v12+s26+$0x0] =	vst.idx.msk $0xffff, v8  }
0x374: {  	s21 =	simm.s32 $0x0;
	[tilespmem:v14+s26+$0x0] =	vst.idx.msk $0xffff, v9  }
0x375: {  	[hbm4b:s11+s21] =	stream.linear.scatter [tilespmem:s26], [sflag:$0x6], $0x4000, $0x38;
	[tilespmem:$0x18200] =	vst v63  }
0x376: {  	_ =	swait.ge [sflag:s28], $0x2000  }
0x377: {  	[sflag:s28] =	ssyncset.done $0x0  }
0x378: {  	[sflag:s28] =	ssyncadd.s32 $0xFFFFE000  }
0x379: {  	_ =	swait.ge [sflag:s17], $0x4000  }
0x37a: {  	[sflag:s17] =	ssyncset.done $0x0  }
0x37b: {  	s21 =	simm.s32 $0x4280;
	[sflag:s17] =	ssyncadd.s32 $0xFFFFC000  }
0x37c: {  	s22 =	simm.s32 $0x180;
	v8 =	vld [tilespmem:s21+$0x40]  }
0x37d: {  	v9 =	vor.u32 s22, v0  }
0x37e: {  	s7 =	simm.s32 $0x80;
	v11 =	vor.u32 s22, v1;
	v10 =	vld [tilespmem:s21+$0xFFFFFFC0]  }
0x37f: {  	v12 =	vor.u32 s7, v0  }
0x380: {  	s20 =	simm.s32 $0x100;
	v13 =	vor.u32 s7, v1;
	v14 =	vld [tilespmem:s21+$0x0]  }
0x381: {  	v15 =	vor.u32 s20, v0;
	v16 =	vshll.u32 v8, $0x10  }
0x382: {  	s5 =	simm.s32 $0x0;
	v17 =	vor.u32 s20, v1;
	v18 =	vld [tilespmem:s21+$0xFFFFFF80];
	v8 =	vand.u32 $0xFFFF0000, v8;
	[tilespmem:v9+s29+$0x0] =	vst.idx.msk $0xffff, v16  }
0x383: {  	v9 =	vor.u32 s5, v0;
	v16 =	vshll.u32 v10, $0x10;
	[tilespmem:v11+s29+$0x0] =	vst.idx.msk $0xffff, v8  }
0x384: {  	v10 =	vand.u32 $0xFFFF0000, v10;
	v8 =	vor.u32 s5, v1;
	[tilespmem:v12+s29+$0x0] =	vst.idx.msk $0xffff, v16;
	v11 =	vld [tilespmem:s21+$0x50]  }
0x385: {  	v12 =	vshll.u32 v14, $0x10;
	[tilespmem:v13+s29+$0x0] =	vst.idx.msk $0xffff, v10;
	v10 =	vor.u32 s22, v2  }
0x386: {  	v13 =	vand.u32 $0xFFFF0000, v14;
	[tilespmem:v15+s29+$0x0] =	vst.idx.msk $0xffff, v12;
	v12 =	vor.u32 s22, v3;
	v14 =	vld [tilespmem:s21+$0xFFFFFFD0]  }
0x387: {  	v16 =	vshll.u32 v18, $0x10;
	v15 =	vor.u32 s7, v2;
	[tilespmem:v17+s29+$0x0] =	vst.idx.msk $0xffff, v13  }
0x388: {  	v13 =	vor.u32 s7, v3;
	v17 =	vand.u32 $0xFFFF0000, v18;
	[tilespmem:v9+s29+$0x0] =	vst.idx.msk $0xffff, v16;
	v9 =	vld [tilespmem:s21+$0x10]  }
0x389: {  	v16 =	vor.u32 s20, v2;
	[tilespmem:v8+s29+$0x0] =	vst.idx.msk $0xffff, v17;
	v8 =	vshll.u32 v11, $0x10  }
0x38a: {  	v17 =	vor.u32 s20, v3;
	v18 =	vld [tilespmem:s21+$0xFFFFFF90];
	v11 =	vand.u32 $0xFFFF0000, v11;
	[tilespmem:v10+s29+$0x0] =	vst.idx.msk $0xffff, v8  }
0x38b: {  	v8 =	vor.u32 s5, v2;
	v10 =	vshll.u32 v14, $0x10;
	[tilespmem:v12+s29+$0x0] =	vst.idx.msk $0xffff, v11  }
0x38c: {  	v11 =	vor.u32 s5, v3;
	v12 =	vand.u32 $0xFFFF0000, v14;
	[tilespmem:v15+s29+$0x0] =	vst.idx.msk $0xffff, v10;
	v10 =	vld [tilespmem:s21+$0x60]  }
0x38d: {  	[tilespmem:v13+s29+$0x0] =	vst.idx.msk $0xffff, v12;
	v12 =	vshll.u32 v9, $0x10;
	v13 =	vor.u32 s22, v4  }
0x38e: {  	v9 =	vand.u32 $0xFFFF0000, v9;
	v14 =	vld [tilespmem:s21+$0xFFFFFFE0];
	[tilespmem:v16+s29+$0x0] =	vst.idx.msk $0xffff, v12;
	v12 =	vor.u32 s22, v5  }
0x38f: {  	v15 =	vor.u32 s7, v4;
	v16 =	vshll.u32 v18, $0x10;
	[tilespmem:v17+s29+$0x0] =	vst.idx.msk $0xffff, v9  }
0x390: {  	v9 =	vor.u32 s7, v5;
	v17 =	vand.u32 $0xFFFF0000, v18;
	[tilespmem:v8+s29+$0x0] =	vst.idx.msk $0xffff, v16;
	v8 =	vld [tilespmem:s21+$0x20]  }
0x391: {  	v16 =	vor.u32 s20, v4;
	[tilespmem:v11+s29+$0x0] =	vst.idx.msk $0xffff, v17;
	v11 =	vshll.u32 v10, $0x10  }
0x392: {  	v17 =	vor.u32 s20, v5;
	v18 =	vld [tilespmem:s21+$0xFFFFFFA0];
	v10 =	vand.u32 $0xFFFF0000, v10;
	[tilespmem:v13+s29+$0x0] =	vst.idx.msk $0xffff, v11  }
0x393: {  	v11 =	vor.u32 s5, v4;
	v13 =	vshll.u32 v14, $0x10;
	[tilespmem:v12+s29+$0x0] =	vst.idx.msk $0xffff, v10  }
0x394: {  	v10 =	vor.u32 s5, v5;
	v12 =	vand.u32 $0xFFFF0000, v14;
	[tilespmem:v15+s29+$0x0] =	vst.idx.msk $0xffff, v13;
	v13 =	vld [tilespmem:s21+$0x70]  }
0x395: {  	[tilespmem:v9+s29+$0x0] =	vst.idx.msk $0xffff, v12;
	v9 =	vshll.u32 v8, $0x10;
	v12 =	vor.u32 s22, v6  }
0x396: {  	v8 =	vand.u32 $0xFFFF0000, v8;
	v14 =	vld [tilespmem:s21+$0xFFFFFFF0];
	[tilespmem:v16+s29+$0x0] =	vst.idx.msk $0xffff, v9;
	v9 =	vor.u32 s22, v7  }
0x397: {  	s6 =	simm.s32 $0x4380;
	v15 =	vor.u32 s7, v6;
	v16 =	vshll.u32 v18, $0x10;
	[tilespmem:v17+s29+$0x0] =	vst.idx.msk $0xffff, v8  }
0x398: {  	s22 =	simm.s32 $0x380;
	v8 =	vor.u32 s7, v7;
	v17 =	vand.u32 $0xFFFF0000, v18;
	[tilespmem:v11+s29+$0x0] =	vst.idx.msk $0xffff, v16;
	v11 =	vld [tilespmem:s6+$0x40]  }
0x399: {  	v16 =	vor.u32 s22, v0;
	[tilespmem:v10+s29+$0x0] =	vst.idx.msk $0xffff, v17;
	v10 =	vshll.u32 v13, $0x10  }
0x39a: {  	s8 =	simm.s32 $0x280;
	v13 =	vand.u32 $0xFFFF0000, v13;
	[tilespmem:v12+s29+$0x0] =	vst.idx.msk $0xffff, v10;
	v10 =	vld [tilespmem:s6+$0xFFFFFFC0];
	v12 =	vor.u32 s22, v1  }
0x39b: {  	v17 =	vshll.u32 v14, $0x10;
	[tilespmem:v9+s29+$0x0] =	vst.idx.msk $0xffff, v13;
	v9 =	vor.u32 s8, v0  }
0x39c: {  	s7 =	simm.s32 $0x300;
	v13 =	vand.u32 $0xFFFF0000, v14;
	[tilespmem:v15+s29+$0x0] =	vst.idx.msk $0xffff, v17;
	v14 =	vor.u32 s8, v1;
	v15 =	vld [tilespmem:s6+$0x0]  }
0x39d: {  	[tilespmem:v8+s29+$0x0] =	vst.idx.msk $0xffff, v13;
	v8 =	vor.u32 s7, v0;
	v13 =	vshll.u32 v11, $0x10  }
0x39e: {  	s9 =	simm.s32 $0x200;
	v18 =	vld [tilespmem:s6+$0xFFFFFF80];
	v17 =	vor.u32 s7, v1;
	v11 =	vand.u32 $0xFFFF0000, v11;
	[tilespmem:v16+s29+$0x0] =	vst.idx.msk $0xffff, v13  }
0x39f: {  	v13 =	vor.u32 s9, v0;
	v16 =	vshll.u32 v10, $0x10;
	[tilespmem:v12+s29+$0x0] =	vst.idx.msk $0xffff, v11  }
0x3a0: {  	v11 =	vor.u32 s9, v1;
	v10 =	vand.u32 $0xFFFF0000, v10;
	[tilespmem:v9+s29+$0x0] =	vst.idx.msk $0xffff, v16;
	v9 =	vld [tilespmem:s6+$0x50]  }
0x3a1: {  	v12 =	vshll.u32 v15, $0x10;
	[tilespmem:v14+s29+$0x0] =	vst.idx.msk $0xffff, v10;
	v10 =	vor.u32 s22, v2  }
0x3a2: {  	v14 =	vand.u32 $0xFFFF0000, v15;
	[tilespmem:v8+s29+$0x0] =	vst.idx.msk $0xffff, v12;
	v8 =	vor.u32 s22, v3;
	v15 =	vld [tilespmem:s6+$0xFFFFFFD0]  }
0x3a3: {  	v16 =	vshll.u32 v18, $0x10;
	v12 =	vor.u32 s8, v2;
	[tilespmem:v17+s29+$0x0] =	vst.idx.msk $0xffff, v14  }
0x3a4: {  	v14 =	vor.u32 s8, v3;
	v17 =	vand.u32 $0xFFFF0000, v18;
	[tilespmem:v13+s29+$0x0] =	vst.idx.msk $0xffff, v16;
	v13 =	vld [tilespmem:s6+$0x10]  }
0x3a5: {  	v16 =	vor.u32 s7, v2;
	[tilespmem:v11+s29+$0x0] =	vst.idx.msk $0xffff, v17;
	v11 =	vshll.u32 v9, $0x10  }
0x3a6: {  	v17 =	vor.u32 s7, v3;
	v18 =	vld [tilespmem:s6+$0xFFFFFF90];
	v9 =	vand.u32 $0xFFFF0000, v9;
	[tilespmem:v10+s29+$0x0] =	vst.idx.msk $0xffff, v11  }
0x3a7: {  	v10 =	vor.u32 s9, v2;
	v11 =	vshll.u32 v15, $0x10;
	[tilespmem:v8+s29+$0x0] =	vst.idx.msk $0xffff, v9  }
0x3a8: {  	v8 =	vor.u32 s9, v3;
	v9 =	vand.u32 $0xFFFF0000, v15;
	v15 =	vld [tilespmem:s21+$0x30];
	[tilespmem:v12+s29+$0x0] =	vst.idx.msk $0xffff, v11  }
0x3a9: {  	v21 =	vor.u32 s20, v6;
	v11 =	vld [tilespmem:s6+$0x60];
	[tilespmem:v14+s29+$0x0] =	vst.idx.msk $0xffff, v9;
	v9 =	vshll.u32 v13, $0x10  }
0x3aa: {  	v12 =	vor.u32 s22, v4;
	v13 =	vand.u32 $0xFFFF0000, v13;
	[tilespmem:v16+s29+$0x0] =	vst.idx.msk $0xffff, v9  }
0x3ab: {  	v14 =	vld [tilespmem:s6+$0xFFFFFFE0];
	v9 =	vor.u32 s22, v5;
	v19 =	vshll.u32 v18, $0x10;
	[tilespmem:v17+s29+$0x0] =	vst.idx.msk $0xffff, v13  }
0x3ac: {  	v16 =	vor.u32 s8, v4;
	v13 =	vand.u32 $0xFFFF0000, v18;
	[tilespmem:v10+s29+$0x0] =	vst.idx.msk $0xffff, v19  }
0x3ad: {  	v17 =	vor.u32 s8, v5;
	v10 =	vld [tilespmem:s6+$0x20];
	[tilespmem:v8+s29+$0x0] =	vst.idx.msk $0xffff, v13;
	v23 =	vshll.u32 v15, $0x10  }
0x3ae: {  	v26 =	vor.u32 s8, v7;
	v19 =	vor.u32 s7, v4;
	v8 =	vshll.u32 v11, $0x10;
	[tilespmem:v21+s29+$0x0] =	vst.idx.msk $0xffff, v23  }
0x3af: {  	v25 =	vor.u32 s8, v6;
	v20 =	vor.u32 s7, v5;
	v22 =	vld [tilespmem:s6+$0xFFFFFFA0];
	v11 =	vand.u32 $0xFFFF0000, v11;
	[tilespmem:v12+s29+$0x0] =	vst.idx.msk $0xffff, v8  }
0x3b0: {  	v34 =	vor.u32 s20, v7;
	v18 =	vld [tilespmem:s21+$0xFFFFFFB0];
	v8 =	vor.u32 s9, v4;
	v13 =	vshll.u32 v14, $0x10;
	[tilespmem:v9+s29+$0x0] =	vst.idx.msk $0xffff, v11  }
0x3b1: {  	s21 =	simm.s32 $0x580;
	v35 =	vand.u32 $0xFFFF0000, v15;
	v9 =	vor.u32 s9, v5;
	v11 =	vand.u32 $0xFFFF0000, v14;
	[tilespmem:v16+s29+$0x0] =	vst.idx.msk $0xffff, v13  }
0x3b2: {  	v32 =	vor.u32 s21, v0;
	v33 =	vor.u32 s21, v1;
	v14 =	vld [tilespmem:s6+$0x70];
	[tilespmem:v17+s29+$0x0] =	vst.idx.msk $0xffff, v11;
	v11 =	vshll.u32 v10, $0x10  }
0x3b3: {  	v12 =	vor.u32 s5, v6;
	v16 =	vor.u32 s22, v6;
	v10 =	vand.u32 $0xFFFF0000, v10;
	[tilespmem:v19+s29+$0x0] =	vst.idx.msk $0xffff, v11  }
0x3b4: {  	s20 =	simm.s32 $0x4480;
	v13 =	vor.u32 s5, v7;
	s5 =	simm.s32 $0x500;
	v24 =	vld [tilespmem:s6+$0xFFFFFFF0];
	v19 =	vor.u32 s22, v7;
	v11 =	vshll.u32 v22, $0x10;
	[tilespmem:v20+s29+$0x0] =	vst.idx.msk $0xffff, v10  }
0x3b5: {  	v28 =	vld [tilespmem:s20+$0x40];
	v17 =	vshll.u32 v18, $0x10;
	v21 =	vor.u32 s5, v2;
	v15 =	vand.u32 $0xFFFF0000, v22;
	[tilespmem:v8+s29+$0x0] =	vst.idx.msk $0xffff, v11  }
0x3b6: {  	v18 =	vand.u32 $0xFFFF0000, v18;
	v10 =	vor.u32 s9, v6;
	v8 =	vor.u32 s7, v7;
	[tilespmem:v9+s29+$0x0] =	vst.idx.msk $0xffff, v15;
	v15 =	vld [tilespmem:s6+$0x30]  }
0x3b7: {  	[tilespmem:v34+s29+$0x0] =	vst.idx.msk $0xffff, v35;
	s22 =	simm.s32 $0x400;
	v9 =	vor.u32 s7, v6;
	v11 =	vshll.u32 v14, $0x10;
	v20 =	vand.u32 $0xFFFF0000, v14;
	v14 =	vld [tilespmem:s6+$0xFFFFFFB0];
	s6 =	simm.s32 $0x480  }
0x3b8: {  	[tilespmem:v16+s29+$0x0] =	vst.idx.msk $0xffff, v11;
	v11 =	vor.u32 s9, v7;
	v16 =	vor.u32 s22, v2;
	v27 =	vor.u32 s6, v0  }
0x3b9: {  	v29 =	vld [tilespmem:s20+$0xFFFFFFC0];
	v23 =	vor.u32 s6, v2;
	v22 =	vshll.u32 v24, $0x10;
	v24 =	vand.u32 $0xFFFF0000, v24;
	[tilespmem:v19+s29+$0x0] =	vst.idx.msk $0xffff, v20  }
0x3ba: {  	v30 =	vld [tilespmem:s20+$0x0];
	v20 =	vor.u32 s22, v0;
	v19 =	vor.u32 s22, v1;
	[tilespmem:v25+s29+$0x0] =	vst.idx.msk $0xffff, v22;
	v25 =	vor.u32 s6, v1  }
0x3bb: {  	v31 =	vld [tilespmem:s20+$0xFFFFFF80];
	s7 =	simm.s32 $0xC;
	v22 =	vor.u32 s6, v3;
	[tilespmem:v26+s29+$0x0] =	vst.idx.msk $0xffff, v24;
	v26 =	vor.u32 s5, v0;
	v24 =	vor.u32 s5, v1  }
.LBB2_14:
0x3bc: {  	p0 =	slt.u32 s7, $0x7C;
	v34 =	vor.u32 s22, v3;
	v35 =	vor.u32 s6, v4;
	v36 =	vor.u32 s5, v3;
	[tilespmem:v12+s29+$0x0] =	vst.idx.msk $0xffff, v17;
	v12 =	vmovc v10  }
0x3bd: {  	v37 =	vor.u32 s6, v5;
	v38 =	vor.u32 s5, v4;
	v10 =	vshll.u32 v28, $0x10;
	[tilespmem:v13+s29+$0x0] =	vst.idx.msk $0xffff, v18;
	v13 =	vmovc v11  }
0x3be: {  	v18 =	vand.u32 $0xFFFF0000, v28;
	v11 =	vshll.u32 v29, $0x10;
	v17 =	vand.u32 $0xFFFF0000, v29;
	[tilespmem:v32+s29+$0x0] =	vst.idx.msk $0xffff, v10  }
0x3bf: {  	v29 =	vor.u32 s5, v5;
	v10 =	vshll.u32 v30, $0x10;
	v28 =	vand.u32 $0xFFFF0000, v30;
	[tilespmem:v33+s29+$0x0] =	vst.idx.msk $0xffff, v18  }
0x3c0: {  	v32 =	vor.u32 s22, v4;
	v30 =	vshll.u32 v31, $0x10;
	v31 =	vand.u32 $0xFFFF0000, v31;
	[tilespmem:v27+s29+$0x0] =	vst.idx.msk $0xffff, v11;
	v27 =	vld [tilespmem:s20+$0x50]  }
0x3c1: {  	v39 =	vshll.u32 v15, $0x10;
	v33 =	vor.u32 s22, v5;
	[tilespmem:v25+s29+$0x0] =	vst.idx.msk $0xffff, v17;
	v25 =	vor.u32 s21, v2  }
0x3c2: {  	v41 =	vand.u32 $0xFFFF0000, v15;
	v17 =	vshll.u32 v14, $0x10;
	v40 =	vld [tilespmem:s20+$0xFFFFFFD0];
	[tilespmem:v26+s29+$0x0] =	vst.idx.msk $0xffff, v10;
	v26 =	vor.u32 s21, v3  }
0x3c3: {  	v42 =	vor.u32 s6, v6;
	v43 =	vor.u32 s6, v7;
	v18 =	vand.u32 $0xFFFF0000, v14;
	[tilespmem:v24+s29+$0x0] =	vst.idx.msk $0xffff, v28  }
0x3c4: {  	v44 =	vor.u32 s5, v6;
	v45 =	vor.u32 s5, v7;
	v10 =	vor.u32 s22, v6;
	[tilespmem:v20+s29+$0x0] =	vst.idx.msk $0xffff, v30;
	v14 =	vld [tilespmem:s20+$0x10]  }
0x3c5: {  	v11 =	vor.u32 s22, v7;
	[tilespmem:v19+s29+$0x0] =	vst.idx.msk $0xffff, v31;
	v15 =	vshll.u32 v27, $0x10  }
0x3c6: {  	v20 =	vand.u32 $0xFFFF0000, v27;
	v19 =	vld [tilespmem:s20+$0xFFFFFF90];
	[tilespmem:v25+s29+$0x0] =	vst.idx.msk $0xffff, v15  }
0x3c7: {  	v15 =	vshll.u32 v40, $0x10;
	v24 =	vand.u32 $0xFFFF0000, v40;
	[tilespmem:v26+s29+$0x0] =	vst.idx.msk $0xffff, v20  }
0x3c8: {  	[tilespmem:v23+s29+$0x0] =	vst.idx.msk $0xffff, v15;
	v15 =	vld [tilespmem:s20+$0x60]  }
0x3c9: {  	[tilespmem:v22+s29+$0x0] =	vst.idx.msk $0xffff, v24;
	v20 =	vshll.u32 v14, $0x10;
	v14 =	vand.u32 $0xFFFF0000, v14;
	v22 =	vor.u32 s21, v4  }
0x3ca: {  	v23 =	vld [tilespmem:s20+$0xFFFFFFE0];
	[tilespmem:v21+s29+$0x0] =	vst.idx.msk $0xffff, v20;
	v20 =	vor.u32 s21, v5  }
0x3cb: {  	v21 =	vshll.u32 v19, $0x10;
	v19 =	vand.u32 $0xFFFF0000, v19;
	[tilespmem:v36+s29+$0x0] =	vst.idx.msk $0xffff, v14  }
0x3cc: {  	[tilespmem:v16+s29+$0x0] =	vst.idx.msk $0xffff, v21;
	v14 =	vld [tilespmem:s20+$0x20]  }
0x3cd: {  	[tilespmem:v34+s29+$0x0] =	vst.idx.msk $0xffff, v19;
	v16 =	vshll.u32 v15, $0x10  }
0x3ce: {  	v15 =	vand.u32 $0xFFFF0000, v15;
	v19 =	vld [tilespmem:s20+$0xFFFFFFA0];
	[tilespmem:v22+s29+$0x0] =	vst.idx.msk $0xffff, v16  }
0x3cf: {  	v16 =	vshll.u32 v23, $0x10;
	v21 =	vand.u32 $0xFFFF0000, v23;
	[tilespmem:v20+s29+$0x0] =	vst.idx.msk $0xffff, v15  }
0x3d0: {  	[tilespmem:v35+s29+$0x0] =	vst.idx.msk $0xffff, v16;
	v16 =	vld [tilespmem:s20+$0x70]  }
0x3d1: {  	v20 =	vor.u32 s21, v6;
	[tilespmem:v37+s29+$0x0] =	vst.idx.msk $0xffff, v21;
	v15 =	vshll.u32 v14, $0x10;
	v14 =	vand.u32 $0xFFFF0000, v14  }
0x3d2: {  	v22 =	vor.u32 s21, v7;
	v21 =	vld [tilespmem:s20+$0xFFFFFFF0];
	[tilespmem:v38+s29+$0x0] =	vst.idx.msk $0xffff, v15  }
0x3d3: {  	v15 =	vshll.u32 v19, $0x10;
	v19 =	vand.u32 $0xFFFF0000, v19;
	[tilespmem:v29+s29+$0x0] =	vst.idx.msk $0xffff, v14  }
0x3d4: {  	[tilespmem:v32+s29+$0x0] =	vst.idx.msk $0xffff, v15;
	v15 =	vld [tilespmem:s20+$0x30]  }
0x3d5: {  	[tilespmem:v33+s29+$0x0] =	vst.idx.msk $0xffff, v19;
	v19 =	vshll.u32 v16, $0x10  }
0x3d6: {  	v16 =	vand.u32 $0xFFFF0000, v16;
	v14 =	vld [tilespmem:s20+$0xFFFFFFB0];
	[tilespmem:v20+s29+$0x0] =	vst.idx.msk $0xffff, v19  }
.Ltmp6:
0x3d7: {  	s22 =	sshll.u32 s7, $0x7;
	s20 =	sadd.s32 $0x100, s20;
	v23 =	vshll.u32 v21, $0x10;
	v21 =	vand.u32 $0xFFFF0000, v21;
	[tilespmem:v22+s29+$0x0] =	vst.idx.msk $0xffff, v16;
	(pc) =	sbr.rel @p0 .LBB2_14-.Ltmp6, $4  }
0x3d8: {  	s6 =	sadd.s32 $0x80, s22;
	s5 =	sadd.s32 $0x100, s22;
	s21 =	sadd.s32 $0x180, s22;
	v20 =	vor.u32 s22, v0;
	v19 =	vor.u32 s22, v1;
	v16 =	vor.u32 s22, v2;
	v28 =	vld [tilespmem:s20+$0x40];
	[tilespmem:v42+s29+$0x0] =	vst.idx.msk $0xffff, v23  }
0x3d9: {  	v27 =	vor.u32 s6, v0;
	v25 =	vor.u32 s6, v1;
	v32 =	vor.u32 s21, v0;
	v29 =	vld [tilespmem:s20+$0xFFFFFFC0];
	[tilespmem:v43+s29+$0x0] =	vst.idx.msk $0xffff, v21  }
0x3da: {  	v26 =	vor.u32 s5, v0;
	v24 =	vor.u32 s5, v1;
	v33 =	vor.u32 s21, v1;
	v30 =	vld [tilespmem:s20+$0x0];
	[tilespmem:v9+s29+$0x0] =	vst.idx.msk $0xffff, v39;
	v9 =	vmovc v44  }
0x3db: {  	s7 =	sadd.s32 $0x4, s7;
	v22 =	vor.u32 s6, v3;
	v23 =	vor.u32 s6, v2;
	v21 =	vor.u32 s5, v2;
	v31 =	vld [tilespmem:s20+$0xFFFFFF80];
	[tilespmem:v8+s29+$0x0] =	vst.idx.msk $0xffff, v41;
	v8 =	vmovc v45  }
0x3dc: {  	_ =	sdelay $0x3  }
0x3dd: {  	[tilespmem:v12+s29+$0x0] =	vst.idx.msk $0xffff, v17  }
0x3de: {  	v12 =	vshll.u32 v28, $0x10;
	[tilespmem:v13+s29+$0x0] =	vst.idx.msk $0xffff, v18  }
0x3df: {  	v13 =	vand.u32 $0xFFFF0000, v28;
	[tilespmem:v32+s29+$0x0] =	vst.idx.msk $0xffff, v12  }
0x3e0: {  	v12 =	vshll.u32 v29, $0x10;
	[tilespmem:v33+s29+$0x0] =	vst.idx.msk $0xffff, v13  }
0x3e1: {  	v13 =	vand.u32 $0xFFFF0000, v29;
	[tilespmem:v27+s29+$0x0] =	vst.idx.msk $0xffff, v12;
	v12 =	vld [tilespmem:s20+$0x50]  }
0x3e2: {  	v17 =	vshll.u32 v30, $0x10;
	[tilespmem:v25+s29+$0x0] =	vst.idx.msk $0xffff, v13;
	v13 =	vor.u32 s21, v2  }
0x3e3: {  	v18 =	vand.u32 $0xFFFF0000, v30;
	[tilespmem:v26+s29+$0x0] =	vst.idx.msk $0xffff, v17;
	v17 =	vor.u32 s21, v3;
	v25 =	vld [tilespmem:s20+$0xFFFFFFD0]  }
0x3e4: {  	v26 =	vshll.u32 v31, $0x10;
	[tilespmem:v24+s29+$0x0] =	vst.idx.msk $0xffff, v18  }
0x3e5: {  	v18 =	vand.u32 $0xFFFF0000, v31;
	[tilespmem:v20+s29+$0x0] =	vst.idx.msk $0xffff, v26;
	v20 =	vld [tilespmem:s20+$0x10]  }
0x3e6: {  	[tilespmem:v19+s29+$0x0] =	vst.idx.msk $0xffff, v18;
	v18 =	vshll.u32 v12, $0x10  }
0x3e7: {  	v19 =	vor.u32 s5, v3;
	v24 =	vld [tilespmem:s20+$0xFFFFFF90];
	v12 =	vand.u32 $0xFFFF0000, v12;
	[tilespmem:v13+s29+$0x0] =	vst.idx.msk $0xffff, v18  }
0x3e8: {  	v13 =	vshll.u32 v25, $0x10;
	[tilespmem:v17+s29+$0x0] =	vst.idx.msk $0xffff, v12  }
0x3e9: {  	v12 =	vor.u32 s22, v3;
	v17 =	vand.u32 $0xFFFF0000, v25;
	[tilespmem:v23+s29+$0x0] =	vst.idx.msk $0xffff, v13;
	v13 =	vld [tilespmem:s20+$0x60]  }
0x3ea: {  	v18 =	vor.u32 s21, v4;
	[tilespmem:v22+s29+$0x0] =	vst.idx.msk $0xffff, v17;
	v17 =	vshll.u32 v20, $0x10  }
0x3eb: {  	v20 =	vand.u32 $0xFFFF0000, v20;
	v22 =	vld [tilespmem:s20+$0xFFFFFFE0];
	[tilespmem:v21+s29+$0x0] =	vst.idx.msk $0xffff, v17;
	v17 =	vor.u32 s21, v5  }
0x3ec: {  	v23 =	vshll.u32 v24, $0x10;
	v21 =	vor.u32 s6, v4;
	[tilespmem:v19+s29+$0x0] =	vst.idx.msk $0xffff, v20  }
0x3ed: {  	[tilespmem:v16+s29+$0x0] =	vst.idx.msk $0xffff, v23;
	v19 =	vor.u32 s6, v5;
	v20 =	vand.u32 $0xFFFF0000, v24;
	v16 =	vld [tilespmem:s20+$0x20]  }
0x3ee: {  	v23 =	vor.u32 s5, v4;
	[tilespmem:v12+s29+$0x0] =	vst.idx.msk $0xffff, v20;
	v12 =	vshll.u32 v13, $0x10  }
0x3ef: {  	v20 =	vor.u32 s5, v5;
	v24 =	vld [tilespmem:s20+$0xFFFFFFA0];
	v13 =	vand.u32 $0xFFFF0000, v13;
	[tilespmem:v18+s29+$0x0] =	vst.idx.msk $0xffff, v12  }
0x3f0: {  	v12 =	vor.u32 s22, v4;
	v18 =	vshll.u32 v22, $0x10;
	[tilespmem:v17+s29+$0x0] =	vst.idx.msk $0xffff, v13  }
0x3f1: {  	v13 =	vor.u32 s22, v5;
	v17 =	vand.u32 $0xFFFF0000, v22;
	[tilespmem:v21+s29+$0x0] =	vst.idx.msk $0xffff, v18;
	v18 =	vld [tilespmem:s20+$0x70]  }
0x3f2: {  	[tilespmem:v19+s29+$0x0] =	vst.idx.msk $0xffff, v17;
	v17 =	vshll.u32 v16, $0x10;
	v19 =	vor.u32 s21, v6  }
0x3f3: {  	v16 =	vand.u32 $0xFFFF0000, v16;
	v21 =	vld [tilespmem:s20+$0xFFFFFFF0];
	[tilespmem:v23+s29+$0x0] =	vst.idx.msk $0xffff, v17;
	v17 =	vor.u32 s21, v7  }
0x3f4: {  	v22 =	vor.u32 s6, v6;
	v23 =	vshll.u32 v24, $0x10;
	[tilespmem:v20+s29+$0x0] =	vst.idx.msk $0xffff, v16  }
0x3f5: {  	v16 =	vor.u32 s6, v7;
	v20 =	vand.u32 $0xFFFF0000, v24;
	[tilespmem:v12+s29+$0x0] =	vst.idx.msk $0xffff, v23  }
0x3f6: {  	[tilespmem:v13+s29+$0x0] =	vst.idx.msk $0xffff, v20;
	v12 =	vshll.u32 v18, $0x10  }
0x3f7: {  	v13 =	vand.u32 $0xFFFF0000, v18;
	[tilespmem:v19+s29+$0x0] =	vst.idx.msk $0xffff, v12  }
0x3f8: {  	v12 =	vshll.u32 v21, $0x10;
	[tilespmem:v17+s29+$0x0] =	vst.idx.msk $0xffff, v13  }
0x3f9: {  	v13 =	vld [tilespmem:s20+$0x30];
	v17 =	vand.u32 $0xFFFF0000, v21;
	[tilespmem:v22+s29+$0x0] =	vst.idx.msk $0xffff, v12  }
0x3fa: {  	v18 =	vor.u32 s5, v6;
	v12 =	vshll.u32 v15, $0x10;
	[tilespmem:v16+s29+$0x0] =	vst.idx.msk $0xffff, v17  }
0x3fb: {  	v15 =	vand.u32 $0xFFFF0000, v15;
	v16 =	vor.u32 s5, v7;
	v17 =	vld [tilespmem:s20+$0xFFFFFFB0];
	[tilespmem:v9+s29+$0x0] =	vst.idx.msk $0xffff, v12  }
0x3fc: {  	v9 =	vshll.u32 v14, $0x10;
	v12 =	vor.u32 s22, v6;
	[tilespmem:v8+s29+$0x0] =	vst.idx.msk $0xffff, v15  }
0x3fd: {  	v8 =	vand.u32 $0xFFFF0000, v14;
	v14 =	vor.u32 s22, v7;
	[tilespmem:v10+s29+$0x0] =	vst.idx.msk $0xffff, v9  }
0x3fe: {  	[tilespmem:v11+s29+$0x0] =	vst.idx.msk $0xffff, v8;
	v8 =	vshll.u32 v13, $0x10  }
0x3ff: {  	v9 =	vand.u32 $0xFFFF0000, v13;
	[tilespmem:v18+s29+$0x0] =	vst.idx.msk $0xffff, v8  }
0x400: {  	v8 =	vshll.u32 v17, $0x10;
	[tilespmem:v16+s29+$0x0] =	vst.idx.msk $0xffff, v9  }
0x401: {  	v9 =	vand.u32 $0xFFFF0000, v17;
	[tilespmem:v12+s29+$0x0] =	vst.idx.msk $0xffff, v8  }
0x402: {  	s21 =	simm.s32 $0x0;
	[tilespmem:v14+s29+$0x0] =	vst.idx.msk $0xffff, v9  }
0x403: {  	[hbm4b:s12+s21] =	stream.linear.scatter [tilespmem:s29], [sflag:$0x7], $0x4000, $0x38;
	[tilespmem:$0x18200] =	vst v63  }
0x404: {  	_ =	swait.ge [sflag:s30], $0x2000  }
0x405: {  	[sflag:s30] =	ssyncset.done $0x0  }
0x406: {  	[sflag:s30] =	ssyncadd.s32 $0xFFFFE000  }
0x407: {  	_ =	swait.ge [sflag:s18], $0x4000  }
0x408: {  	[sflag:s18] =	ssyncset.done $0x0  }
0x409: {  	s21 =	simm.s32 $0x6280;
	[sflag:s18] =	ssyncadd.s32 $0xFFFFC000  }
0x40a: {  	s22 =	simm.s32 $0x180;
	v8 =	vld [tilespmem:s21+$0x40]  }
0x40b: {  	v9 =	vor.u32 s22, v0  }
0x40c: {  	s7 =	simm.s32 $0x80;
	v11 =	vor.u32 s22, v1;
	v10 =	vld [tilespmem:s21+$0xFFFFFFC0]  }
0x40d: {  	v12 =	vor.u32 s7, v0  }
0x40e: {  	s20 =	simm.s32 $0x100;
	v13 =	vor.u32 s7, v1;
	v14 =	vld [tilespmem:s21+$0x0]  }
0x40f: {  	v15 =	vor.u32 s20, v0;
	v16 =	vshll.u32 v8, $0x10  }
0x410: {  	s5 =	simm.s32 $0x0;
	v17 =	vor.u32 s20, v1;
	v18 =	vld [tilespmem:s21+$0xFFFFFF80];
	v8 =	vand.u32 $0xFFFF0000, v8;
	[tilespmem:v9+s31+$0x0] =	vst.idx.msk $0xffff, v16  }
0x411: {  	v9 =	vor.u32 s5, v0;
	v16 =	vshll.u32 v10, $0x10;
	[tilespmem:v11+s31+$0x0] =	vst.idx.msk $0xffff, v8  }
0x412: {  	v10 =	vand.u32 $0xFFFF0000, v10;
	v8 =	vor.u32 s5, v1;
	[tilespmem:v12+s31+$0x0] =	vst.idx.msk $0xffff, v16;
	v11 =	vld [tilespmem:s21+$0x50]  }
0x413: {  	v12 =	vshll.u32 v14, $0x10;
	[tilespmem:v13+s31+$0x0] =	vst.idx.msk $0xffff, v10;
	v10 =	vor.u32 s22, v2  }
0x414: {  	v13 =	vand.u32 $0xFFFF0000, v14;
	[tilespmem:v15+s31+$0x0] =	vst.idx.msk $0xffff, v12;
	v12 =	vor.u32 s22, v3;
	v14 =	vld [tilespmem:s21+$0xFFFFFFD0]  }
0x415: {  	v16 =	vshll.u32 v18, $0x10;
	v15 =	vor.u32 s7, v2;
	[tilespmem:v17+s31+$0x0] =	vst.idx.msk $0xffff, v13  }
0x416: {  	v13 =	vor.u32 s7, v3;
	v17 =	vand.u32 $0xFFFF0000, v18;
	[tilespmem:v9+s31+$0x0] =	vst.idx.msk $0xffff, v16;
	v9 =	vld [tilespmem:s21+$0x10]  }
0x417: {  	v16 =	vor.u32 s20, v2;
	[tilespmem:v8+s31+$0x0] =	vst.idx.msk $0xffff, v17;
	v8 =	vshll.u32 v11, $0x10  }
0x418: {  	v17 =	vor.u32 s20, v3;
	v18 =	vld [tilespmem:s21+$0xFFFFFF90];
	v11 =	vand.u32 $0xFFFF0000, v11;
	[tilespmem:v10+s31+$0x0] =	vst.idx.msk $0xffff, v8  }
0x419: {  	v8 =	vor.u32 s5, v2;
	v10 =	vshll.u32 v14, $0x10;
	[tilespmem:v12+s31+$0x0] =	vst.idx.msk $0xffff, v11  }
0x41a: {  	v11 =	vor.u32 s5, v3;
	v12 =	vand.u32 $0xFFFF0000, v14;
	[tilespmem:v15+s31+$0x0] =	vst.idx.msk $0xffff, v10;
	v10 =	vld [tilespmem:s21+$0x60]  }
0x41b: {  	[tilespmem:v13+s31+$0x0] =	vst.idx.msk $0xffff, v12;
	v12 =	vshll.u32 v9, $0x10;
	v13 =	vor.u32 s22, v4  }
0x41c: {  	v9 =	vand.u32 $0xFFFF0000, v9;
	v14 =	vld [tilespmem:s21+$0xFFFFFFE0];
	[tilespmem:v16+s31+$0x0] =	vst.idx.msk $0xffff, v12;
	v12 =	vor.u32 s22, v5  }
0x41d: {  	v15 =	vor.u32 s7, v4;
	v16 =	vshll.u32 v18, $0x10;
	[tilespmem:v17+s31+$0x0] =	vst.idx.msk $0xffff, v9  }
0x41e: {  	v9 =	vor.u32 s7, v5;
	v17 =	vand.u32 $0xFFFF0000, v18;
	[tilespmem:v8+s31+$0x0] =	vst.idx.msk $0xffff, v16;
	v8 =	vld [tilespmem:s21+$0x20]  }
0x41f: {  	v16 =	vor.u32 s20, v4;
	[tilespmem:v11+s31+$0x0] =	vst.idx.msk $0xffff, v17;
	v11 =	vshll.u32 v10, $0x10  }
0x420: {  	v17 =	vor.u32 s20, v5;
	v18 =	vld [tilespmem:s21+$0xFFFFFFA0];
	v10 =	vand.u32 $0xFFFF0000, v10;
	[tilespmem:v13+s31+$0x0] =	vst.idx.msk $0xffff, v11  }
0x421: {  	v11 =	vor.u32 s5, v4;
	v13 =	vshll.u32 v14, $0x10;
	[tilespmem:v12+s31+$0x0] =	vst.idx.msk $0xffff, v10  }
0x422: {  	v10 =	vor.u32 s5, v5;
	v12 =	vand.u32 $0xFFFF0000, v14;
	[tilespmem:v15+s31+$0x0] =	vst.idx.msk $0xffff, v13;
	v13 =	vld [tilespmem:s21+$0x70]  }
0x423: {  	[tilespmem:v9+s31+$0x0] =	vst.idx.msk $0xffff, v12;
	v9 =	vshll.u32 v8, $0x10;
	v12 =	vor.u32 s22, v6  }
0x424: {  	v8 =	vand.u32 $0xFFFF0000, v8;
	v14 =	vld [tilespmem:s21+$0xFFFFFFF0];
	[tilespmem:v16+s31+$0x0] =	vst.idx.msk $0xffff, v9;
	v9 =	vor.u32 s22, v7  }
0x425: {  	s6 =	simm.s32 $0x6380;
	v15 =	vor.u32 s7, v6;
	v16 =	vshll.u32 v18, $0x10;
	[tilespmem:v17+s31+$0x0] =	vst.idx.msk $0xffff, v8  }
0x426: {  	s22 =	simm.s32 $0x380;
	v8 =	vor.u32 s7, v7;
	v17 =	vand.u32 $0xFFFF0000, v18;
	[tilespmem:v11+s31+$0x0] =	vst.idx.msk $0xffff, v16;
	v11 =	vld [tilespmem:s6+$0x40]  }
0x427: {  	v16 =	vor.u32 s22, v0;
	[tilespmem:v10+s31+$0x0] =	vst.idx.msk $0xffff, v17;
	v10 =	vshll.u32 v13, $0x10  }
0x428: {  	s8 =	simm.s32 $0x280;
	v13 =	vand.u32 $0xFFFF0000, v13;
	[tilespmem:v12+s31+$0x0] =	vst.idx.msk $0xffff, v10;
	v10 =	vld [tilespmem:s6+$0xFFFFFFC0];
	v12 =	vor.u32 s22, v1  }
0x429: {  	v17 =	vshll.u32 v14, $0x10;
	[tilespmem:v9+s31+$0x0] =	vst.idx.msk $0xffff, v13;
	v9 =	vor.u32 s8, v0  }
0x42a: {  	s7 =	simm.s32 $0x300;
	v13 =	vand.u32 $0xFFFF0000, v14;
	[tilespmem:v15+s31+$0x0] =	vst.idx.msk $0xffff, v17;
	v14 =	vor.u32 s8, v1;
	v15 =	vld [tilespmem:s6+$0x0]  }
0x42b: {  	[tilespmem:v8+s31+$0x0] =	vst.idx.msk $0xffff, v13;
	v8 =	vor.u32 s7, v0;
	v13 =	vshll.u32 v11, $0x10  }
0x42c: {  	s9 =	simm.s32 $0x200;
	v18 =	vld [tilespmem:s6+$0xFFFFFF80];
	v17 =	vor.u32 s7, v1;
	v11 =	vand.u32 $0xFFFF0000, v11;
	[tilespmem:v16+s31+$0x0] =	vst.idx.msk $0xffff, v13  }
0x42d: {  	v13 =	vor.u32 s9, v0;
	v16 =	vshll.u32 v10, $0x10;
	[tilespmem:v12+s31+$0x0] =	vst.idx.msk $0xffff, v11  }
0x42e: {  	v11 =	vor.u32 s9, v1;
	v10 =	vand.u32 $0xFFFF0000, v10;
	[tilespmem:v9+s31+$0x0] =	vst.idx.msk $0xffff, v16;
	v9 =	vld [tilespmem:s6+$0x50]  }
0x42f: {  	v12 =	vshll.u32 v15, $0x10;
	[tilespmem:v14+s31+$0x0] =	vst.idx.msk $0xffff, v10;
	v10 =	vor.u32 s22, v2  }
0x430: {  	v14 =	vand.u32 $0xFFFF0000, v15;
	[tilespmem:v8+s31+$0x0] =	vst.idx.msk $0xffff, v12;
	v8 =	vor.u32 s22, v3;
	v15 =	vld [tilespmem:s6+$0xFFFFFFD0]  }
0x431: {  	v16 =	vshll.u32 v18, $0x10;
	v12 =	vor.u32 s8, v2;
	[tilespmem:v17+s31+$0x0] =	vst.idx.msk $0xffff, v14  }
0x432: {  	v14 =	vor.u32 s8, v3;
	v17 =	vand.u32 $0xFFFF0000, v18;
	[tilespmem:v13+s31+$0x0] =	vst.idx.msk $0xffff, v16;
	v13 =	vld [tilespmem:s6+$0x10]  }
0x433: {  	v16 =	vor.u32 s7, v2;
	[tilespmem:v11+s31+$0x0] =	vst.idx.msk $0xffff, v17;
	v11 =	vshll.u32 v9, $0x10  }
0x434: {  	v17 =	vor.u32 s7, v3;
	v18 =	vld [tilespmem:s6+$0xFFFFFF90];
	v9 =	vand.u32 $0xFFFF0000, v9;
	[tilespmem:v10+s31+$0x0] =	vst.idx.msk $0xffff, v11  }
0x435: {  	v10 =	vor.u32 s9, v2;
	v11 =	vshll.u32 v15, $0x10;
	[tilespmem:v8+s31+$0x0] =	vst.idx.msk $0xffff, v9  }
0x436: {  	v8 =	vor.u32 s9, v3;
	v9 =	vand.u32 $0xFFFF0000, v15;
	v15 =	vld [tilespmem:s21+$0x30];
	[tilespmem:v12+s31+$0x0] =	vst.idx.msk $0xffff, v11  }
0x437: {  	v21 =	vor.u32 s20, v6;
	v11 =	vld [tilespmem:s6+$0x60];
	[tilespmem:v14+s31+$0x0] =	vst.idx.msk $0xffff, v9;
	v9 =	vshll.u32 v13, $0x10  }
0x438: {  	v12 =	vor.u32 s22, v4;
	v13 =	vand.u32 $0xFFFF0000, v13;
	[tilespmem:v16+s31+$0x0] =	vst.idx.msk $0xffff, v9  }
0x439: {  	v14 =	vld [tilespmem:s6+$0xFFFFFFE0];
	v9 =	vor.u32 s22, v5;
	v19 =	vshll.u32 v18, $0x10;
	[tilespmem:v17+s31+$0x0] =	vst.idx.msk $0xffff, v13  }
0x43a: {  	v16 =	vor.u32 s8, v4;
	v13 =	vand.u32 $0xFFFF0000, v18;
	[tilespmem:v10+s31+$0x0] =	vst.idx.msk $0xffff, v19  }
0x43b: {  	v17 =	vor.u32 s8, v5;
	v10 =	vld [tilespmem:s6+$0x20];
	[tilespmem:v8+s31+$0x0] =	vst.idx.msk $0xffff, v13;
	v23 =	vshll.u32 v15, $0x10  }
0x43c: {  	v26 =	vor.u32 s8, v7;
	v19 =	vor.u32 s7, v4;
	v8 =	vshll.u32 v11, $0x10;
	[tilespmem:v21+s31+$0x0] =	vst.idx.msk $0xffff, v23  }
0x43d: {  	v25 =	vor.u32 s8, v6;
	v20 =	vor.u32 s7, v5;
	v22 =	vld [tilespmem:s6+$0xFFFFFFA0];
	v11 =	vand.u32 $0xFFFF0000, v11;
	[tilespmem:v12+s31+$0x0] =	vst.idx.msk $0xffff, v8  }
0x43e: {  	v34 =	vor.u32 s20, v7;
	v18 =	vld [tilespmem:s21+$0xFFFFFFB0];
	v8 =	vor.u32 s9, v4;
	v13 =	vshll.u32 v14, $0x10;
	[tilespmem:v9+s31+$0x0] =	vst.idx.msk $0xffff, v11  }
0x43f: {  	s21 =	simm.s32 $0x580;
	v35 =	vand.u32 $0xFFFF0000, v15;
	v9 =	vor.u32 s9, v5;
	v11 =	vand.u32 $0xFFFF0000, v14;
	[tilespmem:v16+s31+$0x0] =	vst.idx.msk $0xffff, v13  }
0x440: {  	v32 =	vor.u32 s21, v0;
	v33 =	vor.u32 s21, v1;
	v14 =	vld [tilespmem:s6+$0x70];
	[tilespmem:v17+s31+$0x0] =	vst.idx.msk $0xffff, v11;
	v11 =	vshll.u32 v10, $0x10  }
0x441: {  	v12 =	vor.u32 s5, v6;
	v16 =	vor.u32 s22, v6;
	v10 =	vand.u32 $0xFFFF0000, v10;
	[tilespmem:v19+s31+$0x0] =	vst.idx.msk $0xffff, v11  }
0x442: {  	s20 =	simm.s32 $0x6480;
	v13 =	vor.u32 s5, v7;
	s5 =	simm.s32 $0x500;
	v24 =	vld [tilespmem:s6+$0xFFFFFFF0];
	v19 =	vor.u32 s22, v7;
	v11 =	vshll.u32 v22, $0x10;
	[tilespmem:v20+s31+$0x0] =	vst.idx.msk $0xffff, v10  }
0x443: {  	v28 =	vld [tilespmem:s20+$0x40];
	v17 =	vshll.u32 v18, $0x10;
	v21 =	vor.u32 s5, v2;
	v15 =	vand.u32 $0xFFFF0000, v22;
	[tilespmem:v8+s31+$0x0] =	vst.idx.msk $0xffff, v11  }
0x444: {  	v18 =	vand.u32 $0xFFFF0000, v18;
	v10 =	vor.u32 s9, v6;
	v8 =	vor.u32 s7, v7;
	[tilespmem:v9+s31+$0x0] =	vst.idx.msk $0xffff, v15;
	v15 =	vld [tilespmem:s6+$0x30]  }
0x445: {  	[tilespmem:v34+s31+$0x0] =	vst.idx.msk $0xffff, v35;
	s22 =	simm.s32 $0x400;
	v9 =	vor.u32 s7, v6;
	v11 =	vshll.u32 v14, $0x10;
	v20 =	vand.u32 $0xFFFF0000, v14;
	v14 =	vld [tilespmem:s6+$0xFFFFFFB0];
	s6 =	simm.s32 $0x480  }
0x446: {  	[tilespmem:v16+s31+$0x0] =	vst.idx.msk $0xffff, v11;
	v11 =	vor.u32 s9, v7;
	v16 =	vor.u32 s22, v2;
	v27 =	vor.u32 s6, v0  }
0x447: {  	v29 =	vld [tilespmem:s20+$0xFFFFFFC0];
	v23 =	vor.u32 s6, v2;
	v22 =	vshll.u32 v24, $0x10;
	v24 =	vand.u32 $0xFFFF0000, v24;
	[tilespmem:v19+s31+$0x0] =	vst.idx.msk $0xffff, v20  }
0x448: {  	v30 =	vld [tilespmem:s20+$0x0];
	v20 =	vor.u32 s22, v0;
	v19 =	vor.u32 s22, v1;
	[tilespmem:v25+s31+$0x0] =	vst.idx.msk $0xffff, v22;
	v25 =	vor.u32 s6, v1  }
0x449: {  	v31 =	vld [tilespmem:s20+$0xFFFFFF80];
	s7 =	simm.s32 $0xC;
	v22 =	vor.u32 s6, v3;
	[tilespmem:v26+s31+$0x0] =	vst.idx.msk $0xffff, v24;
	v26 =	vor.u32 s5, v0;
	v24 =	vor.u32 s5, v1  }
.LBB2_16:
0x44a: {  	p0 =	slt.u32 s7, $0x7C;
	v34 =	vor.u32 s22, v3;
	v35 =	vor.u32 s6, v4;
	v36 =	vor.u32 s5, v3;
	[tilespmem:v12+s31+$0x0] =	vst.idx.msk $0xffff, v17;
	v12 =	vmovc v10  }
0x44b: {  	v37 =	vor.u32 s6, v5;
	v38 =	vor.u32 s5, v4;
	v10 =	vshll.u32 v28, $0x10;
	[tilespmem:v13+s31+$0x0] =	vst.idx.msk $0xffff, v18;
	v13 =	vmovc v11  }
0x44c: {  	v18 =	vand.u32 $0xFFFF0000, v28;
	v11 =	vshll.u32 v29, $0x10;
	v17 =	vand.u32 $0xFFFF0000, v29;
	[tilespmem:v32+s31+$0x0] =	vst.idx.msk $0xffff, v10  }
0x44d: {  	v29 =	vor.u32 s5, v5;
	v10 =	vshll.u32 v30, $0x10;
	v28 =	vand.u32 $0xFFFF0000, v30;
	[tilespmem:v33+s31+$0x0] =	vst.idx.msk $0xffff, v18  }
0x44e: {  	v32 =	vor.u32 s22, v4;
	v30 =	vshll.u32 v31, $0x10;
	v31 =	vand.u32 $0xFFFF0000, v31;
	[tilespmem:v27+s31+$0x0] =	vst.idx.msk $0xffff, v11;
	v27 =	vld [tilespmem:s20+$0x50]  }
0x44f: {  	v39 =	vshll.u32 v15, $0x10;
	v33 =	vor.u32 s22, v5;
	[tilespmem:v25+s31+$0x0] =	vst.idx.msk $0xffff, v17;
	v25 =	vor.u32 s21, v2  }
0x450: {  	v41 =	vand.u32 $0xFFFF0000, v15;
	v17 =	vshll.u32 v14, $0x10;
	v40 =	vld [tilespmem:s20+$0xFFFFFFD0];
	[tilespmem:v26+s31+$0x0] =	vst.idx.msk $0xffff, v10;
	v26 =	vor.u32 s21, v3  }
0x451: {  	v42 =	vor.u32 s6, v6;
	v43 =	vor.u32 s6, v7;
	v18 =	vand.u32 $0xFFFF0000, v14;
	[tilespmem:v24+s31+$0x0] =	vst.idx.msk $0xffff, v28  }
0x452: {  	v44 =	vor.u32 s5, v6;
	v45 =	vor.u32 s5, v7;
	v10 =	vor.u32 s22, v6;
	[tilespmem:v20+s31+$0x0] =	vst.idx.msk $0xffff, v30;
	v14 =	vld [tilespmem:s20+$0x10]  }
0x453: {  	v11 =	vor.u32 s22, v7;
	[tilespmem:v19+s31+$0x0] =	vst.idx.msk $0xffff, v31;
	v15 =	vshll.u32 v27, $0x10  }
0x454: {  	v20 =	vand.u32 $0xFFFF0000, v27;
	v19 =	vld [tilespmem:s20+$0xFFFFFF90];
	[tilespmem:v25+s31+$0x0] =	vst.idx.msk $0xffff, v15  }
0x455: {  	v15 =	vshll.u32 v40, $0x10;
	v24 =	vand.u32 $0xFFFF0000, v40;
	[tilespmem:v26+s31+$0x0] =	vst.idx.msk $0xffff, v20  }
0x456: {  	[tilespmem:v23+s31+$0x0] =	vst.idx.msk $0xffff, v15;
	v15 =	vld [tilespmem:s20+$0x60]  }
0x457: {  	[tilespmem:v22+s31+$0x0] =	vst.idx.msk $0xffff, v24;
	v20 =	vshll.u32 v14, $0x10;
	v14 =	vand.u32 $0xFFFF0000, v14;
	v22 =	vor.u32 s21, v4  }
0x458: {  	v23 =	vld [tilespmem:s20+$0xFFFFFFE0];
	[tilespmem:v21+s31+$0x0] =	vst.idx.msk $0xffff, v20;
	v20 =	vor.u32 s21, v5  }
0x459: {  	v21 =	vshll.u32 v19, $0x10;
	v19 =	vand.u32 $0xFFFF0000, v19;
	[tilespmem:v36+s31+$0x0] =	vst.idx.msk $0xffff, v14  }
0x45a: {  	[tilespmem:v16+s31+$0x0] =	vst.idx.msk $0xffff, v21;
	v14 =	vld [tilespmem:s20+$0x20]  }
0x45b: {  	[tilespmem:v34+s31+$0x0] =	vst.idx.msk $0xffff, v19;
	v16 =	vshll.u32 v15, $0x10  }
0x45c: {  	v15 =	vand.u32 $0xFFFF0000, v15;
	v19 =	vld [tilespmem:s20+$0xFFFFFFA0];
	[tilespmem:v22+s31+$0x0] =	vst.idx.msk $0xffff, v16  }
0x45d: {  	v16 =	vshll.u32 v23, $0x10;
	v21 =	vand.u32 $0xFFFF0000, v23;
	[tilespmem:v20+s31+$0x0] =	vst.idx.msk $0xffff, v15  }
0x45e: {  	[tilespmem:v35+s31+$0x0] =	vst.idx.msk $0xffff, v16;
	v16 =	vld [tilespmem:s20+$0x70]  }
0x45f: {  	v20 =	vor.u32 s21, v6;
	[tilespmem:v37+s31+$0x0] =	vst.idx.msk $0xffff, v21;
	v15 =	vshll.u32 v14, $0x10;
	v14 =	vand.u32 $0xFFFF0000, v14  }
0x460: {  	v22 =	vor.u32 s21, v7;
	v21 =	vld [tilespmem:s20+$0xFFFFFFF0];
	[tilespmem:v38+s31+$0x0] =	vst.idx.msk $0xffff, v15  }
0x461: {  	v15 =	vshll.u32 v19, $0x10;
	v19 =	vand.u32 $0xFFFF0000, v19;
	[tilespmem:v29+s31+$0x0] =	vst.idx.msk $0xffff, v14  }
0x462: {  	[tilespmem:v32+s31+$0x0] =	vst.idx.msk $0xffff, v15;
	v15 =	vld [tilespmem:s20+$0x30]  }
0x463: {  	[tilespmem:v33+s31+$0x0] =	vst.idx.msk $0xffff, v19;
	v19 =	vshll.u32 v16, $0x10  }
0x464: {  	v16 =	vand.u32 $0xFFFF0000, v16;
	v14 =	vld [tilespmem:s20+$0xFFFFFFB0];
	[tilespmem:v20+s31+$0x0] =	vst.idx.msk $0xffff, v19  }
.Ltmp7:
0x465: {  	s22 =	sshll.u32 s7, $0x7;
	s20 =	sadd.s32 $0x100, s20;
	v23 =	vshll.u32 v21, $0x10;
	v21 =	vand.u32 $0xFFFF0000, v21;
	[tilespmem:v22+s31+$0x0] =	vst.idx.msk $0xffff, v16;
	(pc) =	sbr.rel @p0 .LBB2_16-.Ltmp7, $4  }
0x466: {  	s6 =	sadd.s32 $0x80, s22;
	s5 =	sadd.s32 $0x100, s22;
	s21 =	sadd.s32 $0x180, s22;
	v20 =	vor.u32 s22, v0;
	v19 =	vor.u32 s22, v1;
	v16 =	vor.u32 s22, v2;
	v28 =	vld [tilespmem:s20+$0x40];
	[tilespmem:v42+s31+$0x0] =	vst.idx.msk $0xffff, v23  }
0x467: {  	v27 =	vor.u32 s6, v0;
	v25 =	vor.u32 s6, v1;
	v32 =	vor.u32 s21, v0;
	v29 =	vld [tilespmem:s20+$0xFFFFFFC0];
	[tilespmem:v43+s31+$0x0] =	vst.idx.msk $0xffff, v21  }
0x468: {  	v26 =	vor.u32 s5, v0;
	v24 =	vor.u32 s5, v1;
	v33 =	vor.u32 s21, v1;
	v30 =	vld [tilespmem:s20+$0x0];
	[tilespmem:v9+s31+$0x0] =	vst.idx.msk $0xffff, v39;
	v9 =	vmovc v44  }
0x469: {  	s7 =	sadd.s32 $0x4, s7;
	v22 =	vor.u32 s6, v3;
	v23 =	vor.u32 s6, v2;
	v21 =	vor.u32 s5, v2;
	v31 =	vld [tilespmem:s20+$0xFFFFFF80];
	[tilespmem:v8+s31+$0x0] =	vst.idx.msk $0xffff, v41;
	v8 =	vmovc v45  }
0x46a: {  	_ =	sdelay $0x3  }
0x46b: {  	[tilespmem:v12+s31+$0x0] =	vst.idx.msk $0xffff, v17  }
0x46c: {  	v42 =	vshll.u32 v28, $0x10;
	[tilespmem:v13+s31+$0x0] =	vst.idx.msk $0xffff, v18  }
0x46d: {  	v43 =	vand.u32 $0xFFFF0000, v28;
	[tilespmem:v32+s31+$0x0] =	vst.idx.msk $0xffff, v42  }
0x46e: {  	v44 =	vshll.u32 v29, $0x10;
	[tilespmem:v33+s31+$0x0] =	vst.idx.msk $0xffff, v43  }
0x46f: {  	v45 =	vand.u32 $0xFFFF0000, v29;
	[tilespmem:v27+s31+$0x0] =	vst.idx.msk $0xffff, v44;
	v46 =	vld [tilespmem:s20+$0x50]  }
0x470: {  	v48 =	vor.u32 s21, v2;
	v47 =	vshll.u32 v30, $0x10;
	[tilespmem:v25+s31+$0x0] =	vst.idx.msk $0xffff, v45  }
0x471: {  	v50 =	vor.u32 s21, v3;
	v49 =	vand.u32 $0xFFFF0000, v30;
	[tilespmem:v26+s31+$0x0] =	vst.idx.msk $0xffff, v47;
	v25 =	vld [tilespmem:s20+$0xFFFFFFD0]  }
0x472: {  	v51 =	vshll.u32 v31, $0x10;
	[tilespmem:v24+s31+$0x0] =	vst.idx.msk $0xffff, v49  }
0x473: {  	v52 =	vand.u32 $0xFFFF0000, v31;
	[tilespmem:v20+s31+$0x0] =	vst.idx.msk $0xffff, v51  }
0x474: {  	v53 =	vld [tilespmem:s20+$0x10];
	[tilespmem:v19+s31+$0x0] =	vst.idx.msk $0xffff, v52;
	v54 =	vshll.u32 v46, $0x10  }
0x475: {  	v12 =	vand.u32 $0xFFFF0000, v46;
	[tilespmem:v48+s31+$0x0] =	vst.idx.msk $0xffff, v54  }
0x476: {  	v55 =	vor.u32 s5, v3;
	v56 =	vld [tilespmem:s20+$0xFFFFFF90];
	v57 =	vshll.u32 v25, $0x10;
	[tilespmem:v50+s31+$0x0] =	vst.idx.msk $0xffff, v12  }
0x477: {  	v54 =	vshll.u32 v15, $0x10;
	[tilespmem:v23+s31+$0x0] =	vst.idx.msk $0xffff, v57  }
0x478: {  	v59 =	vand.u32 $0xFFFF0000, v25;
	[tilespmem:v9+s31+$0x0] =	vst.idx.msk $0xffff, v54  }
0x479: {  	v61 =	vshll.u32 v53, $0x10;
	[tilespmem:v22+s31+$0x0] =	vst.idx.msk $0xffff, v59  }
0x47a: {  	v58 =	vor.u32 s22, v3;
	v20 =	vand.u32 $0xFFFF0000, v53;
	[tilespmem:v21+s31+$0x0] =	vst.idx.msk $0xffff, v61  }
0x47b: {  	v60 =	vld [tilespmem:s20+$0x60];
	v29 =	vshll.u32 v56, $0x10;
	[tilespmem:v55+s31+$0x0] =	vst.idx.msk $0xffff, v20  }
0x47c: {  	v62 =	vor.u32 s21, v4;
	v31 =	vand.u32 $0xFFFF0000, v56;
	v56 =	vand.u32 $0xFFFF0000, v15;
	[tilespmem:v16+s31+$0x0] =	vst.idx.msk $0xffff, v29  }
0x47d: {  	v63 =	vor.u32 s21, v5;
	v59 =	vshll.u32 v14, $0x10;
	v22 =	vld [tilespmem:s20+$0xFFFFFFE0];
	[tilespmem:v8+s31+$0x0] =	vst.idx.msk $0xffff, v56  }
0x47e: {  	v28 =	vor.u32 s6, v4;
	[tilespmem:v10+s31+$0x0] =	vst.idx.msk $0xffff, v59  }
0x47f: {  	v30 =	vor.u32 s6, v5;
	v8 =	vand.u32 $0xFFFF0000, v14;
	v32 =	vld [tilespmem:s20+$0x20];
	[tilespmem:v58+s31+$0x0] =	vst.idx.msk $0xffff, v31  }
0x480: {  	v33 =	vor.u32 s5, v4;
	[tilespmem:v11+s31+$0x0] =	vst.idx.msk $0xffff, v8;
	v34 =	vshll.u32 v60, $0x10  }
0x481: {  	v35 =	vor.u32 s5, v5;
	v36 =	vld [tilespmem:s20+$0xFFFFFFA0];
	v13 =	vand.u32 $0xFFFF0000, v60;
	[tilespmem:v62+s31+$0x0] =	vst.idx.msk $0xffff, v34  }
0x482: {  	v37 =	vor.u32 s22, v4;
	v38 =	vshll.u32 v22, $0x10;
	[tilespmem:v63+s31+$0x0] =	vst.idx.msk $0xffff, v13  }
0x483: {  	v39 =	vor.u32 s22, v5;
	v40 =	vand.u32 $0xFFFF0000, v22;
	[tilespmem:v28+s31+$0x0] =	vst.idx.msk $0xffff, v38;
	v41 =	vld [tilespmem:s20+$0x70]  }
0x484: {  	v43 =	vor.u32 s21, v6;
	v42 =	vshll.u32 v32, $0x10;
	[tilespmem:v30+s31+$0x0] =	vst.idx.msk $0xffff, v40  }
0x485: {  	v44 =	vor.u32 s21, v7;
	v16 =	vand.u32 $0xFFFF0000, v32;
	[tilespmem:v33+s31+$0x0] =	vst.idx.msk $0xffff, v42;
	v21 =	vld [tilespmem:s20+$0xFFFFFFF0]  }
0x486: {  	v45 =	vor.u32 s6, v6;
	v46 =	vshll.u32 v36, $0x10;
	[tilespmem:v35+s31+$0x0] =	vst.idx.msk $0xffff, v16  }
0x487: {  	v47 =	vor.u32 s6, v7;
	v48 =	vand.u32 $0xFFFF0000, v36;
	[tilespmem:v37+s31+$0x0] =	vst.idx.msk $0xffff, v46;
	v52 =	vld [tilespmem:s20+$0x30]  }
0x488: {  	v55 =	vor.u32 s5, v6;
	[tilespmem:v39+s31+$0x0] =	vst.idx.msk $0xffff, v48;
	v49 =	vshll.u32 v41, $0x10  }
0x489: {  	v57 =	vor.u32 s5, v7;
	v58 =	vld [tilespmem:s20+$0xFFFFFFB0];
	v50 =	vand.u32 $0xFFFF0000, v41;
	[tilespmem:v43+s31+$0x0] =	vst.idx.msk $0xffff, v49  }
0x48a: {  	v60 =	vor.u32 s22, v6;
	v51 =	vshll.u32 v21, $0x10;
	[tilespmem:v44+s31+$0x0] =	vst.idx.msk $0xffff, v50  }
0x48b: {  	v61 =	vor.u32 s22, v7;
	v53 =	vand.u32 $0xFFFF0000, v21;
	[tilespmem:v45+s31+$0x0] =	vst.idx.msk $0xffff, v51  }
0x48c: {  	v8 =	vshll.u32 v52, $0x10;
	[tilespmem:v47+s31+$0x0] =	vst.idx.msk $0xffff, v53  }
0x48d: {  	v62 =	vand.u32 $0xFFFF0000, v52;
	[tilespmem:v55+s31+$0x0] =	vst.idx.msk $0xffff, v8  }
0x48e: {  	v8 =	vshll.u32 v58, $0x10;
	[tilespmem:v57+s31+$0x0] =	vst.idx.msk $0xffff, v62  }
0x48f: {  	v63 =	vand.u32 $0xFFFF0000, v58;
	[tilespmem:v60+s31+$0x0] =	vst.idx.msk $0xffff, v8  }
0x490: {  	[tilespmem:v61+s31+$0x0] =	vst.idx.msk $0xffff, v63  }
0x491: {  	[hbm4b:s13+s2] =	stream.linear.scatter [tilespmem:s31], [sflag:$0x8], $0x4000, $0x38;
	[tilespmem:$0x18200] =	vst v63  }
0x492: {  	_ =	swait.ge [sflag:s0], $0x4000  }
0x493: {  	[sflag:s0] =	ssyncset.done $0x0  }
0x494: {  	[sflag:s0] =	ssyncadd.s32 $0xFFFFC000  }
0x495: {  	_ =	swait.ge [sflag:s1], $0x4000  }
0x496: {  	[sflag:s1] =	ssyncset.done $0x0  }
0x497: {  	s19 =	sadd.s32 $0x1, s19;
	[sflag:s1] =	ssyncadd.s32 $0xFFFFC000  }
0x498: {  	p0 =	sne.s32 s19, s14;
	_ =	swait.ge [sflag:s17], $0x4000  }
.Ltmp8:
0x499: {  	[sflag:s17] =	ssyncset.done $0x0;
	(pc) =	sbr.rel @p0 .LBB2_1-.Ltmp8, $4  }
0x49a: {  	[sflag:s17] =	ssyncadd.s32 $0xFFFFC000  }
0x49b: {  	_ =	swait.ge [sflag:s18], $0x4000  }
0x49c: {  	[sflag:s18] =	ssyncset.done $0x0  }
0x49d: {  	[sflag:s18] =	ssyncadd.s32 $0xFFFFC000  }
0x49e: {  	_ =	sfence.sel $0x180000  }
0x49f: {  	[bflag:$0x0] =	sbarrier.arrive $0xFFFF  }
0x4a0: {  	_ =	strace $0x90000047  }
0x4a1: {  	s0 =	stileid.u32;
	[bflag:$0x2] =	sbarrier.arrive $0xFFFF  }
0x4a2: {  	p0 =	sne.s32 s0, $0x0;
	s0 =	rddreg [dreg:$0x3]  }
0x4a3: {  	s0 =	sadd.s32 @!p0 $0x100000, s0  }
0x4a4: {  	[sflag:s0] =	ssyncadd.tile.s32 @!p0 $0x1;
	_ =	shalt  }
.Lfunc_end2:
_tile_overlayer_lowered:
.L_overlay_start_2:
0x4a5: {  	(tag) =	ssettag $0x2  }
0x4a6: {  	s0 =	rddreg [dreg:$0x0];
	s2 =	stileid.u32  }
0x4a7: {  	s1 =	rddreg [dreg:$0x1];
	p0 =	sne.s32 s2, $0x0  }
0x4a8: {  	s3 =	rddreg [dreg:$0x2];
	[bflag:$0x3] =	sbarrier.arrive $0xFFFF;
	s2 =	simm.s32 @!p0 $0x1C09  }
0x4a9: {  	[timem:s3], [sflag:s2] =	dma.local @!p0 [hbm:s0], s1  }
0x4aa: {  	s0 =	simm.s32 @!p0 $0x9  }
0x4ab: {  	_ =	swait.ge @!p0 [sflag:s0], s1  }
0x4ac: {  	s1 =	ssub.s32 @!p0 $0x0, s1;
	[sflag:s0] =	ssyncset.done @!p0 $0x0  }
0x4ad: {  	[sflag:s0] =	ssyncadd.s32 @!p0 s1  }
0x4ae: {  	[bflag:$0x3] =	sbarrier.arrive $0xFFFF  }
0x4af: {  	_ =	shalt  }

</sc_bundles>
